<compile_context>
chip_gen: v7x
topology: tpu7x:2x2x1
jax: 0.10.2.dev20260603
libtpu: 0.0.44.dev20260713+nightly
codegen_flags: <defaults>
</compile_context>

<pallas_src>
import functools

import jax
import jax.numpy as jnp
from jax import lax
from jax.experimental import pallas as pl
from jax.experimental.pallas import tpu as pltpu
from jax.experimental.pallas import tpu_sc as plsc

N = 10000
NPAD = 10240
E = 320000
F_IN = 128
H1 = 128
H2 = 64
C = 10

NC = 2
NS = 16
NW = NC * NS
EPB = 128
NB = 80
NBP = NB
EPW = EPB * NB
RPT = NPAD // NS

_ZERO16 = None


def _mesh():
    return plsc.VectorSubcoreMesh(
        core_axis_name="c", subcore_axis_name="s",
        num_cores=NC, num_subcores=NS)


def _deg_sc(edges):

    def body(edges_hbm, out_hbm, sidx, didx, ones, zbuf, stage, degs, degd):
        c = lax.axis_index("c")
        s = lax.axis_index("s")
        wid = s * NC + c
        one16 = jnp.ones((16,), jnp.float32)
        zero16 = jnp.zeros((16,), jnp.float32)
        for i in range(EPB // 16):
            ones[pl.ds(i * 16, 16)] = one16
        for i in range(RPT // 16):
            zbuf[pl.ds(i * 16, 16)] = zero16
        base = s * RPT
        pltpu.sync_copy(zbuf, degs.at[pl.ds(base, RPT)])
        pltpu.sync_copy(zbuf, degd.at[pl.ds(base, RPT)])
        plsc.subcore_barrier()
        pltpu.sync_copy(edges_hbm.at[0, wid], sidx)
        pltpu.sync_copy(edges_hbm.at[1, wid], didx)

        def step(j, carry):
            pltpu.sync_copy(ones, degs.at[sidx.at[j]], add=True)
            pltpu.sync_copy(ones, degd.at[didx.at[j]], add=True)
            return carry

        lax.fori_loop(0, NBP, step, 0)
        plsc.subcore_barrier()
        pltpu.sync_copy(degs.at[pl.ds(base, RPT)], stage)
        pltpu.sync_copy(stage, out_hbm.at[c, 0, pl.ds(base, RPT)])
        pltpu.sync_copy(degd.at[pl.ds(base, RPT)], stage)
        pltpu.sync_copy(stage, out_hbm.at[c, 1, pl.ds(base, RPT)])

    fn = pl.kernel(
        body,
        out_type=jax.ShapeDtypeStruct((NC, 2, NPAD), jnp.float32),
        mesh=_mesh(),
        compiler_params=pltpu.CompilerParams(use_tc_tiling_on_sc=False),
        scratch_types=[
            pltpu.VMEM((NBP, EPB), jnp.int32),
            pltpu.VMEM((NBP, EPB), jnp.int32),
            pltpu.VMEM((EPB,), jnp.float32),
            pltpu.VMEM((RPT,), jnp.float32),
            pltpu.VMEM((RPT,), jnp.float32),
            pltpu.VMEM_SHARED((NPAD,), jnp.float32),
            pltpu.VMEM_SHARED((NPAD,), jnp.float32),
        ],
    )
    return fn(edges)


def _agg_sc(y, edges, feat, staged):

    def body(y_hbm, edges_hbm, out_hbm, sidx, didx, rows, zbuf, agg,
             *maybe_ytab):
        c = lax.axis_index("c")
        s = lax.axis_index("s")
        wid = s * NC + c
        zero16 = jnp.zeros((16,), jnp.float32)
        for i in range(16):
            for j in range(feat // 16):
                zbuf[i, pl.ds(j * 16, 16)] = zero16
        base = s * RPT

        def zstep(k, carry):
            pltpu.sync_copy(zbuf, agg.at[pl.ds(base + k * 16, 16)])
            return carry

        lax.fori_loop(0, RPT // 16, zstep, 0)
        if staged:
            ytab = maybe_ytab[0]

            def ystep(k, carry):
                pltpu.sync_copy(y_hbm.at[pl.ds(base + k * EPB, EPB)], rows)
                pltpu.sync_copy(rows, ytab.at[pl.ds(base + k * EPB, EPB)])
                return carry

            lax.fori_loop(0, RPT // EPB, ystep, 0)
            src_tab = ytab
        else:
            src_tab = y_hbm
        plsc.subcore_barrier()
        pltpu.sync_copy(edges_hbm.at[0, wid, pl.ds(0, NB)], sidx)
        pltpu.sync_copy(edges_hbm.at[1, wid, pl.ds(0, NB)], didx)

        def step(j, carry):
            pltpu.sync_copy(src_tab.at[sidx.at[j]], rows)
            pltpu.sync_copy(rows, agg.at[didx.at[j]], add=True)
            return carry

        lax.fori_loop(0, NB, step, 0)
        plsc.subcore_barrier()

        def ostep(k, carry):
            pltpu.sync_copy(agg.at[pl.ds(base + k * EPB, EPB)], rows)
            pltpu.sync_copy(rows, out_hbm.at[c, pl.ds(base + k * EPB, EPB)])
            return carry

        lax.fori_loop(0, RPT // EPB, ostep, 0)

    fn = pl.kernel(
        body,
        out_type=jax.ShapeDtypeStruct((NC, NPAD, feat), jnp.float32),
        mesh=_mesh(),
        compiler_params=pltpu.CompilerParams(use_tc_tiling_on_sc=False),
        scratch_types=[
            pltpu.VMEM((NB, EPB), jnp.int32),
            pltpu.VMEM((NB, EPB), jnp.int32),
            pltpu.VMEM((EPB, feat), jnp.float32),
            pltpu.VMEM((16, feat), jnp.float32),
            pltpu.VMEM_SHARED((NPAD, feat), jnp.float32),
        ] + ([pltpu.VMEM_SHARED((NPAD, feat), jnp.float32)] if staged else []),
    )
    return fn(y, edges)


def _agg2x_sc(ya, yb, edges):
    feat = H1 // 2

    def body(ya_hbm, yb_hbm, edges_hbm, outa_hbm, outb_hbm,
             sidx, didx, rows, zbuf, ytab, agg):
        c = lax.axis_index("c")
        s = lax.axis_index("s")
        wid = s * NC + c
        zero16 = jnp.zeros((16,), jnp.float32)
        for i in range(16):
            for j in range(feat // 16):
                zbuf[i, pl.ds(j * 16, 16)] = zero16
        base = s * RPT
        pltpu.sync_copy(edges_hbm.at[0, wid, pl.ds(0, NB)], sidx)
        pltpu.sync_copy(edges_hbm.at[1, wid, pl.ds(0, NB)], didx)

        for y_hbm, out_hbm in ((ya_hbm, outa_hbm), (yb_hbm, outb_hbm)):
            def zstep(k, carry):
                pltpu.sync_copy(zbuf, agg.at[pl.ds(base + k * 16, 16)])
                return carry

            lax.fori_loop(0, RPT // 16, zstep, 0)

            def ystep(k, carry):
                pltpu.sync_copy(y_hbm.at[pl.ds(base + k * EPB, EPB)], rows)
                pltpu.sync_copy(rows, ytab.at[pl.ds(base + k * EPB, EPB)])
                return carry

            lax.fori_loop(0, RPT // EPB, ystep, 0)
            plsc.subcore_barrier()

            def step(j, carry):
                pltpu.sync_copy(ytab.at[sidx.at[j]], rows)
                pltpu.sync_copy(rows, agg.at[didx.at[j]], add=True)
                return carry

            lax.fori_loop(0, NB, step, 0)
            plsc.subcore_barrier()

            def ostep(k, carry):
                pltpu.sync_copy(agg.at[pl.ds(base + k * EPB, EPB)], rows)
                pltpu.sync_copy(rows, out_hbm.at[c, pl.ds(base + k * EPB, EPB)])
                return carry

            lax.fori_loop(0, RPT // EPB, ostep, 0)

    fn = pl.kernel(
        body,
        out_type=(jax.ShapeDtypeStruct((NC, NPAD, feat), jnp.float32),
                  jax.ShapeDtypeStruct((NC, NPAD, feat), jnp.float32)),
        mesh=_mesh(),
        compiler_params=pltpu.CompilerParams(use_tc_tiling_on_sc=False),
        scratch_types=[
            pltpu.VMEM((NB, EPB), jnp.int32),
            pltpu.VMEM((NB, EPB), jnp.int32),
            pltpu.VMEM((EPB, feat), jnp.float32),
            pltpu.VMEM((16, feat), jnp.float32),
            pltpu.VMEM_SHARED((NPAD, feat), jnp.float32),
            pltpu.VMEM_SHARED((NPAD, feat), jnp.float32),
        ],
    )
    return fn(ya, yb, edges)


def _invs_tc(degp):

    def body(d_ref, o_ref):
        deg = d_ref[0] + d_ref[1]
        o_ref[...] = lax.rsqrt(jnp.maximum(deg, 1.0))

    return pl.pallas_call(
        body,
        out_shape=jax.ShapeDtypeStruct((2, NPAD), jnp.float32),
    )(degp)


def _xw_scale_tc(xp, w, io_col):
    K = xp.shape[1]
    M = w.shape[1]
    MH = M // 2
    B = 1024

    def body(x_ref, w_ref, io_ref, o1_ref, o2_ref):
        xw = jnp.dot(x_ref[...], w_ref[...], preferred_element_type=jnp.float32)
        y = xw * io_ref[...]
        o1_ref[...] = y[:, :MH]
        o2_ref[...] = y[:, MH:]

    return pl.pallas_call(
        body,
        grid=(NPAD // B,),
        in_specs=[
            pl.BlockSpec((B, K), lambda i: (i, 0)),
            pl.BlockSpec((K, M), lambda i: (0, 0)),
            pl.BlockSpec((B, 1), lambda i: (i, 0)),
        ],
        out_specs=[
            pl.BlockSpec((B, MH), lambda i: (i, 0)),
            pl.BlockSpec((B, MH), lambda i: (i, 0)),
        ],
        out_shape=[
            jax.ShapeDtypeStruct((NPAD, MH), jnp.float32),
            jax.ShapeDtypeStruct((NPAD, MH), jnp.float32),
        ],
    )(xp, w, io_col)


def _layer2_tc(aggp_a, aggp_b, ii_col, io_col, b1r, w2, dep):
    B = 1024

    def body(aa_ref, ab_ref, ii_ref, io_ref, b_ref, w_ref, dep_ref, o_ref):
        i = pl.program_id(0)
        ii = ii_ref[...]
        ha = jnp.maximum(
            (aa_ref[0] + aa_ref[1]) * ii + b_ref[:, :H1 // 2], 0.0)
        hb = jnp.maximum(
            (ab_ref[0] + ab_ref[1]) * ii + b_ref[:, H1 // 2:], 0.0)
        y = (jnp.dot(ha, w_ref[:H1 // 2], preferred_element_type=jnp.float32)
             + jnp.dot(hb, w_ref[H1 // 2:], preferred_element_type=jnp.float32))
        y = y * io_ref[...]
        rid = i * B + lax.broadcasted_iota(jnp.int32, (B, 1), 0)
        o_ref[...] = jnp.where(rid < N, y, 0.0)

    return pl.pallas_call(
        body,
        grid=(NPAD // B,),
        in_specs=[
            pl.BlockSpec((NC, B, H1 // 2), lambda i: (0, i, 0)),
            pl.BlockSpec((NC, B, H1 // 2), lambda i: (0, i, 0)),
            pl.BlockSpec((B, 1), lambda i: (i, 0)),
            pl.BlockSpec((B, 1), lambda i: (i, 0)),
            pl.BlockSpec((1, H1), lambda i: (0, 0)),
            pl.BlockSpec((H1, H2), lambda i: (0, 0)),
            pl.BlockSpec((8, 128), lambda i: (0, 0)),
        ],
        out_specs=pl.BlockSpec((B, H2), lambda i: (i, 0)),
        out_shape=jax.ShapeDtypeStruct((NPAD, H2), jnp.float32),
    )(aggp_a, aggp_b, ii_col, io_col, b1r, w2, dep)


def _h2_tc(aggp, ii_col, b2r):
    B = 1000

    def body(a_ref, ii_ref, b_ref, o_ref):
        a = a_ref[0] + a_ref[1]
        o_ref[...] = jnp.maximum(a * ii_ref[...] + b_ref[...], 0.0)

    return pl.pallas_call(
        body,
        grid=(N // B,),
        in_specs=[
            pl.BlockSpec((NC, B, H2), lambda i: (0, i, 0)),
            pl.BlockSpec((B, 1), lambda i: (i, 0)),
            pl.BlockSpec((1, H2), lambda i: (0, 0)),
        ],
        out_specs=pl.BlockSpec((B, H2), lambda i: (i, 0)),
        out_shape=jax.ShapeDtypeStruct((N, H2), jnp.float32),
    )(aggp, ii_col, b2r)


def _readout_tc(h2, w3b, b3r):
    B = 1000
    W = H2 * C

    def body(h_ref, w_ref, b_ref, o_ref):
        i = pl.program_id(0)
        m = lax.dot_general(h_ref[...], w_ref[...], (((0,), (0,)), ((), ())),
                            preferred_element_type=jnp.float32)
        k_iota = lax.broadcasted_iota(jnp.int32, (H2, W), 1)
        f_iota = lax.broadcasted_iota(jnp.int32, (H2, W), 0)
        stripe = k_iota - C * f_iota
        parts = [
            jnp.sum(jnp.where(stripe == c, m, 0.0), dtype=jnp.float32)
            for c in range(C)
        ]
        part = jnp.stack(parts).reshape(1, C)

        @pl.when(i == 0)
        def _():
            o_ref[...] = b_ref[...] + part

        @pl.when(i > 0)
        def _():
            o_ref[...] += part

    return pl.pallas_call(
        body,
        grid=(N // B,),
        in_specs=[
            pl.BlockSpec((B, H2), lambda i: (i, 0)),
            pl.BlockSpec((B, W), lambda i: (i, 0)),
            pl.BlockSpec((1, C), lambda i: (0, 0)),
        ],
        out_specs=pl.BlockSpec((1, C), lambda i: (0, 0)),
        out_shape=jax.ShapeDtypeStruct((1, C), jnp.float32),
    )(h2, w3b, b3r)


def kernel(inputs, edge_index, W1, b1, W2, b2, W3, b3):
    pad = NW * EPW - E
    src = jnp.concatenate(
        [edge_index[0], jnp.full((pad,), N, jnp.int32)]).reshape(NW, NB, EPB)
    dst = jnp.concatenate(
        [edge_index[1], jnp.full((pad,), N, jnp.int32)]).reshape(NW, NB, EPB)
    edges = jnp.stack([src, dst])

    degp = _deg_sc(edges)
    invs = _invs_tc(degp)
    io_col = invs[0][:, None]
    ii_col = invs[1][:, None]

    xp = jnp.concatenate(
        [inputs, jnp.zeros((NPAD - N, F_IN), jnp.float32)], axis=0)
    y1a, y1b = _xw_scale_tc(xp, W1, io_col)
    aggp1a, aggp1b = _agg2x_sc(y1a, y1b, edges)
    w3b = W3.reshape(N, H2 * C)
    y2 = _layer2_tc(aggp1a, aggp1b, ii_col, io_col, b1[None], W2, w3b)
    aggp2 = _agg_sc(y2, edges, H2, staged=True)
    h2 = _h2_tc(aggp2, ii_col, b2[None])
    out = _readout_tc(h2, w3b, b3[None])
    return out.reshape(C)

# --- scband reference (transcript-rebuilt; emitter-appended) ---
"""Pipeline reference for scband-gcn-86474871538385 (READ-ONLY COPY).

The authoritative reference and input builder live on the scoring server;
editing this copy changes nothing except your own understanding.
"""

import jax, jax.numpy as jnp
import numpy as np

N = 10000
E = 320000
F_IN = 128
H1 = 128
H2 = 64
C = 10


def setup_inputs(seed: int = 0) -> dict:
    key = jax.random.key(seed)
    ks = jax.random.split(key, 8)
    inputs = jax.random.normal(ks[0], (N, F_IN), dtype=jnp.float32)
    edge_index = jax.random.randint(ks[1], (2, E), 0, N, dtype=jnp.int32)
    W1 = jax.random.normal(ks[2], (F_IN, H1), dtype=jnp.float32) * (1.0 / np.sqrt(F_IN))
    b1 = jnp.zeros((H1,), dtype=jnp.float32)
    W2 = jax.random.normal(ks[3], (H1, H2), dtype=jnp.float32) * (1.0 / np.sqrt(H1))
    b2 = jnp.zeros((H2,), dtype=jnp.float32)
    # NOTE: original module hardcodes Linear(5*num_hidden1, num_classes) for a toy
    # 5-node graph; at production scale the flatten produces N*num_hidden1 features,
    # so the readout weight is sized [N*H2, C].
    W3 = jax.random.normal(ks[4], (N * H2, C), dtype=jnp.float32) * (1.0 / np.sqrt(N * H2))
    b3 = jnp.zeros((C,), dtype=jnp.float32)
    return {"inputs": inputs, "edge_index": edge_index, "W1": W1, "b1": b1,
            "W2": W2, "b2": b2, "W3": W3, "b3": b3}


def _graph_conv(x, W, b, src, dst, inv_sqrt_out, inv_sqrt_in):
    # DGL GraphConv with norm='both': D_in^{-1/2} A D_out^{-1/2} X W + b
    xw = x @ W
    msgs = xw[src] * inv_sqrt_out[src][:, None]
    agg = jax.ops.segment_sum(msgs, dst, num_segments=N)
    return agg * inv_sqrt_in[:, None] + b


def reference(inputs, edge_index, W1, b1, W2, b2, W3, b3):
    src = edge_index[0]
    dst = edge_index[1]
    deg_out = jnp.bincount(src, length=N).astype(jnp.float32)
    deg_in = jnp.bincount(dst, length=N).astype(jnp.float32)
    inv_sqrt_out = jax.lax.rsqrt(jnp.maximum(deg_out, 1.0))
    inv_sqrt_in = jax.lax.rsqrt(jnp.maximum(deg_in, 1.0))
    h = jax.nn.relu(_graph_conv(inputs, W1, b1, src, dst, inv_sqrt_out, inv_sqrt_in))
    h = jax.nn.relu(_graph_conv(h, W2, b2, src, dst, inv_sqrt_out, inv_sqrt_in))
    h = h.reshape(-1)
    return h @ W3 + b3

if __name__ == "__main__":
    import jax
    _d = setup_inputs()
    print(jax.jit(kernel)(*tuple(_d.values())))

</pallas_src>

<mosaic_0001>
#map = affine_map<(d0, d1) -> (0, 0)>
#map1 = affine_map<(d0, d1) -> (0, 0, 0, 0)>
#map2 = affine_map<(d0, d1) -> (0, 0, 0)>
module attributes {stable_mosaic.version = 14 : i64} {
  func.func @body(%arg0: i32, %arg1: i32, %arg2: memref<10240x64xf32, #tpu.memory_space<hbm>>, %arg3: memref<2x32x80x128xi32, #tpu.memory_space<hbm>>, %arg4: memref<2x10240x64xf32, #tpu.memory_space<hbm>>, %arg5: memref<80x128xi32, #tpu.memory_space<vmem>>, %arg6: memref<80x128xi32, #tpu.memory_space<vmem>>, %arg7: memref<128x64xf32, #tpu.memory_space<vmem>>, %arg8: memref<16x64xf32, #tpu.memory_space<vmem>>, %arg9: memref<10240x64xf32, #tpu.memory_space<vmem_shared>>, %arg10: memref<10240x64xf32, #tpu.memory_space<vmem_shared>>) attributes {dimension_semantics = [#tpu.dimension_semantics<core_parallel>, #tpu.dimension_semantics<subcore_parallel>], iteration_bounds = array<i64: 2, 16>, scalar_prefetch = 0 : i64, scratch_operands = 6 : i64, tpu.core_type = #tpu.core_type<sc_vector_subcore>, window_params = [{transform_indices = #map}, {transform_indices = #map1}, {transform_indices = #map2}]} {
    %mul3A = arith.constant 2 : i32
    %mul3A_0 = arith.muli %arg1, %mul3A : i32
    %add3A = arith.addi %mul3A_0, %arg0 : i32
    %broadcast_in_dim3A = arith.constant 0.000000e+00 : f32
    %broadcast_in_dim3A_1 = vector.broadcast %broadcast_in_dim3A : f32 to vector<16xf32>
    %swap3A = arith.constant 0 : i32
    %swap3A_2 = arith.index_cast %swap3A : i32 to index
    %swap3A_3 = arith.constant 0 : index
    %swap3A_4 = tpu.vector_load %arg8[%swap3A_2, %swap3A_3] {strides = array<i32>} : memref<16x64xf32, #tpu.memory_space<vmem>>, vector<1x16xf32>,
    %swap3A_5 = vector.shape_cast %swap3A_4 : vector<1x16xf32> to vector<16xf32>
    %swap3A_6 = vector.shape_cast %broadcast_in_dim3A_1 : vector<16xf32> to vector<1x16xf32>
    tpu.vector_store %arg8[%swap3A_2, %swap3A_3], %swap3A_6 {strides = array<i32>} : memref<16x64xf32, #tpu.memory_space<vmem>>, vector<1x16xf32>,
    %swap3A_7 = arith.constant 0 : i32
    %swap3A_8 = arith.index_cast %swap3A_7 : i32 to index
    %swap3A_9 = arith.constant 16 : index
    %swap3A_10 = tpu.vector_load %arg8[%swap3A_8, %swap3A_9] {strides = array<i32>} : memref<16x64xf32, #tpu.memory_space<vmem>>, vector<1x16xf32>,
    %swap3A_11 = vector.shape_cast %swap3A_10 : vector<1x16xf32> to vector<16xf32>
    %swap3A_12 = vector.shape_cast %broadcast_in_dim3A_1 : vector<16xf32> to vector<1x16xf32>
    tpu.vector_store %arg8[%swap3A_8, %swap3A_9], %swap3A_12 {strides = array<i32>} : memref<16x64xf32, #tpu.memory_space<vmem>>, vector<1x16xf32>,
    %swap3A_13 = arith.constant 0 : i32
    %swap3A_14 = arith.index_cast %swap3A_13 : i32 to index
    %swap3A_15 = arith.constant 32 : index
    %swap3A_16 = tpu.vector_load %arg8[%swap3A_14, %swap3A_15] {strides = array<i32>} : memref<16x64xf32, #tpu.memory_space<vmem>>, vector<1x16xf32>,
    %swap3A_17 = vector.shape_cast %swap3A_16 : vector<1x16xf32> to vector<16xf32>
    %swap3A_18 = vector.shape_cast %broadcast_in_dim3A_1 : vector<16xf32> to vector<1x16xf32>
    tpu.vector_store %arg8[%swap3A_14, %swap3A_15], %swap3A_18 {strides = array<i32>} : memref<16x64xf32, #tpu.memory_space<vmem>>, vector<1x16xf32>,
    %swap3A_19 = arith.constant 0 : i32
    %swap3A_20 = arith.index_cast %swap3A_19 : i32 to index
    %swap3A_21 = arith.constant 48 : index
    %swap3A_22 = tpu.vector_load %arg8[%swap3A_20, %swap3A_21] {strides = array<i32>} : memref<16x64xf32, #tpu.memory_space<vmem>>, vector<1x16xf32>,
    %swap3A_23 = vector.shape_cast %swap3A_22 : vector<1x16xf32> to vector<16xf32>
    %swap3A_24 = vector.shape_cast %broadcast_in_dim3A_1 : vector<16xf32> to vector<1x16xf32>
    tpu.vector_store %arg8[%swap3A_20, %swap3A_21], %swap3A_24 {strides = array<i32>} : memref<16x64xf32, #tpu.memory_space<vmem>>, vector<1x16xf32>,
    %swap3A_25 = arith.constant 1 : i32
    %swap3A_26 = arith.index_cast %swap3A_25 : i32 to index
    %swap3A_27 = arith.constant 0 : index
    %swap3A_28 = tpu.vector_load %arg8[%swap3A_26, %swap3A_27] {strides = array<i32>} : memref<16x64xf32, #tpu.memory_space<vmem>>, vector<1x16xf32>,
    %swap3A_29 = vector.shape_cast %swap3A_28 : vector<1x16xf32> to vector<16xf32>
    %swap3A_30 = vector.shape_cast %broadcast_in_dim3A_1 : vector<16xf32> to vector<1x16xf32>
    tpu.vector_store %arg8[%swap3A_26, %swap3A_27], %swap3A_30 {strides = array<i32>} : memref<16x64xf32, #tpu.memory_space<vmem>>, vector<1x16xf32>,
    %swap3A_31 = arith.constant 1 : i32
    %swap3A_32 = arith.index_cast %swap3A_31 : i32 to index
    %swap3A_33 = arith.constant 16 : index
    %swap3A_34 = tpu.vector_load %arg8[%swap3A_32, %swap3A_33] {strides = array<i32>} : memref<16x64xf32, #tpu.memory_space<vmem>>, vector<1x16xf32>,
    %swap3A_35 = vector.shape_cast %swap3A_34 : vector<1x16xf32> to vector<16xf32>
    %swap3A_36 = vector.shape_cast %broadcast_in_dim3A_1 : vector<16xf32> to vector<1x16xf32>
    tpu.vector_store %arg8[%swap3A_32, %swap3A_33], %swap3A_36 {strides = array<i32>} : memref<16x64xf32, #tpu.memory_space<vmem>>, vector<1x16xf32>,
    %swap3A_37 = arith.constant 1 : i32
    %swap3A_38 = arith.index_cast %swap3A_37 : i32 to index
    %swap3A_39 = arith.constant 32 : index
    %swap3A_40 = tpu.vector_load %arg8[%swap3A_38, %swap3A_39] {strides = array<i32>} : memref<16x64xf32, #tpu.memory_space<vmem>>, vector<1x16xf32>,
    %swap3A_41 = vector.shape_cast %swap3A_40 : vector<1x16xf32> to vector<16xf32>
    %swap3A_42 = vector.shape_cast %broadcast_in_dim3A_1 : vector<16xf32> to vector<1x16xf32>
    tpu.vector_store %arg8[%swap3A_38, %swap3A_39], %swap3A_42 {strides = array<i32>} : memref<16x64xf32, #tpu.memory_space<vmem>>, vector<1x16xf32>,
    %swap3A_43 = arith.constant 1 : i32
    %swap3A_44 = arith.index_cast %swap3A_43 : i32 to index
    %swap3A_45 = arith.constant 48 : index
    %swap3A_46 = tpu.vector_load %arg8[%swap3A_44, %swap3A_45] {strides = array<i32>} : memref<16x64xf32, #tpu.memory_space<vmem>>, vector<1x16xf32>,
    %swap3A_47 = vector.shape_cast %swap3A_46 : vector<1x16xf32> to vector<16xf32>
    %swap3A_48 = vector.shape_cast %broadcast_in_dim3A_1 : vector<16xf32> to vector<1x16xf32>
    tpu.vector_store %arg8[%swap3A_44, %swap3A_45], %swap3A_48 {strides = array<i32>} : memref<16x64xf32, #tpu.memory_space<vmem>>, vector<1x16xf32>,
    %swap3A_49 = arith.constant 2 : i32
    %swap3A_50 = arith.index_cast %swap3A_49 : i32 to index
    %swap3A_51 = arith.constant 0 : index
    %swap3A_52 = tpu.vector_load %arg8[%swap3A_50, %swap3A_51] {strides = array<i32>} : memref<16x64xf32, #tpu.memory_space<vmem>>, vector<1x16xf32>,
    %swap3A_53 = vector.shape_cast %swap3A_52 : vector<1x16xf32> to vector<16xf32>
    %swap3A_54 = vector.shape_cast %broadcast_in_dim3A_1 : vector<16xf32> to vector<1x16xf32>
    tpu.vector_store %arg8[%swap3A_50, %swap3A_51], %swap3A_54 {strides = array<i32>} : memref<16x64xf32, #tpu.memory_space<vmem>>, vector<1x16xf32>,
    %swap3A_55 = arith.constant 2 : i32
    %swap3A_56 = arith.index_cast %swap3A_55 : i32 to index
    %swap3A_57 = arith.constant 16 : index
    %swap3A_58 = tpu.vector_load %arg8[%swap3A_56, %swap3A_57] {strides = array<i32>} : memref<16x64xf32, #tpu.memory_space<vmem>>, vector<1x16xf32>,
    %swap3A_59 = vector.shape_cast %swap3A_58 : vector<1x16xf32> to vector<16xf32>
    %swap3A_60 = vector.shape_cast %broadcast_in_dim3A_1 : vector<16xf32> to vector<1x16xf32>
    tpu.vector_store %arg8[%swap3A_56, %swap3A_57], %swap3A_60 {strides = array<i32>} : memref<16x64xf32, #tpu.memory_space<vmem>>, vector<1x16xf32>,
    %swap3A_61 = arith.constant 2 : i32
    %swap3A_62 = arith.index_cast %swap3A_61 : i32 to index
    %swap3A_63 = arith.constant 32 : index
    %swap3A_64 = tpu.vector_load %arg8[%swap3A_62, %swap3A_63] {strides = array<i32>} : memref<16x64xf32, #tpu.memory_space<vmem>>, vector<1x16xf32>,
    %swap3A_65 = vector.shape_cast %swap3A_64 : vector<1x16xf32> to vector<16xf32>
    %swap3A_66 = vector.shape_cast %broadcast_in_dim3A_1 : vector<16xf32> to vector<1x16xf32>
    tpu.vector_store %arg8[%swap3A_62, %swap3A_63], %swap3A_66 {strides = array<i32>} : memref<16x64xf32, #tpu.memory_space<vmem>>, vector<1x16xf32>,
    %swap3A_67 = arith.constant 2 : i32
    %swap3A_68 = arith.index_cast %swap3A_67 : i32 to index
    %swap3A_69 = arith.constant 48 : index
    %swap3A_70 = tpu.vector_load %arg8[%swap3A_68, %swap3A_69] {strides = array<i32>} : memref<16x64xf32, #tpu.memory_space<vmem>>, vector<1x16xf32>,
    %swap3A_71 = vector.shape_cast %swap3A_70 : vector<1x16xf32> to vector<16xf32>
    %swap3A_72 = vector.shape_cast %broadcast_in_dim3A_1 : vector<16xf32> to vector<1x16xf32>
    tpu.vector_store %arg8[%swap3A_68, %swap3A_69], %swap3A_72 {strides = array<i32>} : memref<16x64xf32, #tpu.memory_space<vmem>>, vector<1x16xf32>,
    %swap3A_73 = arith.constant 3 : i32
    %swap3A_74 = arith.index_cast %swap3A_73 : i32 to index
    %swap3A_75 = arith.constant 0 : index
    %swap3A_76 = tpu.vector_load %arg8[%swap3A_74, %swap3A_75] {strides = array<i32>} : memref<16x64xf32, #tpu.memory_space<vmem>>, vector<1x16xf32>,
    %swap3A_77 = vector.shape_cast %swap3A_76 : vector<1x16xf32> to vector<16xf32>
    %swap3A_78 = vector.shape_cast %broadcast_in_dim3A_1 : vector<16xf32> to vector<1x16xf32>
    tpu.vector_store %arg8[%swap3A_74, %swap3A_75], %swap3A_78 {strides = array<i32>} : memref<16x64xf32, #tpu.memory_space<vmem>>, vector<1x16xf32>,
    %swap3A_79 = arith.constant 3 : i32
    %swap3A_80 = arith.index_cast %swap3A_79 : i32 to index
    %swap3A_81 = arith.constant 16 : index
    %swap3A_82 = tpu.vector_load %arg8[%swap3A_80, %swap3A_81] {strides = array<i32>} : memref<16x64xf32, #tpu.memory_space<vmem>>, vector<1x16xf32>,
    %swap3A_83 = vector.shape_cast %swap3A_82 : vector<1x16xf32> to vector<16xf32>
    %swap3A_84 = vector.shape_cast %broadcast_in_dim3A_1 : vector<16xf32> to vector<1x16xf32>
    tpu.vector_store %arg8[%swap3A_80, %swap3A_81], %swap3A_84 {strides = array<i32>} : memref<16x64xf32, #tpu.memory_space<vmem>>, vector<1x16xf32>,
    %swap3A_85 = arith.constant 3 : i32
    %swap3A_86 = arith.index_cast %swap3A_85 : i32 to index
    %swap3A_87 = arith.constant 32 : index
    %swap3A_88 = tpu.vector_load %arg8[%swap3A_86, %swap3A_87] {strides = array<i32>} : memref<16x64xf32, #tpu.memory_space<vmem>>, vector<1x16xf32>,
    %swap3A_89 = vector.shape_cast %swap3A_88 : vector<1x16xf32> to vector<16xf32>
    %swap3A_90 = vector.shape_cast %broadcast_in_dim3A_1 : vector<16xf32> to vector<1x16xf32>
    tpu.vector_store %arg8[%swap3A_86, %swap3A_87], %swap3A_90 {strides = array<i32>} : memref<16x64xf32, #tpu.memory_space<vmem>>, vector<1x16xf32>,
    %swap3A_91 = arith.constant 3 : i32
    %swap3A_92 = arith.index_cast %swap3A_91 : i32 to index
    %swap3A_93 = arith.constant 48 : index
    %swap3A_94 = tpu.vector_load %arg8[%swap3A_92, %swap3A_93] {strides = array<i32>} : memref<16x64xf32, #tpu.memory_space<vmem>>, vector<1x16xf32>,
    %swap3A_95 = vector.shape_cast %swap3A_94 : vector<1x16xf32> to vector<16xf32>
    %swap3A_96 = vector.shape_cast %broadcast_in_dim3A_1 : vector<16xf32> to vector<1x16xf32>
    tpu.vector_store %arg8[%swap3A_92, %swap3A_93], %swap3A_96 {strides = array<i32>} : memref<16x64xf32, #tpu.memory_space<vmem>>, vector<1x16xf32>,
    %swap3A_97 = arith.constant 4 : i32
    %swap3A_98 = arith.index_cast %swap3A_97 : i32 to index
    %swap3A_99 = arith.constant 0 : index
    %swap3A_100 = tpu.vector_load %arg8[%swap3A_98, %swap3A_99] {strides = array<i32>} : memref<16x64xf32, #tpu.memory_space<vmem>>, vector<1x16xf32>,
    %swap3A_101 = vector.shape_cast %swap3A_100 : vector<1x16xf32> to vector<16xf32>
    %swap3A_102 = vector.shape_cast %broadcast_in_dim3A_1 : vector<16xf32> to vector<1x16xf32>
    tpu.vector_store %arg8[%swap3A_98, %swap3A_99], %swap3A_102 {strides = array<i32>} : memref<16x64xf32, #tpu.memory_space<vmem>>, vector<1x16xf32>,
    %swap3A_103 = arith.constant 4 : i32
    %swap3A_104 = arith.index_cast %swap3A_103 : i32 to index
    %swap3A_105 = arith.constant 16 : index
    %swap3A_106 = tpu.vector_load %arg8[%swap3A_104, %swap3A_105] {strides = array<i32>} : memref<16x64xf32, #tpu.memory_space<vmem>>, vector<1x16xf32>,
    %swap3A_107 = vector.shape_cast %swap3A_106 : vector<1x16xf32> to vector<16xf32>
    %swap3A_108 = vector.shape_cast %broadcast_in_dim3A_1 : vector<16xf32> to vector<1x16xf32>
    tpu.vector_store %arg8[%swap3A_104, %swap3A_105], %swap3A_108 {strides = array<i32>} : memref<16x64xf32, #tpu.memory_space<vmem>>, vector<1x16xf32>,
    %swap3A_109 = arith.constant 4 : i32
    %swap3A_110 = arith.index_cast %swap3A_109 : i32 to index
    %swap3A_111 = arith.constant 32 : index
    %swap3A_112 = tpu.vector_load %arg8[%swap3A_110, %swap3A_111] {strides = array<i32>} : memref<16x64xf32, #tpu.memory_space<vmem>>, vector<1x16xf32>,
    %swap3A_113 = vector.shape_cast %swap3A_112 : vector<1x16xf32> to vector<16xf32>
    %swap3A_114 = vector.shape_cast %broadcast_in_dim3A_1 : vector<16xf32> to vector<1x16xf32>
    tpu.vector_store %arg8[%swap3A_110, %swap3A_111], %swap3A_114 {strides = array<i32>} : memref<16x64xf32, #tpu.memory_space<vmem>>, vector<1x16xf32>,
    %swap3A_115 = arith.constant 4 : i32
    %swap3A_116 = arith.index_cast %swap3A_115 : i32 to index
    %swap3A_117 = arith.constant 48 : index
    %swap3A_118 = tpu.vector_load %arg8[%swap3A_116, %swap3A_117] {strides = array<i32>} : memref<16x64xf32, #tpu.memory_space<vmem>>, vector<1x16xf32>,
    %swap3A_119 = vector.shape_cast %swap3A_118 : vector<1x16xf32> to vector<16xf32>
    %swap3A_120 = vector.shape_cast %broadcast_in_dim3A_1 : vector<16xf32> to vector<1x16xf32>
    tpu.vector_store %arg8[%swap3A_116, %swap3A_117], %swap3A_120 {strides = array<i32>} : memref<16x64xf32, #tpu.memory_space<vmem>>, vector<1x16xf32>,
    %swap3A_121 = arith.constant 5 : i32
    %swap3A_122 = arith.index_cast %swap3A_121 : i32 to index
    %swap3A_123 = arith.constant 0 : index
    %swap3A_124 = tpu.vector_load %arg8[%swap3A_122, %swap3A_123] {strides = array<i32>} : memref<16x64xf32, #tpu.memory_space<vmem>>, vector<1x16xf32>,
    %swap3A_125 = vector.shape_cast %swap3A_124 : vector<1x16xf32> to vector<16xf32>
    %swap3A_126 = vector.shape_cast %broadcast_in_dim3A_1 : vector<16xf32> to vector<1x16xf32>
    tpu.vector_store %arg8[%swap3A_122, %swap3A_123], %swap3A_126 {strides = array<i32>} : memref<16x64xf32, #tpu.memory_space<vmem>>, vector<1x16xf32>,
    %swap3A_127 = arith.constant 5 : i32
    %swap3A_128 = arith.index_cast %swap3A_127 : i32 to index
    %swap3A_129 = arith.constant 16 : index
    %swap3A_130 = tpu.vector_load %arg8[%swap3A_128, %swap3A_129] {strides = array<i32>} : memref<16x64xf32, #tpu.memory_space<vmem>>, vector<1x16xf32>,
    %swap3A_131 = vector.shape_cast %swap3A_130 : vector<1x16xf32> to vector<16xf32>
    %swap3A_132 = vector.shape_cast %broadcast_in_dim3A_1 : vector<16xf32> to vector<1x16xf32>
    tpu.vector_store %arg8[%swap3A_128, %swap3A_129], %swap3A_132 {strides = array<i32>} : memref<16x64xf32, #tpu.memory_space<vmem>>, vector<1x16xf32>,
    %swap3A_133 = arith.constant 5 : i32
    %swap3A_134 = arith.index_cast %swap3A_133 : i32 to index
    %swap3A_135 = arith.constant 32 : index
    %swap3A_136 = tpu.vector_load %arg8[%swap3A_134, %swap3A_135] {strides = array<i32>} : memref<16x64xf32, #tpu.memory_space<vmem>>, vector<1x16xf32>,
    %swap3A_137 = vector.shape_cast %swap3A_136 : vector<1x16xf32> to vector<16xf32>
    %swap3A_138 = vector.shape_cast %broadcast_in_dim3A_1 : vector<16xf32> to vector<1x16xf32>
    tpu.vector_store %arg8[%swap3A_134, %swap3A_135], %swap3A_138 {strides = array<i32>} : memref<16x64xf32, #tpu.memory_space<vmem>>, vector<1x16xf32>,
    %swap3A_139 = arith.constant 5 : i32
    %swap3A_140 = arith.index_cast %swap3A_139 : i32 to index
    %swap3A_141 = arith.constant 48 : index
    %swap3A_142 = tpu.vector_load %arg8[%swap3A_140, %swap3A_141] {strides = array<i32>} : memref<16x64xf32, #tpu.memory_space<vmem>>, vector<1x16xf32>,
    %swap3A_143 = vector.shape_cast %swap3A_142 : vector<1x16xf32> to vector<16xf32>
    %swap3A_144 = vector.shape_cast %broadcast_in_dim3A_1 : vector<16xf32> to vector<1x16xf32>
    tpu.vector_store %arg8[%swap3A_140, %swap3A_141], %swap3A_144 {strides = array<i32>} : memref<16x64xf32, #tpu.memory_space<vmem>>, vector<1x16xf32>,
    %swap3A_145 = arith.constant 6 : i32
    %swap3A_146 = arith.index_cast %swap3A_145 : i32 to index
    %swap3A_147 = arith.constant 0 : index
    %swap3A_148 = tpu.vector_load %arg8[%swap3A_146, %swap3A_147] {strides = array<i32>} : memref<16x64xf32, #tpu.memory_space<vmem>>, vector<1x16xf32>,
    %swap3A_149 = vector.shape_cast %swap3A_148 : vector<1x16xf32> to vector<16xf32>
    %swap3A_150 = vector.shape_cast %broadcast_in_dim3A_1 : vector<16xf32> to vector<1x16xf32>
    tpu.vector_store %arg8[%swap3A_146, %swap3A_147], %swap3A_150 {strides = array<i32>} : memref<16x64xf32, #tpu.memory_space<vmem>>, vector<1x16xf32>,
    %swap3A_151 = arith.constant 6 : i32
    %swap3A_152 = arith.index_cast %swap3A_151 : i32 to index
    %swap3A_153 = arith.constant 16 : index
    %swap3A_154 = tpu.vector_load %arg8[%swap3A_152, %swap3A_153] {strides = array<i32>} : memref<16x64xf32, #tpu.memory_space<vmem>>, vector<1x16xf32>,
    %swap3A_155 = vector.shape_cast %swap3A_154 : vector<1x16xf32> to vector<16xf32>
    %swap3A_156 = vector.shape_cast %broadcast_in_dim3A_1 : vector<16xf32> to vector<1x16xf32>
    tpu.vector_store %arg8[%swap3A_152, %swap3A_153], %swap3A_156 {strides = array<i32>} : memref<16x64xf32, #tpu.memory_space<vmem>>, vector<1x16xf32>,
    %swap3A_157 = arith.constant 6 : i32
    %swap3A_158 = arith.index_cast %swap3A_157 : i32 to index
    %swap3A_159 = arith.constant 32 : index
    %swap3A_160 = tpu.vector_load %arg8[%swap3A_158, %swap3A_159] {strides = array<i32>} : memref<16x64xf32, #tpu.memory_space<vmem>>, vector<1x16xf32>,
    %swap3A_161 = vector.shape_cast %swap3A_160 : vector<1x16xf32> to vector<16xf32>
    %swap3A_162 = vector.shape_cast %broadcast_in_dim3A_1 : vector<16xf32> to vector<1x16xf32>
    tpu.vector_store %arg8[%swap3A_158, %swap3A_159], %swap3A_162 {strides = array<i32>} : memref<16x64xf32, #tpu.memory_space<vmem>>, vector<1x16xf32>,
    %swap3A_163 = arith.constant 6 : i32
    %swap3A_164 = arith.index_cast %swap3A_163 : i32 to index
    %swap3A_165 = arith.constant 48 : index
    %swap3A_166 = tpu.vector_load %arg8[%swap3A_164, %swap3A_165] {strides = array<i32>} : memref<16x64xf32, #tpu.memory_space<vmem>>, vector<1x16xf32>,
    %swap3A_167 = vector.shape_cast %swap3A_166 : vector<1x16xf32> to vector<16xf32>
    %swap3A_168 = vector.shape_cast %broadcast_in_dim3A_1 : vector<16xf32> to vector<1x16xf32>
    tpu.vector_store %arg8[%swap3A_164, %swap3A_165], %swap3A_168 {strides = array<i32>} : memref<16x64xf32, #tpu.memory_space<vmem>>, vector<1x16xf32>,
    %swap3A_169 = arith.constant 7 : i32
    %swap3A_170 = arith.index_cast %swap3A_169 : i32 to index
    %swap3A_171 = arith.constant 0 : index
    %swap3A_172 = tpu.vector_load %arg8[%swap3A_170, %swap3A_171] {strides = array<i32>} : memref<16x64xf32, #tpu.memory_space<vmem>>, vector<1x16xf32>,
    %swap3A_173 = vector.shape_cast %swap3A_172 : vector<1x16xf32> to vector<16xf32>
    %swap3A_174 = vector.shape_cast %broadcast_in_dim3A_1 : vector<16xf32> to vector<1x16xf32>
    tpu.vector_store %arg8[%swap3A_170, %swap3A_171], %swap3A_174 {strides = array<i32>} : memref<16x64xf32, #tpu.memory_space<vmem>>, vector<1x16xf32>,
    %swap3A_175 = arith.constant 7 : i32
    %swap3A_176 = arith.index_cast %swap3A_175 : i32 to index
    %swap3A_177 = arith.constant 16 : index
    %swap3A_178 = tpu.vector_load %arg8[%swap3A_176, %swap3A_177] {strides = array<i32>} : memref<16x64xf32, #tpu.memory_space<vmem>>, vector<1x16xf32>,
    %swap3A_179 = vector.shape_cast %swap3A_178 : vector<1x16xf32> to vector<16xf32>
    %swap3A_180 = vector.shape_cast %broadcast_in_dim3A_1 : vector<16xf32> to vector<1x16xf32>
    tpu.vector_store %arg8[%swap3A_176, %swap3A_177], %swap3A_180 {strides = array<i32>} : memref<16x64xf32, #tpu.memory_space<vmem>>, vector<1x16xf32>,
    %swap3A_181 = arith.constant 7 : i32
    %swap3A_182 = arith.index_cast %swap3A_181 : i32 to index
    %swap3A_183 = arith.constant 32 : index
    %swap3A_184 = tpu.vector_load %arg8[%swap3A_182, %swap3A_183] {strides = array<i32>} : memref<16x64xf32, #tpu.memory_space<vmem>>, vector<1x16xf32>,
    %swap3A_185 = vector.shape_cast %swap3A_184 : vector<1x16xf32> to vector<16xf32>
    %swap3A_186 = vector.shape_cast %broadcast_in_dim3A_1 : vector<16xf32> to vector<1x16xf32>
    tpu.vector_store %arg8[%swap3A_182, %swap3A_183], %swap3A_186 {strides = array<i32>} : memref<16x64xf32, #tpu.memory_space<vmem>>, vector<1x16xf32>,
    %swap3A_187 = arith.constant 7 : i32
    %swap3A_188 = arith.index_cast %swap3A_187 : i32 to index
    %swap3A_189 = arith.constant 48 : index
    %swap3A_190 = tpu.vector_load %arg8[%swap3A_188, %swap3A_189] {strides = array<i32>} : memref<16x64xf32, #tpu.memory_space<vmem>>, vector<1x16xf32>,
    %swap3A_191 = vector.shape_cast %swap3A_190 : vector<1x16xf32> to vector<16xf32>
    %swap3A_192 = vector.shape_cast %broadcast_in_dim3A_1 : vector<16xf32> to vector<1x16xf32>
    tpu.vector_store %arg8[%swap3A_188, %swap3A_189], %swap3A_192 {strides = array<i32>} : memref<16x64xf32, #tpu.memory_space<vmem>>, vector<1x16xf32>,
    %swap3A_193 = arith.constant 8 : i32
    %swap3A_194 = arith.index_cast %swap3A_193 : i32 to index
    %swap3A_195 = arith.constant 0 : index
    %swap3A_196 = tpu.vector_load %arg8[%swap3A_194, %swap3A_195] {strides = array<i32>} : memref<16x64xf32, #tpu.memory_space<vmem>>, vector<1x16xf32>,
    %swap3A_197 = vector.shape_cast %swap3A_196 : vector<1x16xf32> to vector<16xf32>
    %swap3A_198 = vector.shape_cast %broadcast_in_dim3A_1 : vector<16xf32> to vector<1x16xf32>
    tpu.vector_store %arg8[%swap3A_194, %swap3A_195], %swap3A_198 {strides = array<i32>} : memref<16x64xf32, #tpu.memory_space<vmem>>, vector<1x16xf32>,
    %swap3A_199 = arith.constant 8 : i32
    %swap3A_200 = arith.index_cast %swap3A_199 : i32 to index
    %swap3A_201 = arith.constant 16 : index
    %swap3A_202 = tpu.vector_load %arg8[%swap3A_200, %swap3A_201] {strides = array<i32>} : memref<16x64xf32, #tpu.memory_space<vmem>>, vector<1x16xf32>,
    %swap3A_203 = vector.shape_cast %swap3A_202 : vector<1x16xf32> to vector<16xf32>
    %swap3A_204 = vector.shape_cast %broadcast_in_dim3A_1 : vector<16xf32> to vector<1x16xf32>
    tpu.vector_store %arg8[%swap3A_200, %swap3A_201], %swap3A_204 {strides = array<i32>} : memref<16x64xf32, #tpu.memory_space<vmem>>, vector<1x16xf32>,
    %swap3A_205 = arith.constant 8 : i32
    %swap3A_206 = arith.index_cast %swap3A_205 : i32 to index
    %swap3A_207 = arith.constant 32 : index
    %swap3A_208 = tpu.vector_load %arg8[%swap3A_206, %swap3A_207] {strides = array<i32>} : memref<16x64xf32, #tpu.memory_space<vmem>>, vector<1x16xf32>,
    %swap3A_209 = vector.shape_cast %swap3A_208 : vector<1x16xf32> to vector<16xf32>
    %swap3A_210 = vector.shape_cast %broadcast_in_dim3A_1 : vector<16xf32> to vector<1x16xf32>
    tpu.vector_store %arg8[%swap3A_206, %swap3A_207], %swap3A_210 {strides = array<i32>} : memref<16x64xf32, #tpu.memory_space<vmem>>, vector<1x16xf32>,
    %swap3A_211 = arith.constant 8 : i32
    %swap3A_212 = arith.index_cast %swap3A_211 : i32 to index
    %swap3A_213 = arith.constant 48 : index
    %swap3A_214 = tpu.vector_load %arg8[%swap3A_212, %swap3A_213] {strides = array<i32>} : memref<16x64xf32, #tpu.memory_space<vmem>>, vector<1x16xf32>,
    %swap3A_215 = vector.shape_cast %swap3A_214 : vector<1x16xf32> to vector<16xf32>
    %swap3A_216 = vector.shape_cast %broadcast_in_dim3A_1 : vector<16xf32> to vector<1x16xf32>
    tpu.vector_store %arg8[%swap3A_212, %swap3A_213], %swap3A_216 {strides = array<i32>} : memref<16x64xf32, #tpu.memory_space<vmem>>, vector<1x16xf32>,
    %swap3A_217 = arith.constant 9 : i32
    %swap3A_218 = arith.index_cast %swap3A_217 : i32 to index
    %swap3A_219 = arith.constant 0 : index
    %swap3A_220 = tpu.vector_load %arg8[%swap3A_218, %swap3A_219] {strides = array<i32>} : memref<16x64xf32, #tpu.memory_space<vmem>>, vector<1x16xf32>,
    %swap3A_221 = vector.shape_cast %swap3A_220 : vector<1x16xf32> to vector<16xf32>
    %swap3A_222 = vector.shape_cast %broadcast_in_dim3A_1 : vector<16xf32> to vector<1x16xf32>
    tpu.vector_store %arg8[%swap3A_218, %swap3A_219], %swap3A_222 {strides = array<i32>} : memref<16x64xf32, #tpu.memory_space<vmem>>, vector<1x16xf32>,
    %swap3A_223 = arith.constant 9 : i32
    %swap3A_224 = arith.index_cast %swap3A_223 : i32 to index
    %swap3A_225 = arith.constant 16 : index
    %swap3A_226 = tpu.vector_load %arg8[%swap3A_224, %swap3A_225] {strides = array<i32>} : memref<16x64xf32, #tpu.memory_space<vmem>>, vector<1x16xf32>,
    %swap3A_227 = vector.shape_cast %swap3A_226 : vector<1x16xf32> to vector<16xf32>
    %swap3A_228 = vector.shape_cast %broadcast_in_dim3A_1 : vector<16xf32> to vector<1x16xf32>
    tpu.vector_store %arg8[%swap3A_224, %swap3A_225], %swap3A_228 {strides = array<i32>} : memref<16x64xf32, #tpu.memory_space<vmem>>, vector<1x16xf32>,
    %swap3A_229 = arith.constant 9 : i32
    %swap3A_230 = arith.index_cast %swap3A_229 : i32 to index
    %swap3A_231 = arith.constant 32 : index
    %swap3A_232 = tpu.vector_load %arg8[%swap3A_230, %swap3A_231] {strides = array<i32>} : memref<16x64xf32, #tpu.memory_space<vmem>>, vector<1x16xf32>,
    %swap3A_233 = vector.shape_cast %swap3A_232 : vector<1x16xf32> to vector<16xf32>
    %swap3A_234 = vector.shape_cast %broadcast_in_dim3A_1 : vector<16xf32> to vector<1x16xf32>
    tpu.vector_store %arg8[%swap3A_230, %swap3A_231], %swap3A_234 {strides = array<i32>} : memref<16x64xf32, #tpu.memory_space<vmem>>, vector<1x16xf32>,
    %swap3A_235 = arith.constant 9 : i32
    %swap3A_236 = arith.index_cast %swap3A_235 : i32 to index
    %swap3A_237 = arith.constant 48 : index
    %swap3A_238 = tpu.vector_load %arg8[%swap3A_236, %swap3A_237] {strides = array<i32>} : memref<16x64xf32, #tpu.memory_space<vmem>>, vector<1x16xf32>,
    %swap3A_239 = vector.shape_cast %swap3A_238 : vector<1x16xf32> to vector<16xf32>
    %swap3A_240 = vector.shape_cast %broadcast_in_dim3A_1 : vector<16xf32> to vector<1x16xf32>
    tpu.vector_store %arg8[%swap3A_236, %swap3A_237], %swap3A_240 {strides = array<i32>} : memref<16x64xf32, #tpu.memory_space<vmem>>, vector<1x16xf32>,
    %swap3A_241 = arith.constant 10 : i32
    %swap3A_242 = arith.index_cast %swap3A_241 : i32 to index
    %swap3A_243 = arith.constant 0 : index
    %swap3A_244 = tpu.vector_load %arg8[%swap3A_242, %swap3A_243] {strides = array<i32>} : memref<16x64xf32, #tpu.memory_space<vmem>>, vector<1x16xf32>,
    %swap3A_245 = vector.shape_cast %swap3A_244 : vector<1x16xf32> to vector<16xf32>
    %swap3A_246 = vector.shape_cast %broadcast_in_dim3A_1 : vector<16xf32> to vector<1x16xf32>
    tpu.vector_store %arg8[%swap3A_242, %swap3A_243], %swap3A_246 {strides = array<i32>} : memref<16x64xf32, #tpu.memory_space<vmem>>, vector<1x16xf32>,
    %swap3A_247 = arith.constant 10 : i32
    %swap3A_248 = arith.index_cast %swap3A_247 : i32 to index
    %swap3A_249 = arith.constant 16 : index
    %swap3A_250 = tpu.vector_load %arg8[%swap3A_248, %swap3A_249] {strides = array<i32>} : memref<16x64xf32, #tpu.memory_space<vmem>>, vector<1x16xf32>,
    %swap3A_251 = vector.shape_cast %swap3A_250 : vector<1x16xf32> to vector<16xf32>
    %swap3A_252 = vector.shape_cast %broadcast_in_dim3A_1 : vector<16xf32> to vector<1x16xf32>
    tpu.vector_store %arg8[%swap3A_248, %swap3A_249], %swap3A_252 {strides = array<i32>} : memref<16x64xf32, #tpu.memory_space<vmem>>, vector<1x16xf32>,
    %swap3A_253 = arith.constant 10 : i32
    %swap3A_254 = arith.index_cast %swap3A_253 : i32 to index
    %swap3A_255 = arith.constant 32 : index
    %swap3A_256 = tpu.vector_load %arg8[%swap3A_254, %swap3A_255] {strides = array<i32>} : memref<16x64xf32, #tpu.memory_space<vmem>>, vector<1x16xf32>,
    %swap3A_257 = vector.shape_cast %swap3A_256 : vector<1x16xf32> to vector<16xf32>
    %swap3A_258 = vector.shape_cast %broadcast_in_dim3A_1 : vector<16xf32> to vector<1x16xf32>
    tpu.vector_store %arg8[%swap3A_254, %swap3A_255], %swap3A_258 {strides = array<i32>} : memref<16x64xf32, #tpu.memory_space<vmem>>, vector<1x16xf32>,
    %swap3A_259 = arith.constant 10 : i32
    %swap3A_260 = arith.index_cast %swap3A_259 : i32 to index
    %swap3A_261 = arith.constant 48 : index
    %swap3A_262 = tpu.vector_load %arg8[%swap3A_260, %swap3A_261] {strides = array<i32>} : memref<16x64xf32, #tpu.memory_space<vmem>>, vector<1x16xf32>,
    %swap3A_263 = vector.shape_cast %swap3A_262 : vector<1x16xf32> to vector<16xf32>
    %swap3A_264 = vector.shape_cast %broadcast_in_dim3A_1 : vector<16xf32> to vector<1x16xf32>
    tpu.vector_store %arg8[%swap3A_260, %swap3A_261], %swap3A_264 {strides = array<i32>} : memref<16x64xf32, #tpu.memory_space<vmem>>, vector<1x16xf32>,
    %swap3A_265 = arith.constant 11 : i32
    %swap3A_266 = arith.index_cast %swap3A_265 : i32 to index
    %swap3A_267 = arith.constant 0 : index
    %swap3A_268 = tpu.vector_load %arg8[%swap3A_266, %swap3A_267] {strides = array<i32>} : memref<16x64xf32, #tpu.memory_space<vmem>>, vector<1x16xf32>,
    %swap3A_269 = vector.shape_cast %swap3A_268 : vector<1x16xf32> to vector<16xf32>
    %swap3A_270 = vector.shape_cast %broadcast_in_dim3A_1 : vector<16xf32> to vector<1x16xf32>
    tpu.vector_store %arg8[%swap3A_266, %swap3A_267], %swap3A_270 {strides = array<i32>} : memref<16x64xf32, #tpu.memory_space<vmem>>, vector<1x16xf32>,
    %swap3A_271 = arith.constant 11 : i32
    %swap3A_272 = arith.index_cast %swap3A_271 : i32 to index
    %swap3A_273 = arith.constant 16 : index
    %swap3A_274 = tpu.vector_load %arg8[%swap3A_272, %swap3A_273] {strides = array<i32>} : memref<16x64xf32, #tpu.memory_space<vmem>>, vector<1x16xf32>,
    %swap3A_275 = vector.shape_cast %swap3A_274 : vector<1x16xf32> to vector<16xf32>
    %swap3A_276 = vector.shape_cast %broadcast_in_dim3A_1 : vector<16xf32> to vector<1x16xf32>
    tpu.vector_store %arg8[%swap3A_272, %swap3A_273], %swap3A_276 {strides = array<i32>} : memref<16x64xf32, #tpu.memory_space<vmem>>, vector<1x16xf32>,
    %swap3A_277 = arith.constant 11 : i32
    %swap3A_278 = arith.index_cast %swap3A_277 : i32 to index
    %swap3A_279 = arith.constant 32 : index
    %swap3A_280 = tpu.vector_load %arg8[%swap3A_278, %swap3A_279] {strides = array<i32>} : memref<16x64xf32, #tpu.memory_space<vmem>>, vector<1x16xf32>,
    %swap3A_281 = vector.shape_cast %swap3A_280 : vector<1x16xf32> to vector<16xf32>
    %swap3A_282 = vector.shape_cast %broadcast_in_dim3A_1 : vector<16xf32> to vector<1x16xf32>
    tpu.vector_store %arg8[%swap3A_278, %swap3A_279], %swap3A_282 {strides = array<i32>} : memref<16x64xf32, #tpu.memory_space<vmem>>, vector<1x16xf32>,
    %swap3A_283 = arith.constant 11 : i32
    %swap3A_284 = arith.index_cast %swap3A_283 : i32 to index
    %swap3A_285 = arith.constant 48 : index
    %swap3A_286 = tpu.vector_load %arg8[%swap3A_284, %swap3A_285] {strides = array<i32>} : memref<16x64xf32, #tpu.memory_space<vmem>>, vector<1x16xf32>,
    %swap3A_287 = vector.shape_cast %swap3A_286 : vector<1x16xf32> to vector<16xf32>
    %swap3A_288 = vector.shape_cast %broadcast_in_dim3A_1 : vector<16xf32> to vector<1x16xf32>
    tpu.vector_store %arg8[%swap3A_284, %swap3A_285], %swap3A_288 {strides = array<i32>} : memref<16x64xf32, #tpu.memory_space<vmem>>, vector<1x16xf32>,
    %swap3A_289 = arith.constant 12 : i32
    %swap3A_290 = arith.index_cast %swap3A_289 : i32 to index
    %swap3A_291 = arith.constant 0 : index
    %swap3A_292 = tpu.vector_load %arg8[%swap3A_290, %swap3A_291] {strides = array<i32>} : memref<16x64xf32, #tpu.memory_space<vmem>>, vector<1x16xf32>,
    %swap3A_293 = vector.shape_cast %swap3A_292 : vector<1x16xf32> to vector<16xf32>
    %swap3A_294 = vector.shape_cast %broadcast_in_dim3A_1 : vector<16xf32> to vector<1x16xf32>
    tpu.vector_store %arg8[%swap3A_290, %swap3A_291], %swap3A_294 {strides = array<i32>} : memref<16x64xf32, #tpu.memory_space<vmem>>, vector<1x16xf32>,
    %swap3A_295 = arith.constant 12 : i32
    %swap3A_296 = arith.index_cast %swap3A_295 : i32 to index
    %swap3A_297 = arith.constant 16 : index
    %swap3A_298 = tpu.vector_load %arg8[%swap3A_296, %swap3A_297] {strides = array<i32>} : memref<16x64xf32, #tpu.memory_space<vmem>>, vector<1x16xf32>,
    %swap3A_299 = vector.shape_cast %swap3A_298 : vector<1x16xf32> to vector<16xf32>
    %swap3A_300 = vector.shape_cast %broadcast_in_dim3A_1 : vector<16xf32> to vector<1x16xf32>
    tpu.vector_store %arg8[%swap3A_296, %swap3A_297], %swap3A_300 {strides = array<i32>} : memref<16x64xf32, #tpu.memory_space<vmem>>, vector<1x16xf32>,
    %swap3A_301 = arith.constant 12 : i32
    %swap3A_302 = arith.index_cast %swap3A_301 : i32 to index
    %swap3A_303 = arith.constant 32 : index
    %swap3A_304 = tpu.vector_load %arg8[%swap3A_302, %swap3A_303] {strides = array<i32>} : memref<16x64xf32, #tpu.memory_space<vmem>>, vector<1x16xf32>,
    %swap3A_305 = vector.shape_cast %swap3A_304 : vector<1x16xf32> to vector<16xf32>
    %swap3A_306 = vector.shape_cast %broadcast_in_dim3A_1 : vector<16xf32> to vector<1x16xf32>
    tpu.vector_store %arg8[%swap3A_302, %swap3A_303], %swap3A_306 {strides = array<i32>} : memref<16x64xf32, #tpu.memory_space<vmem>>, vector<1x16xf32>,
    %swap3A_307 = arith.constant 12 : i32
    %swap3A_308 = arith.index_cast %swap3A_307 : i32 to index
    %swap3A_309 = arith.constant 48 : index
    %swap3A_310 = tpu.vector_load %arg8[%swap3A_308, %swap3A_309] {strides = array<i32>} : memref<16x64xf32, #tpu.memory_space<vmem>>, vector<1x16xf32>,
    %swap3A_311 = vector.shape_cast %swap3A_310 : vector<1x16xf32> to vector<16xf32>
    %swap3A_312 = vector.shape_cast %broadcast_in_dim3A_1 : vector<16xf32> to vector<1x16xf32>
    tpu.vector_store %arg8[%swap3A_308, %swap3A_309], %swap3A_312 {strides = array<i32>} : memref<16x64xf32, #tpu.memory_space<vmem>>, vector<1x16xf32>,
    %swap3A_313 = arith.constant 13 : i32
    %swap3A_314 = arith.index_cast %swap3A_313 : i32 to index
    %swap3A_315 = arith.constant 0 : index
    %swap3A_316 = tpu.vector_load %arg8[%swap3A_314, %swap3A_315] {strides = array<i32>} : memref<16x64xf32, #tpu.memory_space<vmem>>, vector<1x16xf32>,
    %swap3A_317 = vector.shape_cast %swap3A_316 : vector<1x16xf32> to vector<16xf32>
    %swap3A_318 = vector.shape_cast %broadcast_in_dim3A_1 : vector<16xf32> to vector<1x16xf32>
    tpu.vector_store %arg8[%swap3A_314, %swap3A_315], %swap3A_318 {strides = array<i32>} : memref<16x64xf32, #tpu.memory_space<vmem>>, vector<1x16xf32>,
    %swap3A_319 = arith.constant 13 : i32
    %swap3A_320 = arith.index_cast %swap3A_319 : i32 to index
    %swap3A_321 = arith.constant 16 : index
    %swap3A_322 = tpu.vector_load %arg8[%swap3A_320, %swap3A_321] {strides = array<i32>} : memref<16x64xf32, #tpu.memory_space<vmem>>, vector<1x16xf32>,
    %swap3A_323 = vector.shape_cast %swap3A_322 : vector<1x16xf32> to vector<16xf32>
    %swap3A_324 = vector.shape_cast %broadcast_in_dim3A_1 : vector<16xf32> to vector<1x16xf32>
    tpu.vector_store %arg8[%swap3A_320, %swap3A_321], %swap3A_324 {strides = array<i32>} : memref<16x64xf32, #tpu.memory_space<vmem>>, vector<1x16xf32>,
    %swap3A_325 = arith.constant 13 : i32
    %swap3A_326 = arith.index_cast %swap3A_325 : i32 to index
    %swap3A_327 = arith.constant 32 : index
    %swap3A_328 = tpu.vector_load %arg8[%swap3A_326, %swap3A_327] {strides = array<i32>} : memref<16x64xf32, #tpu.memory_space<vmem>>, vector<1x16xf32>,
    %swap3A_329 = vector.shape_cast %swap3A_328 : vector<1x16xf32> to vector<16xf32>
    %swap3A_330 = vector.shape_cast %broadcast_in_dim3A_1 : vector<16xf32> to vector<1x16xf32>
    tpu.vector_store %arg8[%swap3A_326, %swap3A_327], %swap3A_330 {strides = array<i32>} : memref<16x64xf32, #tpu.memory_space<vmem>>, vector<1x16xf32>,
    %swap3A_331 = arith.constant 13 : i32
    %swap3A_332 = arith.index_cast %swap3A_331 : i32 to index
    %swap3A_333 = arith.constant 48 : index
    %swap3A_334 = tpu.vector_load %arg8[%swap3A_332, %swap3A_333] {strides = array<i32>} : memref<16x64xf32, #tpu.memory_space<vmem>>, vector<1x16xf32>,
    %swap3A_335 = vector.shape_cast %swap3A_334 : vector<1x16xf32> to vector<16xf32>
    %swap3A_336 = vector.shape_cast %broadcast_in_dim3A_1 : vector<16xf32> to vector<1x16xf32>
    tpu.vector_store %arg8[%swap3A_332, %swap3A_333], %swap3A_336 {strides = array<i32>} : memref<16x64xf32, #tpu.memory_space<vmem>>, vector<1x16xf32>,
    %swap3A_337 = arith.constant 14 : i32
    %swap3A_338 = arith.index_cast %swap3A_337 : i32 to index
    %swap3A_339 = arith.constant 0 : index
    %swap3A_340 = tpu.vector_load %arg8[%swap3A_338, %swap3A_339] {strides = array<i32>} : memref<16x64xf32, #tpu.memory_space<vmem>>, vector<1x16xf32>,
    %swap3A_341 = vector.shape_cast %swap3A_340 : vector<1x16xf32> to vector<16xf32>
    %swap3A_342 = vector.shape_cast %broadcast_in_dim3A_1 : vector<16xf32> to vector<1x16xf32>
    tpu.vector_store %arg8[%swap3A_338, %swap3A_339], %swap3A_342 {strides = array<i32>} : memref<16x64xf32, #tpu.memory_space<vmem>>, vector<1x16xf32>,
    %swap3A_343 = arith.constant 14 : i32
    %swap3A_344 = arith.index_cast %swap3A_343 : i32 to index
    %swap3A_345 = arith.constant 16 : index
    %swap3A_346 = tpu.vector_load %arg8[%swap3A_344, %swap3A_345] {strides = array<i32>} : memref<16x64xf32, #tpu.memory_space<vmem>>, vector<1x16xf32>,
    %swap3A_347 = vector.shape_cast %swap3A_346 : vector<1x16xf32> to vector<16xf32>
    %swap3A_348 = vector.shape_cast %broadcast_in_dim3A_1 : vector<16xf32> to vector<1x16xf32>
    tpu.vector_store %arg8[%swap3A_344, %swap3A_345], %swap3A_348 {strides = array<i32>} : memref<16x64xf32, #tpu.memory_space<vmem>>, vector<1x16xf32>,
    %swap3A_349 = arith.constant 14 : i32
    %swap3A_350 = arith.index_cast %swap3A_349 : i32 to index
    %swap3A_351 = arith.constant 32 : index
    %swap3A_352 = tpu.vector_load %arg8[%swap3A_350, %swap3A_351] {strides = array<i32>} : memref<16x64xf32, #tpu.memory_space<vmem>>, vector<1x16xf32>,
    %swap3A_353 = vector.shape_cast %swap3A_352 : vector<1x16xf32> to vector<16xf32>
    %swap3A_354 = vector.shape_cast %broadcast_in_dim3A_1 : vector<16xf32> to vector<1x16xf32>
    tpu.vector_store %arg8[%swap3A_350, %swap3A_351], %swap3A_354 {strides = array<i32>} : memref<16x64xf32, #tpu.memory_space<vmem>>, vector<1x16xf32>,
    %swap3A_355 = arith.constant 14 : i32
    %swap3A_356 = arith.index_cast %swap3A_355 : i32 to index
    %swap3A_357 = arith.constant 48 : index
    %swap3A_358 = tpu.vector_load %arg8[%swap3A_356, %swap3A_357] {strides = array<i32>} : memref<16x64xf32, #tpu.memory_space<vmem>>, vector<1x16xf32>,
    %swap3A_359 = vector.shape_cast %swap3A_358 : vector<1x16xf32> to vector<16xf32>
    %swap3A_360 = vector.shape_cast %broadcast_in_dim3A_1 : vector<16xf32> to vector<1x16xf32>
    tpu.vector_store %arg8[%swap3A_356, %swap3A_357], %swap3A_360 {strides = array<i32>} : memref<16x64xf32, #tpu.memory_space<vmem>>, vector<1x16xf32>,
    %swap3A_361 = arith.constant 15 : i32
    %swap3A_362 = arith.index_cast %swap3A_361 : i32 to index
    %swap3A_363 = arith.constant 0 : index
    %swap3A_364 = tpu.vector_load %arg8[%swap3A_362, %swap3A_363] {strides = array<i32>} : memref<16x64xf32, #tpu.memory_space<vmem>>, vector<1x16xf32>,
    %swap3A_365 = vector.shape_cast %swap3A_364 : vector<1x16xf32> to vector<16xf32>
    %swap3A_366 = vector.shape_cast %broadcast_in_dim3A_1 : vector<16xf32> to vector<1x16xf32>
    tpu.vector_store %arg8[%swap3A_362, %swap3A_363], %swap3A_366 {strides = array<i32>} : memref<16x64xf32, #tpu.memory_space<vmem>>, vector<1x16xf32>,
    %swap3A_367 = arith.constant 15 : i32
    %swap3A_368 = arith.index_cast %swap3A_367 : i32 to index
    %swap3A_369 = arith.constant 16 : index
    %swap3A_370 = tpu.vector_load %arg8[%swap3A_368, %swap3A_369] {strides = array<i32>} : memref<16x64xf32, #tpu.memory_space<vmem>>, vector<1x16xf32>,
    %swap3A_371 = vector.shape_cast %swap3A_370 : vector<1x16xf32> to vector<16xf32>
    %swap3A_372 = vector.shape_cast %broadcast_in_dim3A_1 : vector<16xf32> to vector<1x16xf32>
    tpu.vector_store %arg8[%swap3A_368, %swap3A_369], %swap3A_372 {strides = array<i32>} : memref<16x64xf32, #tpu.memory_space<vmem>>, vector<1x16xf32>,
    %swap3A_373 = arith.constant 15 : i32
    %swap3A_374 = arith.index_cast %swap3A_373 : i32 to index
    %swap3A_375 = arith.constant 32 : index
    %swap3A_376 = tpu.vector_load %arg8[%swap3A_374, %swap3A_375] {strides = array<i32>} : memref<16x64xf32, #tpu.memory_space<vmem>>, vector<1x16xf32>,
    %swap3A_377 = vector.shape_cast %swap3A_376 : vector<1x16xf32> to vector<16xf32>
    %swap3A_378 = vector.shape_cast %broadcast_in_dim3A_1 : vector<16xf32> to vector<1x16xf32>
    tpu.vector_store %arg8[%swap3A_374, %swap3A_375], %swap3A_378 {strides = array<i32>} : memref<16x64xf32, #tpu.memory_space<vmem>>, vector<1x16xf32>,
    %swap3A_379 = arith.constant 15 : i32
    %swap3A_380 = arith.index_cast %swap3A_379 : i32 to index
    %swap3A_381 = arith.constant 48 : index
    %swap3A_382 = tpu.vector_load %arg8[%swap3A_380, %swap3A_381] {strides = array<i32>} : memref<16x64xf32, #tpu.memory_space<vmem>>, vector<1x16xf32>,
    %swap3A_383 = vector.shape_cast %swap3A_382 : vector<1x16xf32> to vector<16xf32>
    %swap3A_384 = vector.shape_cast %broadcast_in_dim3A_1 : vector<16xf32> to vector<1x16xf32>
    tpu.vector_store %arg8[%swap3A_380, %swap3A_381], %swap3A_384 {strides = array<i32>} : memref<16x64xf32, #tpu.memory_space<vmem>>, vector<1x16xf32>,
    %mul3A_385 = arith.constant 640 : i32
    %mul3A_386 = arith.muli %arg1, %mul3A_385 : i32
    %scan3A = arith.constant 0 : i32
    %scan3A_387 = arith.constant 0 : i32
    %scan3A_388 = arith.constant 40 : i32
    %scan3A_389 = arith.addi %scan3A_387, %scan3A_388 : i32
    %scan3A_390 = arith.constant 1 : i32
    scf.for %scan3A_412 = %scan3A_387 to %scan3A_389 step %scan3A_390  : i32 {
      %mul3A_413 = arith.constant 16 : i32
      %mul3A_414 = arith.muli %scan3A_412, %mul3A_413 : i32
      %add3A_415 = arith.addi %mul3A_386, %mul3A_414 : i32
      "tpu.region"() ({
        %run_scoped3A_416 = tpu.sem_alloc : memref<!tpu.dma_semaphore, #tpu.memory_space<semaphore_mem>>
        %dma_start3A = arith.constant 0 : i32
        %dma_start3A_417 = tpu.memref_slice %arg9[%add3A_415, %dma_start3A] : memref<10240x64xf32, #tpu.memory_space<vmem_shared>> -> memref<16x64xf32, #tpu.memory_space<vmem_shared>>
        %dma_start3A_418 = arith.constant 0 : i32
        %dma_start3A_419 = tpu.memref_slice %arg9[%add3A_415, %dma_start3A_418] : memref<10240x64xf32, #tpu.memory_space<vmem_shared>> -> memref<16x64xf32, #tpu.memory_space<vmem_shared>>
        tpu.enqueue_dma source(%arg8 : memref<16x64xf32, #tpu.memory_space<vmem>>) target(%dma_start3A_419 : memref<16x64xf32, #tpu.memory_space<vmem_shared>>) target_semaphore(%run_scoped3A_416 : memref<!tpu.dma_semaphore, #tpu.memory_space<semaphore_mem>>)
        %dma_wait3A = arith.constant 0 : i32
        %dma_wait3A_420 = tpu.memref_slice %arg9[%add3A_415, %dma_wait3A] : memref<10240x64xf32, #tpu.memory_space<vmem_shared>> -> memref<16x64xf32, #tpu.memory_space<vmem_shared>>
        %dma_wait3A_421 = arith.constant 0 : i32
        %dma_wait3A_422 = tpu.memref_slice %arg9[%add3A_415, %dma_wait3A_421] : memref<10240x64xf32, #tpu.memory_space<vmem_shared>> -> memref<16x64xf32, #tpu.memory_space<vmem_shared>>
        tpu.wait_dma2 semaphore(%run_scoped3A_416 : memref<!tpu.dma_semaphore, #tpu.memory_space<semaphore_mem>>) src(%arg8 : memref<16x64xf32, #tpu.memory_space<vmem>>) dst(%dma_wait3A_422 : memref<16x64xf32, #tpu.memory_space<vmem_shared>>)
        tpu.yield
      }) : () -> ()
    }
    %scan3A_391 = arith.constant 40 : i32
    %scan3A_392 = arith.constant 0 : i32
    %scan3A_393 = arith.constant 0 : i32
    %scan3A_394 = arith.constant 5 : i32
    %scan3A_395 = arith.addi %scan3A_393, %scan3A_394 : i32
    %scan3A_396 = arith.constant 1 : i32
    scf.for %scan3A_412 = %scan3A_393 to %scan3A_395 step %scan3A_396  : i32 {
      %mul3A_413 = arith.constant 128 : i32
      %mul3A_414 = arith.muli %scan3A_412, %mul3A_413 : i32
      %add3A_415 = arith.addi %mul3A_386, %mul3A_414 : i32
      "tpu.region"() ({
        %run_scoped3A_419 = tpu.sem_alloc : memref<!tpu.dma_semaphore, #tpu.memory_space<semaphore_mem>>
        %dma_start3A = arith.constant 0 : i32
        %dma_start3A_420 = tpu.memref_slice %arg2[%add3A_415, %dma_start3A] : memref<10240x64xf32, #tpu.memory_space<hbm>> -> memref<128x64xf32, #tpu.memory_space<hbm>>
        %dma_start3A_421 = arith.constant 0 : i32
        %dma_start3A_422 = tpu.memref_slice %arg2[%add3A_415, %dma_start3A_421] : memref<10240x64xf32, #tpu.memory_space<hbm>> -> memref<128x64xf32, #tpu.memory_space<hbm>>
        tpu.enqueue_dma source(%dma_start3A_422 : memref<128x64xf32, #tpu.memory_space<hbm>>) target(%arg7 : memref<128x64xf32, #tpu.memory_space<vmem>>) target_semaphore(%run_scoped3A_419 : memref<!tpu.dma_semaphore, #tpu.memory_space<semaphore_mem>>)
        %dma_wait3A = arith.constant 0 : i32
        %dma_wait3A_423 = tpu.memref_slice %arg2[%add3A_415, %dma_wait3A] : memref<10240x64xf32, #tpu.memory_space<hbm>> -> memref<128x64xf32, #tpu.memory_space<hbm>>
        %dma_wait3A_424 = arith.constant 0 : i32
        %dma_wait3A_425 = tpu.memref_slice %arg2[%add3A_415, %dma_wait3A_424] : memref<10240x64xf32, #tpu.memory_space<hbm>> -> memref<128x64xf32, #tpu.memory_space<hbm>>
        tpu.wait_dma2 semaphore(%run_scoped3A_419 : memref<!tpu.dma_semaphore, #tpu.memory_space<semaphore_mem>>) src(%dma_wait3A_425 : memref<128x64xf32, #tpu.memory_space<hbm>>) dst(%arg7 : memref<128x64xf32, #tpu.memory_space<vmem>>)
        tpu.yield
      }) : () -> ()
      %mul3A_416 = arith.constant 128 : i32
      %mul3A_417 = arith.muli %scan3A_412, %mul3A_416 : i32
      %add3A_418 = arith.addi %mul3A_386, %mul3A_417 : i32
      "tpu.region"() ({
        %run_scoped3A_419 = tpu.sem_alloc : memref<!tpu.dma_semaphore, #tpu.memory_space<semaphore_mem>>
        %dma_start3A = arith.constant 0 : i32
        %dma_start3A_420 = tpu.memref_slice %arg10[%add3A_418, %dma_start3A] : memref<10240x64xf32, #tpu.memory_space<vmem_shared>> -> memref<128x64xf32, #tpu.memory_space<vmem_shared>>
        %dma_start3A_421 = arith.constant 0 : i32
        %dma_start3A_422 = tpu.memref_slice %arg10[%add3A_418, %dma_start3A_421] : memref<10240x64xf32, #tpu.memory_space<vmem_shared>> -> memref<128x64xf32, #tpu.memory_space<vmem_shared>>
        tpu.enqueue_dma source(%arg7 : memref<128x64xf32, #tpu.memory_space<vmem>>) target(%dma_start3A_422 : memref<128x64xf32, #tpu.memory_space<vmem_shared>>) target_semaphore(%run_scoped3A_419 : memref<!tpu.dma_semaphore, #tpu.memory_space<semaphore_mem>>)
        %dma_wait3A = arith.constant 0 : i32
        %dma_wait3A_423 = tpu.memref_slice %arg10[%add3A_418, %dma_wait3A] : memref<10240x64xf32, #tpu.memory_space<vmem_shared>> -> memref<128x64xf32, #tpu.memory_space<vmem_shared>>
        %dma_wait3A_424 = arith.constant 0 : i32
        %dma_wait3A_425 = tpu.memref_slice %arg10[%add3A_418, %dma_wait3A_424] : memref<10240x64xf32, #tpu.memory_space<vmem_shared>> -> memref<128x64xf32, #tpu.memory_space<vmem_shared>>
        tpu.wait_dma2 semaphore(%run_scoped3A_419 : memref<!tpu.dma_semaphore, #tpu.memory_space<semaphore_mem>>) src(%arg7 : memref<128x64xf32, #tpu.memory_space<vmem>>) dst(%dma_wait3A_425 : memref<128x64xf32, #tpu.memory_space<vmem_shared>>)
        tpu.yield
      }) : () -> ()
    }
    %scan3A_397 = arith.constant 5 : i32
    %barrier3A = arith.constant 0 : index
    tpu.barrier barrier_id(%barrier3A)
    %run_scoped3A = arith.constant 0 : i32
    "tpu.region"() ({
      %run_scoped3A_412 = tpu.sem_alloc : memref<!tpu.dma_semaphore, #tpu.memory_space<semaphore_mem>>
      %dma_start3A = arith.constant 0 : i32
      %dma_start3A_413 = arith.constant 0 : i32
      %dma_start3A_414 = tpu.memref_slice %arg3[%run_scoped3A, %add3A, %dma_start3A, %dma_start3A_413] : memref<2x32x80x128xi32, #tpu.memory_space<hbm>> -> memref<1x1x80x128xi32, #tpu.memory_space<hbm>>
      %dma_start3A_415 = tpu.memref_squeeze %dma_start3A_414 : memref<1x1x80x128xi32, #tpu.memory_space<hbm>> -> memref<80x128xi32, #tpu.memory_space<hbm>>
      %dma_start3A_416 = arith.constant 0 : i32
      %dma_start3A_417 = arith.constant 0 : i32
      %dma_start3A_418 = tpu.memref_slice %arg3[%run_scoped3A, %add3A, %dma_start3A_416, %dma_start3A_417] : memref<2x32x80x128xi32, #tpu.memory_space<hbm>> -> memref<1x1x80x128xi32, #tpu.memory_space<hbm>>
      %dma_start3A_419 = tpu.memref_squeeze %dma_start3A_418 : memref<1x1x80x128xi32, #tpu.memory_space<hbm>> -> memref<80x128xi32, #tpu.memory_space<hbm>>
      tpu.enqueue_dma source(%dma_start3A_419 : memref<80x128xi32, #tpu.memory_space<hbm>>) target(%arg5 : memref<80x128xi32, #tpu.memory_space<vmem>>) target_semaphore(%run_scoped3A_412 : memref<!tpu.dma_semaphore, #tpu.memory_space<semaphore_mem>>)
      %dma_wait3A = arith.constant 0 : i32
      %dma_wait3A_420 = arith.constant 0 : i32
      %dma_wait3A_421 = tpu.memref_slice %arg3[%run_scoped3A, %add3A, %dma_wait3A, %dma_wait3A_420] : memref<2x32x80x128xi32, #tpu.memory_space<hbm>> -> memref<1x1x80x128xi32, #tpu.memory_space<hbm>>
      %dma_wait3A_422 = tpu.memref_squeeze %dma_wait3A_421 : memref<1x1x80x128xi32, #tpu.memory_space<hbm>> -> memref<80x128xi32, #tpu.memory_space<hbm>>
      %dma_wait3A_423 = arith.constant 0 : i32
      %dma_wait3A_424 = arith.constant 0 : i32
      %dma_wait3A_425 = tpu.memref_slice %arg3[%run_scoped3A, %add3A, %dma_wait3A_423, %dma_wait3A_424] : memref<2x32x80x128xi32, #tpu.memory_space<hbm>> -> memref<1x1x80x128xi32, #tpu.memory_space<hbm>>
      %dma_wait3A_426 = tpu.memref_squeeze %dma_wait3A_425 : memref<1x1x80x128xi32, #tpu.memory_space<hbm>> -> memref<80x128xi32, #tpu.memory_space<hbm>>
      tpu.wait_dma2 semaphore(%run_scoped3A_412 : memref<!tpu.dma_semaphore, #tpu.memory_space<semaphore_mem>>) src(%dma_wait3A_426 : memref<80x128xi32, #tpu.memory_space<hbm>>) dst(%arg5 : memref<80x128xi32, #tpu.memory_space<vmem>>)
      tpu.yield
    }) : () -> ()
    %run_scoped3A_398 = arith.constant 1 : i32
    "tpu.region"() ({
      %run_scoped3A_412 = tpu.sem_alloc : memref<!tpu.dma_semaphore, #tpu.memory_space<semaphore_mem>>
      %dma_start3A = arith.constant 0 : i32
      %dma_start3A_413 = arith.constant 0 : i32
      %dma_start3A_414 = tpu.memref_slice %arg3[%run_scoped3A_398, %add3A, %dma_start3A, %dma_start3A_413] : memref<2x32x80x128xi32, #tpu.memory_space<hbm>> -> memref<1x1x80x128xi32, #tpu.memory_space<hbm>>
      %dma_start3A_415 = tpu.memref_squeeze %dma_start3A_414 : memref<1x1x80x128xi32, #tpu.memory_space<hbm>> -> memref<80x128xi32, #tpu.memory_space<hbm>>
      %dma_start3A_416 = arith.constant 0 : i32
      %dma_start3A_417 = arith.constant 0 : i32
      %dma_start3A_418 = tpu.memref_slice %arg3[%run_scoped3A_398, %add3A, %dma_start3A_416, %dma_start3A_417] : memref<2x32x80x128xi32, #tpu.memory_space<hbm>> -> memref<1x1x80x128xi32, #tpu.memory_space<hbm>>
      %dma_start3A_419 = tpu.memref_squeeze %dma_start3A_418 : memref<1x1x80x128xi32, #tpu.memory_space<hbm>> -> memref<80x128xi32, #tpu.memory_space<hbm>>
      tpu.enqueue_dma source(%dma_start3A_419 : memref<80x128xi32, #tpu.memory_space<hbm>>) target(%arg6 : memref<80x128xi32, #tpu.memory_space<vmem>>) target_semaphore(%run_scoped3A_412 : memref<!tpu.dma_semaphore, #tpu.memory_space<semaphore_mem>>)
      %dma_wait3A = arith.constant 0 : i32
      %dma_wait3A_420 = arith.constant 0 : i32
      %dma_wait3A_421 = tpu.memref_slice %arg3[%run_scoped3A_398, %add3A, %dma_wait3A, %dma_wait3A_420] : memref<2x32x80x128xi32, #tpu.memory_space<hbm>> -> memref<1x1x80x128xi32, #tpu.memory_space<hbm>>
      %dma_wait3A_422 = tpu.memref_squeeze %dma_wait3A_421 : memref<1x1x80x128xi32, #tpu.memory_space<hbm>> -> memref<80x128xi32, #tpu.memory_space<hbm>>
      %dma_wait3A_423 = arith.constant 0 : i32
      %dma_wait3A_424 = arith.constant 0 : i32
      %dma_wait3A_425 = tpu.memref_slice %arg3[%run_scoped3A_398, %add3A, %dma_wait3A_423, %dma_wait3A_424] : memref<2x32x80x128xi32, #tpu.memory_space<hbm>> -> memref<1x1x80x128xi32, #tpu.memory_space<hbm>>
      %dma_wait3A_426 = tpu.memref_squeeze %dma_wait3A_425 : memref<1x1x80x128xi32, #tpu.memory_space<hbm>> -> memref<80x128xi32, #tpu.memory_space<hbm>>
      tpu.wait_dma2 semaphore(%run_scoped3A_412 : memref<!tpu.dma_semaphore, #tpu.memory_space<semaphore_mem>>) src(%dma_wait3A_426 : memref<80x128xi32, #tpu.memory_space<hbm>>) dst(%arg6 : memref<80x128xi32, #tpu.memory_space<vmem>>)
      tpu.yield
    }) : () -> ()
    %scan3A_399 = arith.constant 0 : i32
    %scan3A_400 = arith.constant 0 : i32
    %scan3A_401 = arith.constant 80 : i32
    %scan3A_402 = arith.addi %scan3A_400, %scan3A_401 : i32
    %scan3A_403 = arith.constant 1 : i32
    scf.for %scan3A_412 = %scan3A_400 to %scan3A_402 step %scan3A_403  : i32 {
      "tpu.region"() ({
        %run_scoped3A_413 = tpu.sem_alloc : memref<!tpu.dma_semaphore, #tpu.memory_space<semaphore_mem>>
        %dma_start3A = arith.constant 0 : i32
        %dma_start3A_414 = tpu.memref_slice %arg5[%scan3A_412, %dma_start3A] : memref<80x128xi32, #tpu.memory_space<vmem>> -> memref<1x128xi32, #tpu.memory_space<vmem>>
        %dma_start3A_415 = tpu.memref_squeeze %dma_start3A_414 : memref<1x128xi32, #tpu.memory_space<vmem>> -> memref<128xi32, #tpu.memory_space<vmem>>
        %dma_start3A_416 = arith.constant 0 : i32
        %dma_start3A_417 = arith.constant 0 : i32
        %dma_start3A_418 = tpu.memref_slice %arg10[%dma_start3A_416, %dma_start3A_417] : memref<10240x64xf32, #tpu.memory_space<vmem_shared>> -> memref<10240x64xf32, #tpu.memory_space<vmem_shared>>
        tpu.enqueue_indirect_dma source(%dma_start3A_418 : memref<10240x64xf32, #tpu.memory_space<vmem_shared>>) target(%arg7 : memref<128x64xf32, #tpu.memory_space<vmem>>) offsets(%dma_start3A_415 : memref<128xi32, #tpu.memory_space<vmem>>) semaphore(%run_scoped3A_413 : memref<!tpu.dma_semaphore, #tpu.memory_space<semaphore_mem>>)
        %dma_wait3A = arith.constant 0 : i32
        %dma_wait3A_419 = tpu.memref_slice %arg5[%scan3A_412, %dma_wait3A] : memref<80x128xi32, #tpu.memory_space<vmem>> -> memref<1x128xi32, #tpu.memory_space<vmem>>
        %dma_wait3A_420 = tpu.memref_squeeze %dma_wait3A_419 : memref<1x128xi32, #tpu.memory_space<vmem>> -> memref<128xi32, #tpu.memory_space<vmem>>
        %dma_wait3A_421 = arith.constant 0 : i32
        %dma_wait3A_422 = arith.constant 0 : i32
        %dma_wait3A_423 = tpu.memref_slice %arg10[%dma_wait3A_421, %dma_wait3A_422] : memref<10240x64xf32, #tpu.memory_space<vmem_shared>> -> memref<10240x64xf32, #tpu.memory_space<vmem_shared>>
        tpu.wait_indirect_dma semaphore(%run_scoped3A_413 : memref<!tpu.dma_semaphore, #tpu.memory_space<semaphore_mem>>) src(%dma_wait3A_423 : memref<10240x64xf32, #tpu.memory_space<vmem_shared>>) dst(%arg7 : memref<128x64xf32, #tpu.memory_space<vmem>>)
        tpu.yield
      }) : () -> ()
      "tpu.region"() ({
        %run_scoped3A_413 = tpu.sem_alloc : memref<!tpu.dma_semaphore, #tpu.memory_space<semaphore_mem>>
        %dma_start3A = arith.constant 0 : i32
        %dma_start3A_414 = tpu.memref_slice %arg6[%scan3A_412, %dma_start3A] : memref<80x128xi32, #tpu.memory_space<vmem>> -> memref<1x128xi32, #tpu.memory_space<vmem>>
        %dma_start3A_415 = tpu.memref_squeeze %dma_start3A_414 : memref<1x128xi32, #tpu.memory_space<vmem>> -> memref<128xi32, #tpu.memory_space<vmem>>
        %dma_start3A_416 = arith.constant 0 : i32
        %dma_start3A_417 = arith.constant 0 : i32
        %dma_start3A_418 = tpu.memref_slice %arg9[%dma_start3A_416, %dma_start3A_417] : memref<10240x64xf32, #tpu.memory_space<vmem_shared>> -> memref<10240x64xf32, #tpu.memory_space<vmem_shared>>
        tpu.enqueue_indirect_dma source(%arg7 : memref<128x64xf32, #tpu.memory_space<vmem>>) target(%dma_start3A_418 : memref<10240x64xf32, #tpu.memory_space<vmem_shared>>) offsets(%dma_start3A_415 : memref<128xi32, #tpu.memory_space<vmem>>) semaphore(%run_scoped3A_413 : memref<!tpu.dma_semaphore, #tpu.memory_space<semaphore_mem>>) {add = true}
        %dma_wait3A = arith.constant 0 : i32
        %dma_wait3A_419 = tpu.memref_slice %arg6[%scan3A_412, %dma_wait3A] : memref<80x128xi32, #tpu.memory_space<vmem>> -> memref<1x128xi32, #tpu.memory_space<vmem>>
        %dma_wait3A_420 = tpu.memref_squeeze %dma_wait3A_419 : memref<1x128xi32, #tpu.memory_space<vmem>> -> memref<128xi32, #tpu.memory_space<vmem>>
        %dma_wait3A_421 = arith.constant 0 : i32
        %dma_wait3A_422 = arith.constant 0 : i32
        %dma_wait3A_423 = tpu.memref_slice %arg9[%dma_wait3A_421, %dma_wait3A_422] : memref<10240x64xf32, #tpu.memory_space<vmem_shared>> -> memref<10240x64xf32, #tpu.memory_space<vmem_shared>>
        tpu.wait_indirect_dma semaphore(%run_scoped3A_413 : memref<!tpu.dma_semaphore, #tpu.memory_space<semaphore_mem>>) src(%arg7 : memref<128x64xf32, #tpu.memory_space<vmem>>) dst(%dma_wait3A_423 : memref<10240x64xf32, #tpu.memory_space<vmem_shared>>)
        tpu.yield
      }) : () -> ()
    }
    %scan3A_404 = arith.constant 80 : i32
    %barrier3A_405 = arith.constant 0 : index
    tpu.barrier barrier_id(%barrier3A_405)
    %scan3A_406 = arith.constant 0 : i32
    %scan3A_407 = arith.constant 0 : i32
    %scan3A_408 = arith.constant 5 : i32
    %scan3A_409 = arith.addi %scan3A_407, %scan3A_408 : i32
    %scan3A_410 = arith.constant 1 : i32
    scf.for %scan3A_412 = %scan3A_407 to %scan3A_409 step %scan3A_410  : i32 {
      %mul3A_413 = arith.constant 128 : i32
      %mul3A_414 = arith.muli %scan3A_412, %mul3A_413 : i32
      %add3A_415 = arith.addi %mul3A_386, %mul3A_414 : i32
      "tpu.region"() ({
        %run_scoped3A_419 = tpu.sem_alloc : memref<!tpu.dma_semaphore, #tpu.memory_space<semaphore_mem>>
        %dma_start3A = arith.constant 0 : i32
        %dma_start3A_420 = tpu.memref_slice %arg9[%add3A_415, %dma_start3A] : memref<10240x64xf32, #tpu.memory_space<vmem_shared>> -> memref<128x64xf32, #tpu.memory_space<vmem_shared>>
        %dma_start3A_421 = arith.constant 0 : i32
        %dma_start3A_422 = tpu.memref_slice %arg9[%add3A_415, %dma_start3A_421] : memref<10240x64xf32, #tpu.memory_space<vmem_shared>> -> memref<128x64xf32, #tpu.memory_space<vmem_shared>>
        tpu.enqueue_dma source(%dma_start3A_422 : memref<128x64xf32, #tpu.memory_space<vmem_shared>>) target(%arg7 : memref<128x64xf32, #tpu.memory_space<vmem>>) target_semaphore(%run_scoped3A_419 : memref<!tpu.dma_semaphore, #tpu.memory_space<semaphore_mem>>)
        %dma_wait3A = arith.constant 0 : i32
        %dma_wait3A_423 = tpu.memref_slice %arg9[%add3A_415, %dma_wait3A] : memref<10240x64xf32, #tpu.memory_space<vmem_shared>> -> memref<128x64xf32, #tpu.memory_space<vmem_shared>>
        %dma_wait3A_424 = arith.constant 0 : i32
        %dma_wait3A_425 = tpu.memref_slice %arg9[%add3A_415, %dma_wait3A_424] : memref<10240x64xf32, #tpu.memory_space<vmem_shared>> -> memref<128x64xf32, #tpu.memory_space<vmem_shared>>
        tpu.wait_dma2 semaphore(%run_scoped3A_419 : memref<!tpu.dma_semaphore, #tpu.memory_space<semaphore_mem>>) src(%dma_wait3A_425 : memref<128x64xf32, #tpu.memory_space<vmem_shared>>) dst(%arg7 : memref<128x64xf32, #tpu.memory_space<vmem>>)
        tpu.yield
      }) : () -> ()
      %mul3A_416 = arith.constant 128 : i32
      %mul3A_417 = arith.muli %scan3A_412, %mul3A_416 : i32
      %add3A_418 = arith.addi %mul3A_386, %mul3A_417 : i32
      "tpu.region"() ({
        %run_scoped3A_419 = tpu.sem_alloc : memref<!tpu.dma_semaphore, #tpu.memory_space<semaphore_mem>>
        %dma_start3A = arith.constant 0 : i32
        %dma_start3A_420 = tpu.memref_slice %arg4[%arg0, %add3A_418, %dma_start3A] : memref<2x10240x64xf32, #tpu.memory_space<hbm>> -> memref<1x128x64xf32, #tpu.memory_space<hbm>>
        %dma_start3A_421 = tpu.memref_squeeze %dma_start3A_420 : memref<1x128x64xf32, #tpu.memory_space<hbm>> -> memref<128x64xf32, #tpu.memory_space<hbm>>
        %dma_start3A_422 = arith.constant 0 : i32
        %dma_start3A_423 = tpu.memref_slice %arg4[%arg0, %add3A_418, %dma_start3A_422] : memref<2x10240x64xf32, #tpu.memory_space<hbm>> -> memref<1x128x64xf32, #tpu.memory_space<hbm>>
        %dma_start3A_424 = tpu.memref_squeeze %dma_start3A_423 : memref<1x128x64xf32, #tpu.memory_space<hbm>> -> memref<128x64xf32, #tpu.memory_space<hbm>>
        tpu.enqueue_dma source(%arg7 : memref<128x64xf32, #tpu.memory_space<vmem>>) target(%dma_start3A_424 : memref<128x64xf32, #tpu.memory_space<hbm>>) target_semaphore(%run_scoped3A_419 : memref<!tpu.dma_semaphore, #tpu.memory_space<semaphore_mem>>)
        %dma_wait3A = arith.constant 0 : i32
        %dma_wait3A_425 = tpu.memref_slice %arg4[%arg0, %add3A_418, %dma_wait3A] : memref<2x10240x64xf32, #tpu.memory_space<hbm>> -> memref<1x128x64xf32, #tpu.memory_space<hbm>>
        %dma_wait3A_426 = tpu.memref_squeeze %dma_wait3A_425 : memref<1x128x64xf32, #tpu.memory_space<hbm>> -> memref<128x64xf32, #tpu.memory_space<hbm>>
        %dma_wait3A_427 = arith.constant 0 : i32
        %dma_wait3A_428 = tpu.memref_slice %arg4[%arg0, %add3A_418, %dma_wait3A_427] : memref<2x10240x64xf32, #tpu.memory_space<hbm>> -> memref<1x128x64xf32, #tpu.memory_space<hbm>>
        %dma_wait3A_429 = tpu.memref_squeeze %dma_wait3A_428 : memref<1x128x64xf32, #tpu.memory_space<hbm>> -> memref<128x64xf32, #tpu.memory_space<hbm>>
        tpu.wait_dma2 semaphore(%run_scoped3A_419 : memref<!tpu.dma_semaphore, #tpu.memory_space<semaphore_mem>>) src(%arg7 : memref<128x64xf32, #tpu.memory_space<vmem>>) dst(%dma_wait3A_429 : memref<128x64xf32, #tpu.memory_space<hbm>>)
        tpu.yield
      }) : () -> ()
    }
    %scan3A_411 = arith.constant 5 : i32
    return
  }
}

#map = affine_map<(d0, d1) -> (0, 0, 0, 0)>
#map1 = affine_map<(d0, d1) -> (0, 0, 0)>
module attributes {stable_mosaic.version = 14 : i64} {
  func.func @body(%arg0: i32, %arg1: i32, %arg2: memref<2x32x80x128xi32, #tpu.memory_space<hbm>>, %arg3: memref<2x2x10240xf32, #tpu.memory_space<hbm>>, %arg4: memref<80x128xi32, #tpu.memory_space<vmem>>, %arg5: memref<80x128xi32, #tpu.memory_space<vmem>>, %arg6: memref<128xf32, #tpu.memory_space<vmem>>, %arg7: memref<640xf32, #tpu.memory_space<vmem>>, %arg8: memref<640xf32, #tpu.memory_space<vmem>>, %arg9: memref<10240xf32, #tpu.memory_space<vmem_shared>>, %arg10: memref<10240xf32, #tpu.memory_space<vmem_shared>>) attributes {dimension_semantics = [#tpu.dimension_semantics<core_parallel>, #tpu.dimension_semantics<subcore_parallel>], iteration_bounds = array<i64: 2, 16>, scalar_prefetch = 0 : i64, scratch_operands = 7 : i64, tpu.core_type = #tpu.core_type<sc_vector_subcore>, window_params = [{transform_indices = #map}, {transform_indices = #map1}]} {
    %mul3A = arith.constant 2 : i32
    %mul3A_0 = arith.muli %arg1, %mul3A : i32
    %add3A = arith.addi %mul3A_0, %arg0 : i32
    %broadcast_in_dim3A = arith.constant 1.000000e+00 : f32
    %broadcast_in_dim3A_1 = vector.broadcast %broadcast_in_dim3A : f32 to vector<16xf32>
    %broadcast_in_dim3A_2 = arith.constant 0.000000e+00 : f32
    %broadcast_in_dim3A_3 = vector.broadcast %broadcast_in_dim3A_2 : f32 to vector<16xf32>
    %swap3A = arith.constant 0 : index
    %swap3A_4 = tpu.vector_load %arg6[%swap3A] {strides = array<i32>} : memref<128xf32, #tpu.memory_space<vmem>>, vector<16xf32>,
    %swap3A_5 = vector.shape_cast %swap3A_4 : vector<16xf32> to vector<16xf32>
    %swap3A_6 = vector.shape_cast %broadcast_in_dim3A_1 : vector<16xf32> to vector<16xf32>
    tpu.vector_store %arg6[%swap3A], %swap3A_6 {strides = array<i32>} : memref<128xf32, #tpu.memory_space<vmem>>, vector<16xf32>,
    %swap3A_7 = arith.constant 16 : index
    %swap3A_8 = tpu.vector_load %arg6[%swap3A_7] {strides = array<i32>} : memref<128xf32, #tpu.memory_space<vmem>>, vector<16xf32>,
    %swap3A_9 = vector.shape_cast %swap3A_8 : vector<16xf32> to vector<16xf32>
    %swap3A_10 = vector.shape_cast %broadcast_in_dim3A_1 : vector<16xf32> to vector<16xf32>
    tpu.vector_store %arg6[%swap3A_7], %swap3A_10 {strides = array<i32>} : memref<128xf32, #tpu.memory_space<vmem>>, vector<16xf32>,
    %swap3A_11 = arith.constant 32 : index
    %swap3A_12 = tpu.vector_load %arg6[%swap3A_11] {strides = array<i32>} : memref<128xf32, #tpu.memory_space<vmem>>, vector<16xf32>,
    %swap3A_13 = vector.shape_cast %swap3A_12 : vector<16xf32> to vector<16xf32>
    %swap3A_14 = vector.shape_cast %broadcast_in_dim3A_1 : vector<16xf32> to vector<16xf32>
    tpu.vector_store %arg6[%swap3A_11], %swap3A_14 {strides = array<i32>} : memref<128xf32, #tpu.memory_space<vmem>>, vector<16xf32>,
    %swap3A_15 = arith.constant 48 : index
    %swap3A_16 = tpu.vector_load %arg6[%swap3A_15] {strides = array<i32>} : memref<128xf32, #tpu.memory_space<vmem>>, vector<16xf32>,
    %swap3A_17 = vector.shape_cast %swap3A_16 : vector<16xf32> to vector<16xf32>
    %swap3A_18 = vector.shape_cast %broadcast_in_dim3A_1 : vector<16xf32> to vector<16xf32>
    tpu.vector_store %arg6[%swap3A_15], %swap3A_18 {strides = array<i32>} : memref<128xf32, #tpu.memory_space<vmem>>, vector<16xf32>,
    %swap3A_19 = arith.constant 64 : index
    %swap3A_20 = tpu.vector_load %arg6[%swap3A_19] {strides = array<i32>} : memref<128xf32, #tpu.memory_space<vmem>>, vector<16xf32>,
    %swap3A_21 = vector.shape_cast %swap3A_20 : vector<16xf32> to vector<16xf32>
    %swap3A_22 = vector.shape_cast %broadcast_in_dim3A_1 : vector<16xf32> to vector<16xf32>
    tpu.vector_store %arg6[%swap3A_19], %swap3A_22 {strides = array<i32>} : memref<128xf32, #tpu.memory_space<vmem>>, vector<16xf32>,
    %swap3A_23 = arith.constant 80 : index
    %swap3A_24 = tpu.vector_load %arg6[%swap3A_23] {strides = array<i32>} : memref<128xf32, #tpu.memory_space<vmem>>, vector<16xf32>,
    %swap3A_25 = vector.shape_cast %swap3A_24 : vector<16xf32> to vector<16xf32>
    %swap3A_26 = vector.shape_cast %broadcast_in_dim3A_1 : vector<16xf32> to vector<16xf32>
    tpu.vector_store %arg6[%swap3A_23], %swap3A_26 {strides = array<i32>} : memref<128xf32, #tpu.memory_space<vmem>>, vector<16xf32>,
    %swap3A_27 = arith.constant 96 : index
    %swap3A_28 = tpu.vector_load %arg6[%swap3A_27] {strides = array<i32>} : memref<128xf32, #tpu.memory_space<vmem>>, vector<16xf32>,
    %swap3A_29 = vector.shape_cast %swap3A_28 : vector<16xf32> to vector<16xf32>
    %swap3A_30 = vector.shape_cast %broadcast_in_dim3A_1 : vector<16xf32> to vector<16xf32>
    tpu.vector_store %arg6[%swap3A_27], %swap3A_30 {strides = array<i32>} : memref<128xf32, #tpu.memory_space<vmem>>, vector<16xf32>,
    %swap3A_31 = arith.constant 112 : index
    %swap3A_32 = tpu.vector_load %arg6[%swap3A_31] {strides = array<i32>} : memref<128xf32, #tpu.memory_space<vmem>>, vector<16xf32>,
    %swap3A_33 = vector.shape_cast %swap3A_32 : vector<16xf32> to vector<16xf32>
    %swap3A_34 = vector.shape_cast %broadcast_in_dim3A_1 : vector<16xf32> to vector<16xf32>
    tpu.vector_store %arg6[%swap3A_31], %swap3A_34 {strides = array<i32>} : memref<128xf32, #tpu.memory_space<vmem>>, vector<16xf32>,
    %swap3A_35 = arith.constant 0 : index
    %swap3A_36 = tpu.vector_load %arg7[%swap3A_35] {strides = array<i32>} : memref<640xf32, #tpu.memory_space<vmem>>, vector<16xf32>,
    %swap3A_37 = vector.shape_cast %swap3A_36 : vector<16xf32> to vector<16xf32>
    %swap3A_38 = vector.shape_cast %broadcast_in_dim3A_3 : vector<16xf32> to vector<16xf32>
    tpu.vector_store %arg7[%swap3A_35], %swap3A_38 {strides = array<i32>} : memref<640xf32, #tpu.memory_space<vmem>>, vector<16xf32>,
    %swap3A_39 = arith.constant 16 : index
    %swap3A_40 = tpu.vector_load %arg7[%swap3A_39] {strides = array<i32>} : memref<640xf32, #tpu.memory_space<vmem>>, vector<16xf32>,
    %swap3A_41 = vector.shape_cast %swap3A_40 : vector<16xf32> to vector<16xf32>
    %swap3A_42 = vector.shape_cast %broadcast_in_dim3A_3 : vector<16xf32> to vector<16xf32>
    tpu.vector_store %arg7[%swap3A_39], %swap3A_42 {strides = array<i32>} : memref<640xf32, #tpu.memory_space<vmem>>, vector<16xf32>,
    %swap3A_43 = arith.constant 32 : index
    %swap3A_44 = tpu.vector_load %arg7[%swap3A_43] {strides = array<i32>} : memref<640xf32, #tpu.memory_space<vmem>>, vector<16xf32>,
    %swap3A_45 = vector.shape_cast %swap3A_44 : vector<16xf32> to vector<16xf32>
    %swap3A_46 = vector.shape_cast %broadcast_in_dim3A_3 : vector<16xf32> to vector<16xf32>
    tpu.vector_store %arg7[%swap3A_43], %swap3A_46 {strides = array<i32>} : memref<640xf32, #tpu.memory_space<vmem>>, vector<16xf32>,
    %swap3A_47 = arith.constant 48 : index
    %swap3A_48 = tpu.vector_load %arg7[%swap3A_47] {strides = array<i32>} : memref<640xf32, #tpu.memory_space<vmem>>, vector<16xf32>,
    %swap3A_49 = vector.shape_cast %swap3A_48 : vector<16xf32> to vector<16xf32>
    %swap3A_50 = vector.shape_cast %broadcast_in_dim3A_3 : vector<16xf32> to vector<16xf32>
    tpu.vector_store %arg7[%swap3A_47], %swap3A_50 {strides = array<i32>} : memref<640xf32, #tpu.memory_space<vmem>>, vector<16xf32>,
    %swap3A_51 = arith.constant 64 : index
    %swap3A_52 = tpu.vector_load %arg7[%swap3A_51] {strides = array<i32>} : memref<640xf32, #tpu.memory_space<vmem>>, vector<16xf32>,
    %swap3A_53 = vector.shape_cast %swap3A_52 : vector<16xf32> to vector<16xf32>
    %swap3A_54 = vector.shape_cast %broadcast_in_dim3A_3 : vector<16xf32> to vector<16xf32>
    tpu.vector_store %arg7[%swap3A_51], %swap3A_54 {strides = array<i32>} : memref<640xf32, #tpu.memory_space<vmem>>, vector<16xf32>,
    %swap3A_55 = arith.constant 80 : index
    %swap3A_56 = tpu.vector_load %arg7[%swap3A_55] {strides = array<i32>} : memref<640xf32, #tpu.memory_space<vmem>>, vector<16xf32>,
    %swap3A_57 = vector.shape_cast %swap3A_56 : vector<16xf32> to vector<16xf32>
    %swap3A_58 = vector.shape_cast %broadcast_in_dim3A_3 : vector<16xf32> to vector<16xf32>
    tpu.vector_store %arg7[%swap3A_55], %swap3A_58 {strides = array<i32>} : memref<640xf32, #tpu.memory_space<vmem>>, vector<16xf32>,
    %swap3A_59 = arith.constant 96 : index
    %swap3A_60 = tpu.vector_load %arg7[%swap3A_59] {strides = array<i32>} : memref<640xf32, #tpu.memory_space<vmem>>, vector<16xf32>,
    %swap3A_61 = vector.shape_cast %swap3A_60 : vector<16xf32> to vector<16xf32>
    %swap3A_62 = vector.shape_cast %broadcast_in_dim3A_3 : vector<16xf32> to vector<16xf32>
    tpu.vector_store %arg7[%swap3A_59], %swap3A_62 {strides = array<i32>} : memref<640xf32, #tpu.memory_space<vmem>>, vector<16xf32>,
    %swap3A_63 = arith.constant 112 : index
    %swap3A_64 = tpu.vector_load %arg7[%swap3A_63] {strides = array<i32>} : memref<640xf32, #tpu.memory_space<vmem>>, vector<16xf32>,
    %swap3A_65 = vector.shape_cast %swap3A_64 : vector<16xf32> to vector<16xf32>
    %swap3A_66 = vector.shape_cast %broadcast_in_dim3A_3 : vector<16xf32> to vector<16xf32>
    tpu.vector_store %arg7[%swap3A_63], %swap3A_66 {strides = array<i32>} : memref<640xf32, #tpu.memory_space<vmem>>, vector<16xf32>,
    %swap3A_67 = arith.constant 128 : index
    %swap3A_68 = tpu.vector_load %arg7[%swap3A_67] {strides = array<i32>} : memref<640xf32, #tpu.memory_space<vmem>>, vector<16xf32>,
    %swap3A_69 = vector.shape_cast %swap3A_68 : vector<16xf32> to vector<16xf32>
    %swap3A_70 = vector.shape_cast %broadcast_in_dim3A_3 : vector<16xf32> to vector<16xf32>
    tpu.vector_store %arg7[%swap3A_67], %swap3A_70 {strides = array<i32>} : memref<640xf32, #tpu.memory_space<vmem>>, vector<16xf32>,
    %swap3A_71 = arith.constant 144 : index
    %swap3A_72 = tpu.vector_load %arg7[%swap3A_71] {strides = array<i32>} : memref<640xf32, #tpu.memory_space<vmem>>, vector<16xf32>,
    %swap3A_73 = vector.shape_cast %swap3A_72 : vector<16xf32> to vector<16xf32>
    %swap3A_74 = vector.shape_cast %broadcast_in_dim3A_3 : vector<16xf32> to vector<16xf32>
    tpu.vector_store %arg7[%swap3A_71], %swap3A_74 {strides = array<i32>} : memref<640xf32, #tpu.memory_space<vmem>>, vector<16xf32>,
    %swap3A_75 = arith.constant 160 : index
    %swap3A_76 = tpu.vector_load %arg7[%swap3A_75] {strides = array<i32>} : memref<640xf32, #tpu.memory_space<vmem>>, vector<16xf32>,
    %swap3A_77 = vector.shape_cast %swap3A_76 : vector<16xf32> to vector<16xf32>
    %swap3A_78 = vector.shape_cast %broadcast_in_dim3A_3 : vector<16xf32> to vector<16xf32>
    tpu.vector_store %arg7[%swap3A_75], %swap3A_78 {strides = array<i32>} : memref<640xf32, #tpu.memory_space<vmem>>, vector<16xf32>,
    %swap3A_79 = arith.constant 176 : index
    %swap3A_80 = tpu.vector_load %arg7[%swap3A_79] {strides = array<i32>} : memref<640xf32, #tpu.memory_space<vmem>>, vector<16xf32>,
    %swap3A_81 = vector.shape_cast %swap3A_80 : vector<16xf32> to vector<16xf32>
    %swap3A_82 = vector.shape_cast %broadcast_in_dim3A_3 : vector<16xf32> to vector<16xf32>
    tpu.vector_store %arg7[%swap3A_79], %swap3A_82 {strides = array<i32>} : memref<640xf32, #tpu.memory_space<vmem>>, vector<16xf32>,
    %swap3A_83 = arith.constant 192 : index
    %swap3A_84 = tpu.vector_load %arg7[%swap3A_83] {strides = array<i32>} : memref<640xf32, #tpu.memory_space<vmem>>, vector<16xf32>,
    %swap3A_85 = vector.shape_cast %swap3A_84 : vector<16xf32> to vector<16xf32>
    %swap3A_86 = vector.shape_cast %broadcast_in_dim3A_3 : vector<16xf32> to vector<16xf32>
    tpu.vector_store %arg7[%swap3A_83], %swap3A_86 {strides = array<i32>} : memref<640xf32, #tpu.memory_space<vmem>>, vector<16xf32>,
    %swap3A_87 = arith.constant 208 : index
    %swap3A_88 = tpu.vector_load %arg7[%swap3A_87] {strides = array<i32>} : memref<640xf32, #tpu.memory_space<vmem>>, vector<16xf32>,
    %swap3A_89 = vector.shape_cast %swap3A_88 : vector<16xf32> to vector<16xf32>
    %swap3A_90 = vector.shape_cast %broadcast_in_dim3A_3 : vector<16xf32> to vector<16xf32>
    tpu.vector_store %arg7[%swap3A_87], %swap3A_90 {strides = array<i32>} : memref<640xf32, #tpu.memory_space<vmem>>, vector<16xf32>,
    %swap3A_91 = arith.constant 224 : index
    %swap3A_92 = tpu.vector_load %arg7[%swap3A_91] {strides = array<i32>} : memref<640xf32, #tpu.memory_space<vmem>>, vector<16xf32>,
    %swap3A_93 = vector.shape_cast %swap3A_92 : vector<16xf32> to vector<16xf32>
    %swap3A_94 = vector.shape_cast %broadcast_in_dim3A_3 : vector<16xf32> to vector<16xf32>
    tpu.vector_store %arg7[%swap3A_91], %swap3A_94 {strides = array<i32>} : memref<640xf32, #tpu.memory_space<vmem>>, vector<16xf32>,
    %swap3A_95 = arith.constant 240 : index
    %swap3A_96 = tpu.vector_load %arg7[%swap3A_95] {strides = array<i32>} : memref<640xf32, #tpu.memory_space<vmem>>, vector<16xf32>,
    %swap3A_97 = vector.shape_cast %swap3A_96 : vector<16xf32> to vector<16xf32>
    %swap3A_98 = vector.shape_cast %broadcast_in_dim3A_3 : vector<16xf32> to vector<16xf32>
    tpu.vector_store %arg7[%swap3A_95], %swap3A_98 {strides = array<i32>} : memref<640xf32, #tpu.memory_space<vmem>>, vector<16xf32>,
    %swap3A_99 = arith.constant 256 : index
    %swap3A_100 = tpu.vector_load %arg7[%swap3A_99] {strides = array<i32>} : memref<640xf32, #tpu.memory_space<vmem>>, vector<16xf32>,
    %swap3A_101 = vector.shape_cast %swap3A_100 : vector<16xf32> to vector<16xf32>
    %swap3A_102 = vector.shape_cast %broadcast_in_dim3A_3 : vector<16xf32> to vector<16xf32>
    tpu.vector_store %arg7[%swap3A_99], %swap3A_102 {strides = array<i32>} : memref<640xf32, #tpu.memory_space<vmem>>, vector<16xf32>,
    %swap3A_103 = arith.constant 272 : index
    %swap3A_104 = tpu.vector_load %arg7[%swap3A_103] {strides = array<i32>} : memref<640xf32, #tpu.memory_space<vmem>>, vector<16xf32>,
    %swap3A_105 = vector.shape_cast %swap3A_104 : vector<16xf32> to vector<16xf32>
    %swap3A_106 = vector.shape_cast %broadcast_in_dim3A_3 : vector<16xf32> to vector<16xf32>
    tpu.vector_store %arg7[%swap3A_103], %swap3A_106 {strides = array<i32>} : memref<640xf32, #tpu.memory_space<vmem>>, vector<16xf32>,
    %swap3A_107 = arith.constant 288 : index
    %swap3A_108 = tpu.vector_load %arg7[%swap3A_107] {strides = array<i32>} : memref<640xf32, #tpu.memory_space<vmem>>, vector<16xf32>,
    %swap3A_109 = vector.shape_cast %swap3A_108 : vector<16xf32> to vector<16xf32>
    %swap3A_110 = vector.shape_cast %broadcast_in_dim3A_3 : vector<16xf32> to vector<16xf32>
    tpu.vector_store %arg7[%swap3A_107], %swap3A_110 {strides = array<i32>} : memref<640xf32, #tpu.memory_space<vmem>>, vector<16xf32>,
    %swap3A_111 = arith.constant 304 : index
    %swap3A_112 = tpu.vector_load %arg7[%swap3A_111] {strides = array<i32>} : memref<640xf32, #tpu.memory_space<vmem>>, vector<16xf32>,
    %swap3A_113 = vector.shape_cast %swap3A_112 : vector<16xf32> to vector<16xf32>
    %swap3A_114 = vector.shape_cast %broadcast_in_dim3A_3 : vector<16xf32> to vector<16xf32>
    tpu.vector_store %arg7[%swap3A_111], %swap3A_114 {strides = array<i32>} : memref<640xf32, #tpu.memory_space<vmem>>, vector<16xf32>,
    %swap3A_115 = arith.constant 320 : index
    %swap3A_116 = tpu.vector_load %arg7[%swap3A_115] {strides = array<i32>} : memref<640xf32, #tpu.memory_space<vmem>>, vector<16xf32>,
    %swap3A_117 = vector.shape_cast %swap3A_116 : vector<16xf32> to vector<16xf32>
    %swap3A_118 = vector.shape_cast %broadcast_in_dim3A_3 : vector<16xf32> to vector<16xf32>
    tpu.vector_store %arg7[%swap3A_115], %swap3A_118 {strides = array<i32>} : memref<640xf32, #tpu.memory_space<vmem>>, vector<16xf32>,
    %swap3A_119 = arith.constant 336 : index
    %swap3A_120 = tpu.vector_load %arg7[%swap3A_119] {strides = array<i32>} : memref<640xf32, #tpu.memory_space<vmem>>, vector<16xf32>,
    %swap3A_121 = vector.shape_cast %swap3A_120 : vector<16xf32> to vector<16xf32>
    %swap3A_122 = vector.shape_cast %broadcast_in_dim3A_3 : vector<16xf32> to vector<16xf32>
    tpu.vector_store %arg7[%swap3A_119], %swap3A_122 {strides = array<i32>} : memref<640xf32, #tpu.memory_space<vmem>>, vector<16xf32>,
    %swap3A_123 = arith.constant 352 : index
    %swap3A_124 = tpu.vector_load %arg7[%swap3A_123] {strides = array<i32>} : memref<640xf32, #tpu.memory_space<vmem>>, vector<16xf32>,
    %swap3A_125 = vector.shape_cast %swap3A_124 : vector<16xf32> to vector<16xf32>
    %swap3A_126 = vector.shape_cast %broadcast_in_dim3A_3 : vector<16xf32> to vector<16xf32>
    tpu.vector_store %arg7[%swap3A_123], %swap3A_126 {strides = array<i32>} : memref<640xf32, #tpu.memory_space<vmem>>, vector<16xf32>,
    %swap3A_127 = arith.constant 368 : index
    %swap3A_128 = tpu.vector_load %arg7[%swap3A_127] {strides = array<i32>} : memref<640xf32, #tpu.memory_space<vmem>>, vector<16xf32>,
    %swap3A_129 = vector.shape_cast %swap3A_128 : vector<16xf32> to vector<16xf32>
    %swap3A_130 = vector.shape_cast %broadcast_in_dim3A_3 : vector<16xf32> to vector<16xf32>
    tpu.vector_store %arg7[%swap3A_127], %swap3A_130 {strides = array<i32>} : memref<640xf32, #tpu.memory_space<vmem>>, vector<16xf32>,
    %swap3A_131 = arith.constant 384 : index
    %swap3A_132 = tpu.vector_load %arg7[%swap3A_131] {strides = array<i32>} : memref<640xf32, #tpu.memory_space<vmem>>, vector<16xf32>,
    %swap3A_133 = vector.shape_cast %swap3A_132 : vector<16xf32> to vector<16xf32>
    %swap3A_134 = vector.shape_cast %broadcast_in_dim3A_3 : vector<16xf32> to vector<16xf32>
    tpu.vector_store %arg7[%swap3A_131], %swap3A_134 {strides = array<i32>} : memref<640xf32, #tpu.memory_space<vmem>>, vector<16xf32>,
    %swap3A_135 = arith.constant 400 : index
    %swap3A_136 = tpu.vector_load %arg7[%swap3A_135] {strides = array<i32>} : memref<640xf32, #tpu.memory_space<vmem>>, vector<16xf32>,
    %swap3A_137 = vector.shape_cast %swap3A_136 : vector<16xf32> to vector<16xf32>
    %swap3A_138 = vector.shape_cast %broadcast_in_dim3A_3 : vector<16xf32> to vector<16xf32>
    tpu.vector_store %arg7[%swap3A_135], %swap3A_138 {strides = array<i32>} : memref<640xf32, #tpu.memory_space<vmem>>, vector<16xf32>,
    %swap3A_139 = arith.constant 416 : index
    %swap3A_140 = tpu.vector_load %arg7[%swap3A_139] {strides = array<i32>} : memref<640xf32, #tpu.memory_space<vmem>>, vector<16xf32>,
    %swap3A_141 = vector.shape_cast %swap3A_140 : vector<16xf32> to vector<16xf32>
    %swap3A_142 = vector.shape_cast %broadcast_in_dim3A_3 : vector<16xf32> to vector<16xf32>
    tpu.vector_store %arg7[%swap3A_139], %swap3A_142 {strides = array<i32>} : memref<640xf32, #tpu.memory_space<vmem>>, vector<16xf32>,
    %swap3A_143 = arith.constant 432 : index
    %swap3A_144 = tpu.vector_load %arg7[%swap3A_143] {strides = array<i32>} : memref<640xf32, #tpu.memory_space<vmem>>, vector<16xf32>,
    %swap3A_145 = vector.shape_cast %swap3A_144 : vector<16xf32> to vector<16xf32>
    %swap3A_146 = vector.shape_cast %broadcast_in_dim3A_3 : vector<16xf32> to vector<16xf32>
    tpu.vector_store %arg7[%swap3A_143], %swap3A_146 {strides = array<i32>} : memref<640xf32, #tpu.memory_space<vmem>>, vector<16xf32>,
    %swap3A_147 = arith.constant 448 : index
    %swap3A_148 = tpu.vector_load %arg7[%swap3A_147] {strides = array<i32>} : memref<640xf32, #tpu.memory_space<vmem>>, vector<16xf32>,
    %swap3A_149 = vector.shape_cast %swap3A_148 : vector<16xf32> to vector<16xf32>
    %swap3A_150 = vector.shape_cast %broadcast_in_dim3A_3 : vector<16xf32> to vector<16xf32>
    tpu.vector_store %arg7[%swap3A_147], %swap3A_150 {strides = array<i32>} : memref<640xf32, #tpu.memory_space<vmem>>, vector<16xf32>,
    %swap3A_151 = arith.constant 464 : index
    %swap3A_152 = tpu.vector_load %arg7[%swap3A_151] {strides = array<i32>} : memref<640xf32, #tpu.memory_space<vmem>>, vector<16xf32>,
    %swap3A_153 = vector.shape_cast %swap3A_152 : vector<16xf32> to vector<16xf32>
    %swap3A_154 = vector.shape_cast %broadcast_in_dim3A_3 : vector<16xf32> to vector<16xf32>
    tpu.vector_store %arg7[%swap3A_151], %swap3A_154 {strides = array<i32>} : memref<640xf32, #tpu.memory_space<vmem>>, vector<16xf32>,
    %swap3A_155 = arith.constant 480 : index
    %swap3A_156 = tpu.vector_load %arg7[%swap3A_155] {strides = array<i32>} : memref<640xf32, #tpu.memory_space<vmem>>, vector<16xf32>,
    %swap3A_157 = vector.shape_cast %swap3A_156 : vector<16xf32> to vector<16xf32>
    %swap3A_158 = vector.shape_cast %broadcast_in_dim3A_3 : vector<16xf32> to vector<16xf32>
    tpu.vector_store %arg7[%swap3A_155], %swap3A_158 {strides = array<i32>} : memref<640xf32, #tpu.memory_space<vmem>>, vector<16xf32>,
    %swap3A_159 = arith.constant 496 : index
    %swap3A_160 = tpu.vector_load %arg7[%swap3A_159] {strides = array<i32>} : memref<640xf32, #tpu.memory_space<vmem>>, vector<16xf32>,
    %swap3A_161 = vector.shape_cast %swap3A_160 : vector<16xf32> to vector<16xf32>
    %swap3A_162 = vector.shape_cast %broadcast_in_dim3A_3 : vector<16xf32> to vector<16xf32>
    tpu.vector_store %arg7[%swap3A_159], %swap3A_162 {strides = array<i32>} : memref<640xf32, #tpu.memory_space<vmem>>, vector<16xf32>,
    %swap3A_163 = arith.constant 512 : index
    %swap3A_164 = tpu.vector_load %arg7[%swap3A_163] {strides = array<i32>} : memref<640xf32, #tpu.memory_space<vmem>>, vector<16xf32>,
    %swap3A_165 = vector.shape_cast %swap3A_164 : vector<16xf32> to vector<16xf32>
    %swap3A_166 = vector.shape_cast %broadcast_in_dim3A_3 : vector<16xf32> to vector<16xf32>
    tpu.vector_store %arg7[%swap3A_163], %swap3A_166 {strides = array<i32>} : memref<640xf32, #tpu.memory_space<vmem>>, vector<16xf32>,
    %swap3A_167 = arith.constant 528 : index
    %swap3A_168 = tpu.vector_load %arg7[%swap3A_167] {strides = array<i32>} : memref<640xf32, #tpu.memory_space<vmem>>, vector<16xf32>,
    %swap3A_169 = vector.shape_cast %swap3A_168 : vector<16xf32> to vector<16xf32>
    %swap3A_170 = vector.shape_cast %broadcast_in_dim3A_3 : vector<16xf32> to vector<16xf32>
    tpu.vector_store %arg7[%swap3A_167], %swap3A_170 {strides = array<i32>} : memref<640xf32, #tpu.memory_space<vmem>>, vector<16xf32>,
    %swap3A_171 = arith.constant 544 : index
    %swap3A_172 = tpu.vector_load %arg7[%swap3A_171] {strides = array<i32>} : memref<640xf32, #tpu.memory_space<vmem>>, vector<16xf32>,
    %swap3A_173 = vector.shape_cast %swap3A_172 : vector<16xf32> to vector<16xf32>
    %swap3A_174 = vector.shape_cast %broadcast_in_dim3A_3 : vector<16xf32> to vector<16xf32>
    tpu.vector_store %arg7[%swap3A_171], %swap3A_174 {strides = array<i32>} : memref<640xf32, #tpu.memory_space<vmem>>, vector<16xf32>,
    %swap3A_175 = arith.constant 560 : index
    %swap3A_176 = tpu.vector_load %arg7[%swap3A_175] {strides = array<i32>} : memref<640xf32, #tpu.memory_space<vmem>>, vector<16xf32>,
    %swap3A_177 = vector.shape_cast %swap3A_176 : vector<16xf32> to vector<16xf32>
    %swap3A_178 = vector.shape_cast %broadcast_in_dim3A_3 : vector<16xf32> to vector<16xf32>
    tpu.vector_store %arg7[%swap3A_175], %swap3A_178 {strides = array<i32>} : memref<640xf32, #tpu.memory_space<vmem>>, vector<16xf32>,
    %swap3A_179 = arith.constant 576 : index
    %swap3A_180 = tpu.vector_load %arg7[%swap3A_179] {strides = array<i32>} : memref<640xf32, #tpu.memory_space<vmem>>, vector<16xf32>,
    %swap3A_181 = vector.shape_cast %swap3A_180 : vector<16xf32> to vector<16xf32>
    %swap3A_182 = vector.shape_cast %broadcast_in_dim3A_3 : vector<16xf32> to vector<16xf32>
    tpu.vector_store %arg7[%swap3A_179], %swap3A_182 {strides = array<i32>} : memref<640xf32, #tpu.memory_space<vmem>>, vector<16xf32>,
    %swap3A_183 = arith.constant 592 : index
    %swap3A_184 = tpu.vector_load %arg7[%swap3A_183] {strides = array<i32>} : memref<640xf32, #tpu.memory_space<vmem>>, vector<16xf32>,
    %swap3A_185 = vector.shape_cast %swap3A_184 : vector<16xf32> to vector<16xf32>
    %swap3A_186 = vector.shape_cast %broadcast_in_dim3A_3 : vector<16xf32> to vector<16xf32>
    tpu.vector_store %arg7[%swap3A_183], %swap3A_186 {strides = array<i32>} : memref<640xf32, #tpu.memory_space<vmem>>, vector<16xf32>,
    %swap3A_187 = arith.constant 608 : index
    %swap3A_188 = tpu.vector_load %arg7[%swap3A_187] {strides = array<i32>} : memref<640xf32, #tpu.memory_space<vmem>>, vector<16xf32>,
    %swap3A_189 = vector.shape_cast %swap3A_188 : vector<16xf32> to vector<16xf32>
    %swap3A_190 = vector.shape_cast %broadcast_in_dim3A_3 : vector<16xf32> to vector<16xf32>
    tpu.vector_store %arg7[%swap3A_187], %swap3A_190 {strides = array<i32>} : memref<640xf32, #tpu.memory_space<vmem>>, vector<16xf32>,
    %swap3A_191 = arith.constant 624 : index
    %swap3A_192 = tpu.vector_load %arg7[%swap3A_191] {strides = array<i32>} : memref<640xf32, #tpu.memory_space<vmem>>, vector<16xf32>,
    %swap3A_193 = vector.shape_cast %swap3A_192 : vector<16xf32> to vector<16xf32>
    %swap3A_194 = vector.shape_cast %broadcast_in_dim3A_3 : vector<16xf32> to vector<16xf32>
    tpu.vector_store %arg7[%swap3A_191], %swap3A_194 {strides = array<i32>} : memref<640xf32, #tpu.memory_space<vmem>>, vector<16xf32>,
    %mul3A_195 = arith.constant 640 : i32
    %mul3A_196 = arith.muli %arg1, %mul3A_195 : i32
    "tpu.region"() ({
      %run_scoped3A_206 = tpu.sem_alloc : memref<!tpu.dma_semaphore, #tpu.memory_space<semaphore_mem>>
      %dma_start3A = tpu.memref_slice %arg9[%mul3A_196] : memref<10240xf32, #tpu.memory_space<vmem_shared>> -> memref<640xf32, #tpu.memory_space<vmem_shared>>
      %dma_start3A_207 = tpu.memref_slice %arg9[%mul3A_196] : memref<10240xf32, #tpu.memory_space<vmem_shared>> -> memref<640xf32, #tpu.memory_space<vmem_shared>>
      tpu.enqueue_dma source(%arg7 : memref<640xf32, #tpu.memory_space<vmem>>) target(%dma_start3A_207 : memref<640xf32, #tpu.memory_space<vmem_shared>>) target_semaphore(%run_scoped3A_206 : memref<!tpu.dma_semaphore, #tpu.memory_space<semaphore_mem>>)
      %dma_wait3A = tpu.memref_slice %arg9[%mul3A_196] : memref<10240xf32, #tpu.memory_space<vmem_shared>> -> memref<640xf32, #tpu.memory_space<vmem_shared>>
      %dma_wait3A_208 = tpu.memref_slice %arg9[%mul3A_196] : memref<10240xf32, #tpu.memory_space<vmem_shared>> -> memref<640xf32, #tpu.memory_space<vmem_shared>>
      tpu.wait_dma2 semaphore(%run_scoped3A_206 : memref<!tpu.dma_semaphore, #tpu.memory_space<semaphore_mem>>) src(%arg7 : memref<640xf32, #tpu.memory_space<vmem>>) dst(%dma_wait3A_208 : memref<640xf32, #tpu.memory_space<vmem_shared>>)
      tpu.yield
    }) : () -> ()
    "tpu.region"() ({
      %run_scoped3A_206 = tpu.sem_alloc : memref<!tpu.dma_semaphore, #tpu.memory_space<semaphore_mem>>
      %dma_start3A = tpu.memref_slice %arg10[%mul3A_196] : memref<10240xf32, #tpu.memory_space<vmem_shared>> -> memref<640xf32, #tpu.memory_space<vmem_shared>>
      %dma_start3A_207 = tpu.memref_slice %arg10[%mul3A_196] : memref<10240xf32, #tpu.memory_space<vmem_shared>> -> memref<640xf32, #tpu.memory_space<vmem_shared>>
      tpu.enqueue_dma source(%arg7 : memref<640xf32, #tpu.memory_space<vmem>>) target(%dma_start3A_207 : memref<640xf32, #tpu.memory_space<vmem_shared>>) target_semaphore(%run_scoped3A_206 : memref<!tpu.dma_semaphore, #tpu.memory_space<semaphore_mem>>)
      %dma_wait3A = tpu.memref_slice %arg10[%mul3A_196] : memref<10240xf32, #tpu.memory_space<vmem_shared>> -> memref<640xf32, #tpu.memory_space<vmem_shared>>
      %dma_wait3A_208 = tpu.memref_slice %arg10[%mul3A_196] : memref<10240xf32, #tpu.memory_space<vmem_shared>> -> memref<640xf32, #tpu.memory_space<vmem_shared>>
      tpu.wait_dma2 semaphore(%run_scoped3A_206 : memref<!tpu.dma_semaphore, #tpu.memory_space<semaphore_mem>>) src(%arg7 : memref<640xf32, #tpu.memory_space<vmem>>) dst(%dma_wait3A_208 : memref<640xf32, #tpu.memory_space<vmem_shared>>)
      tpu.yield
    }) : () -> ()
    %barrier3A = arith.constant 0 : index
    tpu.barrier barrier_id(%barrier3A)
    %run_scoped3A = arith.constant 0 : i32
    "tpu.region"() ({
      %run_scoped3A_206 = tpu.sem_alloc : memref<!tpu.dma_semaphore, #tpu.memory_space<semaphore_mem>>
      %dma_start3A = arith.constant 0 : i32
      %dma_start3A_207 = arith.constant 0 : i32
      %dma_start3A_208 = tpu.memref_slice %arg2[%run_scoped3A, %add3A, %dma_start3A, %dma_start3A_207] : memref<2x32x80x128xi32, #tpu.memory_space<hbm>> -> memref<1x1x80x128xi32, #tpu.memory_space<hbm>>
      %dma_start3A_209 = tpu.memref_squeeze %dma_start3A_208 : memref<1x1x80x128xi32, #tpu.memory_space<hbm>> -> memref<80x128xi32, #tpu.memory_space<hbm>>
      %dma_start3A_210 = arith.constant 0 : i32
      %dma_start3A_211 = arith.constant 0 : i32
      %dma_start3A_212 = tpu.memref_slice %arg2[%run_scoped3A, %add3A, %dma_start3A_210, %dma_start3A_211] : memref<2x32x80x128xi32, #tpu.memory_space<hbm>> -> memref<1x1x80x128xi32, #tpu.memory_space<hbm>>
      %dma_start3A_213 = tpu.memref_squeeze %dma_start3A_212 : memref<1x1x80x128xi32, #tpu.memory_space<hbm>> -> memref<80x128xi32, #tpu.memory_space<hbm>>
      tpu.enqueue_dma source(%dma_start3A_213 : memref<80x128xi32, #tpu.memory_space<hbm>>) target(%arg4 : memref<80x128xi32, #tpu.memory_space<vmem>>) target_semaphore(%run_scoped3A_206 : memref<!tpu.dma_semaphore, #tpu.memory_space<semaphore_mem>>)
      %dma_wait3A = arith.constant 0 : i32
      %dma_wait3A_214 = arith.constant 0 : i32
      %dma_wait3A_215 = tpu.memref_slice %arg2[%run_scoped3A, %add3A, %dma_wait3A, %dma_wait3A_214] : memref<2x32x80x128xi32, #tpu.memory_space<hbm>> -> memref<1x1x80x128xi32, #tpu.memory_space<hbm>>
      %dma_wait3A_216 = tpu.memref_squeeze %dma_wait3A_215 : memref<1x1x80x128xi32, #tpu.memory_space<hbm>> -> memref<80x128xi32, #tpu.memory_space<hbm>>
      %dma_wait3A_217 = arith.constant 0 : i32
      %dma_wait3A_218 = arith.constant 0 : i32
      %dma_wait3A_219 = tpu.memref_slice %arg2[%run_scoped3A, %add3A, %dma_wait3A_217, %dma_wait3A_218] : memref<2x32x80x128xi32, #tpu.memory_space<hbm>> -> memref<1x1x80x128xi32, #tpu.memory_space<hbm>>
      %dma_wait3A_220 = tpu.memref_squeeze %dma_wait3A_219 : memref<1x1x80x128xi32, #tpu.memory_space<hbm>> -> memref<80x128xi32, #tpu.memory_space<hbm>>
      tpu.wait_dma2 semaphore(%run_scoped3A_206 : memref<!tpu.dma_semaphore, #tpu.memory_space<semaphore_mem>>) src(%dma_wait3A_220 : memref<80x128xi32, #tpu.memory_space<hbm>>) dst(%arg4 : memref<80x128xi32, #tpu.memory_space<vmem>>)
      tpu.yield
    }) : () -> ()
    %run_scoped3A_197 = arith.constant 1 : i32
    "tpu.region"() ({
      %run_scoped3A_206 = tpu.sem_alloc : memref<!tpu.dma_semaphore, #tpu.memory_space<semaphore_mem>>
      %dma_start3A = arith.constant 0 : i32
      %dma_start3A_207 = arith.constant 0 : i32
      %dma_start3A_208 = tpu.memref_slice %arg2[%run_scoped3A_197, %add3A, %dma_start3A, %dma_start3A_207] : memref<2x32x80x128xi32, #tpu.memory_space<hbm>> -> memref<1x1x80x128xi32, #tpu.memory_space<hbm>>
      %dma_start3A_209 = tpu.memref_squeeze %dma_start3A_208 : memref<1x1x80x128xi32, #tpu.memory_space<hbm>> -> memref<80x128xi32, #tpu.memory_space<hbm>>
      %dma_start3A_210 = arith.constant 0 : i32
      %dma_start3A_211 = arith.constant 0 : i32
      %dma_start3A_212 = tpu.memref_slice %arg2[%run_scoped3A_197, %add3A, %dma_start3A_210, %dma_start3A_211] : memref<2x32x80x128xi32, #tpu.memory_space<hbm>> -> memref<1x1x80x128xi32, #tpu.memory_space<hbm>>
      %dma_start3A_213 = tpu.memref_squeeze %dma_start3A_212 : memref<1x1x80x128xi32, #tpu.memory_space<hbm>> -> memref<80x128xi32, #tpu.memory_space<hbm>>
      tpu.enqueue_dma source(%dma_start3A_213 : memref<80x128xi32, #tpu.memory_space<hbm>>) target(%arg5 : memref<80x128xi32, #tpu.memory_space<vmem>>) target_semaphore(%run_scoped3A_206 : memref<!tpu.dma_semaphore, #tpu.memory_space<semaphore_mem>>)
      %dma_wait3A = arith.constant 0 : i32
      %dma_wait3A_214 = arith.constant 0 : i32
      %dma_wait3A_215 = tpu.memref_slice %arg2[%run_scoped3A_197, %add3A, %dma_wait3A, %dma_wait3A_214] : memref<2x32x80x128xi32, #tpu.memory_space<hbm>> -> memref<1x1x80x128xi32, #tpu.memory_space<hbm>>
      %dma_wait3A_216 = tpu.memref_squeeze %dma_wait3A_215 : memref<1x1x80x128xi32, #tpu.memory_space<hbm>> -> memref<80x128xi32, #tpu.memory_space<hbm>>
      %dma_wait3A_217 = arith.constant 0 : i32
      %dma_wait3A_218 = arith.constant 0 : i32
      %dma_wait3A_219 = tpu.memref_slice %arg2[%run_scoped3A_197, %add3A, %dma_wait3A_217, %dma_wait3A_218] : memref<2x32x80x128xi32, #tpu.memory_space<hbm>> -> memref<1x1x80x128xi32, #tpu.memory_space<hbm>>
      %dma_wait3A_220 = tpu.memref_squeeze %dma_wait3A_219 : memref<1x1x80x128xi32, #tpu.memory_space<hbm>> -> memref<80x128xi32, #tpu.memory_space<hbm>>
      tpu.wait_dma2 semaphore(%run_scoped3A_206 : memref<!tpu.dma_semaphore, #tpu.memory_space<semaphore_mem>>) src(%dma_wait3A_220 : memref<80x128xi32, #tpu.memory_space<hbm>>) dst(%arg5 : memref<80x128xi32, #tpu.memory_space<vmem>>)
      tpu.yield
    }) : () -> ()
    %scan3A = arith.constant 0 : i32
    %scan3A_198 = arith.constant 0 : i32
    %scan3A_199 = arith.constant 80 : i32
    %scan3A_200 = arith.addi %scan3A_198, %scan3A_199 : i32
    %scan3A_201 = arith.constant 1 : i32
    scf.for %scan3A_206 = %scan3A_198 to %scan3A_200 step %scan3A_201  : i32 {
      "tpu.region"() ({
        %run_scoped3A_207 = tpu.sem_alloc : memref<!tpu.dma_semaphore, #tpu.memory_space<semaphore_mem>>
        %dma_start3A = arith.constant 0 : i32
        %dma_start3A_208 = tpu.memref_slice %arg4[%scan3A_206, %dma_start3A] : memref<80x128xi32, #tpu.memory_space<vmem>> -> memref<1x128xi32, #tpu.memory_space<vmem>>
        %dma_start3A_209 = tpu.memref_squeeze %dma_start3A_208 : memref<1x128xi32, #tpu.memory_space<vmem>> -> memref<128xi32, #tpu.memory_space<vmem>>
        %dma_start3A_210 = arith.constant 0 : i32
        %dma_start3A_211 = tpu.memref_slice %arg9[%dma_start3A_210] : memref<10240xf32, #tpu.memory_space<vmem_shared>> -> memref<10240xf32, #tpu.memory_space<vmem_shared>>
        tpu.enqueue_indirect_dma source(%arg6 : memref<128xf32, #tpu.memory_space<vmem>>) target(%dma_start3A_211 : memref<10240xf32, #tpu.memory_space<vmem_shared>>) offsets(%dma_start3A_209 : memref<128xi32, #tpu.memory_space<vmem>>) semaphore(%run_scoped3A_207 : memref<!tpu.dma_semaphore, #tpu.memory_space<semaphore_mem>>) {add = true}
        %dma_wait3A = arith.constant 0 : i32
        %dma_wait3A_212 = tpu.memref_slice %arg4[%scan3A_206, %dma_wait3A] : memref<80x128xi32, #tpu.memory_space<vmem>> -> memref<1x128xi32, #tpu.memory_space<vmem>>
        %dma_wait3A_213 = tpu.memref_squeeze %dma_wait3A_212 : memref<1x128xi32, #tpu.memory_space<vmem>> -> memref<128xi32, #tpu.memory_space<vmem>>
        %dma_wait3A_214 = arith.constant 0 : i32
        %dma_wait3A_215 = tpu.memref_slice %arg9[%dma_wait3A_214] : memref<10240xf32, #tpu.memory_space<vmem_shared>> -> memref<10240xf32, #tpu.memory_space<vmem_shared>>
        tpu.wait_indirect_dma semaphore(%run_scoped3A_207 : memref<!tpu.dma_semaphore, #tpu.memory_space<semaphore_mem>>) src(%arg6 : memref<128xf32, #tpu.memory_space<vmem>>) dst(%dma_wait3A_215 : memref<10240xf32, #tpu.memory_space<vmem_shared>>)
        tpu.yield
      }) : () -> ()
      "tpu.region"() ({
        %run_scoped3A_207 = tpu.sem_alloc : memref<!tpu.dma_semaphore, #tpu.memory_space<semaphore_mem>>
        %dma_start3A = arith.constant 0 : i32
        %dma_start3A_208 = tpu.memref_slice %arg5[%scan3A_206, %dma_start3A] : memref<80x128xi32, #tpu.memory_space<vmem>> -> memref<1x128xi32, #tpu.memory_space<vmem>>
        %dma_start3A_209 = tpu.memref_squeeze %dma_start3A_208 : memref<1x128xi32, #tpu.memory_space<vmem>> -> memref<128xi32, #tpu.memory_space<vmem>>
        %dma_start3A_210 = arith.constant 0 : i32
        %dma_start3A_211 = tpu.memref_slice %arg10[%dma_start3A_210] : memref<10240xf32, #tpu.memory_space<vmem_shared>> -> memref<10240xf32, #tpu.memory_space<vmem_shared>>
        tpu.enqueue_indirect_dma source(%arg6 : memref<128xf32, #tpu.memory_space<vmem>>) target(%dma_start3A_211 : memref<10240xf32, #tpu.memory_space<vmem_shared>>) offsets(%dma_start3A_209 : memref<128xi32, #tpu.memory_space<vmem>>) semaphore(%run_scoped3A_207 : memref<!tpu.dma_semaphore, #tpu.memory_space<semaphore_mem>>) {add = true}
        %dma_wait3A = arith.constant 0 : i32
        %dma_wait3A_212 = tpu.memref_slice %arg5[%scan3A_206, %dma_wait3A] : memref<80x128xi32, #tpu.memory_space<vmem>> -> memref<1x128xi32, #tpu.memory_space<vmem>>
        %dma_wait3A_213 = tpu.memref_squeeze %dma_wait3A_212 : memref<1x128xi32, #tpu.memory_space<vmem>> -> memref<128xi32, #tpu.memory_space<vmem>>
        %dma_wait3A_214 = arith.constant 0 : i32
        %dma_wait3A_215 = tpu.memref_slice %arg10[%dma_wait3A_214] : memref<10240xf32, #tpu.memory_space<vmem_shared>> -> memref<10240xf32, #tpu.memory_space<vmem_shared>>
        tpu.wait_indirect_dma semaphore(%run_scoped3A_207 : memref<!tpu.dma_semaphore, #tpu.memory_space<semaphore_mem>>) src(%arg6 : memref<128xf32, #tpu.memory_space<vmem>>) dst(%dma_wait3A_215 : memref<10240xf32, #tpu.memory_space<vmem_shared>>)
        tpu.yield
      }) : () -> ()
    }
    %scan3A_202 = arith.constant 80 : i32
    %barrier3A_203 = arith.constant 0 : index
    tpu.barrier barrier_id(%barrier3A_203)
    "tpu.region"() ({
      %run_scoped3A_206 = tpu.sem_alloc : memref<!tpu.dma_semaphore, #tpu.memory_space<semaphore_mem>>
      %dma_start3A = tpu.memref_slice %arg9[%mul3A_196] : memref<10240xf32, #tpu.memory_space<vmem_shared>> -> memref<640xf32, #tpu.memory_space<vmem_shared>>
      %dma_start3A_207 = tpu.memref_slice %arg9[%mul3A_196] : memref<10240xf32, #tpu.memory_space<vmem_shared>> -> memref<640xf32, #tpu.memory_space<vmem_shared>>
      tpu.enqueue_dma source(%dma_start3A_207 : memref<640xf32, #tpu.memory_space<vmem_shared>>) target(%arg8 : memref<640xf32, #tpu.memory_space<vmem>>) target_semaphore(%run_scoped3A_206 : memref<!tpu.dma_semaphore, #tpu.memory_space<semaphore_mem>>)
      %dma_wait3A = tpu.memref_slice %arg9[%mul3A_196] : memref<10240xf32, #tpu.memory_space<vmem_shared>> -> memref<640xf32, #tpu.memory_space<vmem_shared>>
      %dma_wait3A_208 = tpu.memref_slice %arg9[%mul3A_196] : memref<10240xf32, #tpu.memory_space<vmem_shared>> -> memref<640xf32, #tpu.memory_space<vmem_shared>>
      tpu.wait_dma2 semaphore(%run_scoped3A_206 : memref<!tpu.dma_semaphore, #tpu.memory_space<semaphore_mem>>) src(%dma_wait3A_208 : memref<640xf32, #tpu.memory_space<vmem_shared>>) dst(%arg8 : memref<640xf32, #tpu.memory_space<vmem>>)
      tpu.yield
    }) : () -> ()
    %run_scoped3A_204 = arith.constant 0 : i32
    "tpu.region"() ({
      %run_scoped3A_206 = tpu.sem_alloc : memref<!tpu.dma_semaphore, #tpu.memory_space<semaphore_mem>>
      %dma_start3A = tpu.memref_slice %arg3[%arg0, %run_scoped3A_204, %mul3A_196] : memref<2x2x10240xf32, #tpu.memory_space<hbm>> -> memref<1x1x640xf32, #tpu.memory_space<hbm>>
      %dma_start3A_207 = tpu.memref_squeeze %dma_start3A : memref<1x1x640xf32, #tpu.memory_space<hbm>> -> memref<640xf32, #tpu.memory_space<hbm>>
      %dma_start3A_208 = tpu.memref_slice %arg3[%arg0, %run_scoped3A_204, %mul3A_196] : memref<2x2x10240xf32, #tpu.memory_space<hbm>> -> memref<1x1x640xf32, #tpu.memory_space<hbm>>
      %dma_start3A_209 = tpu.memref_squeeze %dma_start3A_208 : memref<1x1x640xf32, #tpu.memory_space<hbm>> -> memref<640xf32, #tpu.memory_space<hbm>>
      tpu.enqueue_dma source(%arg8 : memref<640xf32, #tpu.memory_space<vmem>>) target(%dma_start3A_209 : memref<640xf32, #tpu.memory_space<hbm>>) target_semaphore(%run_scoped3A_206 : memref<!tpu.dma_semaphore, #tpu.memory_space<semaphore_mem>>)
      %dma_wait3A = tpu.memref_slice %arg3[%arg0, %run_scoped3A_204, %mul3A_196] : memref<2x2x10240xf32, #tpu.memory_space<hbm>> -> memref<1x1x640xf32, #tpu.memory_space<hbm>>
      %dma_wait3A_210 = tpu.memref_squeeze %dma_wait3A : memref<1x1x640xf32, #tpu.memory_space<hbm>> -> memref<640xf32, #tpu.memory_space<hbm>>
      %dma_wait3A_211 = tpu.memref_slice %arg3[%arg0, %run_scoped3A_204, %mul3A_196] : memref<2x2x10240xf32, #tpu.memory_space<hbm>> -> memref<1x1x640xf32, #tpu.memory_space<hbm>>
      %dma_wait3A_212 = tpu.memref_squeeze %dma_wait3A_211 : memref<1x1x640xf32, #tpu.memory_space<hbm>> -> memref<640xf32, #tpu.memory_space<hbm>>
      tpu.wait_dma2 semaphore(%run_scoped3A_206 : memref<!tpu.dma_semaphore, #tpu.memory_space<semaphore_mem>>) src(%arg8 : memref<640xf32, #tpu.memory_space<vmem>>) dst(%dma_wait3A_212 : memref<640xf32, #tpu.memory_space<hbm>>)
      tpu.yield
    }) : () -> ()
    "tpu.region"() ({
      %run_scoped3A_206 = tpu.sem_alloc : memref<!tpu.dma_semaphore, #tpu.memory_space<semaphore_mem>>
      %dma_start3A = tpu.memref_slice %arg10[%mul3A_196] : memref<10240xf32, #tpu.memory_space<vmem_shared>> -> memref<640xf32, #tpu.memory_space<vmem_shared>>
      %dma_start3A_207 = tpu.memref_slice %arg10[%mul3A_196] : memref<10240xf32, #tpu.memory_space<vmem_shared>> -> memref<640xf32, #tpu.memory_space<vmem_shared>>
      tpu.enqueue_dma source(%dma_start3A_207 : memref<640xf32, #tpu.memory_space<vmem_shared>>) target(%arg8 : memref<640xf32, #tpu.memory_space<vmem>>) target_semaphore(%run_scoped3A_206 : memref<!tpu.dma_semaphore, #tpu.memory_space<semaphore_mem>>)
      %dma_wait3A = tpu.memref_slice %arg10[%mul3A_196] : memref<10240xf32, #tpu.memory_space<vmem_shared>> -> memref<640xf32, #tpu.memory_space<vmem_shared>>
      %dma_wait3A_208 = tpu.memref_slice %arg10[%mul3A_196] : memref<10240xf32, #tpu.memory_space<vmem_shared>> -> memref<640xf32, #tpu.memory_space<vmem_shared>>
      tpu.wait_dma2 semaphore(%run_scoped3A_206 : memref<!tpu.dma_semaphore, #tpu.memory_space<semaphore_mem>>) src(%dma_wait3A_208 : memref<640xf32, #tpu.memory_space<vmem_shared>>) dst(%arg8 : memref<640xf32, #tpu.memory_space<vmem>>)
      tpu.yield
    }) : () -> ()
    %run_scoped3A_205 = arith.constant 1 : i32
    "tpu.region"() ({
      %run_scoped3A_206 = tpu.sem_alloc : memref<!tpu.dma_semaphore, #tpu.memory_space<semaphore_mem>>
      %dma_start3A = tpu.memref_slice %arg3[%arg0, %run_scoped3A_205, %mul3A_196] : memref<2x2x10240xf32, #tpu.memory_space<hbm>> -> memref<1x1x640xf32, #tpu.memory_space<hbm>>
      %dma_start3A_207 = tpu.memref_squeeze %dma_start3A : memref<1x1x640xf32, #tpu.memory_space<hbm>> -> memref<640xf32, #tpu.memory_space<hbm>>
      %dma_start3A_208 = tpu.memref_slice %arg3[%arg0, %run_scoped3A_205, %mul3A_196] : memref<2x2x10240xf32, #tpu.memory_space<hbm>> -> memref<1x1x640xf32, #tpu.memory_space<hbm>>
      %dma_start3A_209 = tpu.memref_squeeze %dma_start3A_208 : memref<1x1x640xf32, #tpu.memory_space<hbm>> -> memref<640xf32, #tpu.memory_space<hbm>>
      tpu.enqueue_dma source(%arg8 : memref<640xf32, #tpu.memory_space<vmem>>) target(%dma_start3A_209 : memref<640xf32, #tpu.memory_space<hbm>>) target_semaphore(%run_scoped3A_206 : memref<!tpu.dma_semaphore, #tpu.memory_space<semaphore_mem>>)
      %dma_wait3A = tpu.memref_slice %arg3[%arg0, %run_scoped3A_205, %mul3A_196] : memref<2x2x10240xf32, #tpu.memory_space<hbm>> -> memref<1x1x640xf32, #tpu.memory_space<hbm>>
      %dma_wait3A_210 = tpu.memref_squeeze %dma_wait3A : memref<1x1x640xf32, #tpu.memory_space<hbm>> -> memref<640xf32, #tpu.memory_space<hbm>>
      %dma_wait3A_211 = tpu.memref_slice %arg3[%arg0, %run_scoped3A_205, %mul3A_196] : memref<2x2x10240xf32, #tpu.memory_space<hbm>> -> memref<1x1x640xf32, #tpu.memory_space<hbm>>
      %dma_wait3A_212 = tpu.memref_squeeze %dma_wait3A_211 : memref<1x1x640xf32, #tpu.memory_space<hbm>> -> memref<640xf32, #tpu.memory_space<hbm>>
      tpu.wait_dma2 semaphore(%run_scoped3A_206 : memref<!tpu.dma_semaphore, #tpu.memory_space<semaphore_mem>>) src(%arg8 : memref<640xf32, #tpu.memory_space<vmem>>) dst(%dma_wait3A_212 : memref<640xf32, #tpu.memory_space<hbm>>)
      tpu.yield
    }) : () -> ()
    return
  }
}

#map = affine_map<(d0, d1) -> (0, 0)>
#map1 = affine_map<(d0, d1) -> (0, 0, 0, 0)>
#map2 = affine_map<(d0, d1) -> (0, 0, 0)>
module attributes {stable_mosaic.version = 14 : i64} {
  func.func @body(%arg0: i32, %arg1: i32, %arg2: memref<10240x64xf32, #tpu.memory_space<hbm>>, %arg3: memref<10240x64xf32, #tpu.memory_space<hbm>>, %arg4: memref<2x32x80x128xi32, #tpu.memory_space<hbm>>, %arg5: memref<2x10240x64xf32, #tpu.memory_space<hbm>>, %arg6: memref<2x10240x64xf32, #tpu.memory_space<hbm>>, %arg7: memref<80x128xi32, #tpu.memory_space<vmem>>, %arg8: memref<80x128xi32, #tpu.memory_space<vmem>>, %arg9: memref<128x64xf32, #tpu.memory_space<vmem>>, %arg10: memref<16x64xf32, #tpu.memory_space<vmem>>, %arg11: memref<10240x64xf32, #tpu.memory_space<vmem_shared>>, %arg12: memref<10240x64xf32, #tpu.memory_space<vmem_shared>>) attributes {dimension_semantics = [#tpu.dimension_semantics<core_parallel>, #tpu.dimension_semantics<subcore_parallel>], iteration_bounds = array<i64: 2, 16>, scalar_prefetch = 0 : i64, scratch_operands = 6 : i64, tpu.core_type = #tpu.core_type<sc_vector_subcore>, window_params = [{transform_indices = #map}, {transform_indices = #map}, {transform_indices = #map1}, {transform_indices = #map2}, {transform_indices = #map2}]} {
    %mul3A = arith.constant 2 : i32
    %mul3A_0 = arith.muli %arg1, %mul3A : i32
    %add3A = arith.addi %mul3A_0, %arg0 : i32
    %broadcast_in_dim3A = arith.constant 0.000000e+00 : f32
    %broadcast_in_dim3A_1 = vector.broadcast %broadcast_in_dim3A : f32 to vector<16xf32>
    %swap3A = arith.constant 0 : i32
    %swap3A_2 = arith.index_cast %swap3A : i32 to index
    %swap3A_3 = arith.constant 0 : index
    %swap3A_4 = tpu.vector_load %arg10[%swap3A_2, %swap3A_3] {strides = array<i32>} : memref<16x64xf32, #tpu.memory_space<vmem>>, vector<1x16xf32>,
    %swap3A_5 = vector.shape_cast %swap3A_4 : vector<1x16xf32> to vector<16xf32>
    %swap3A_6 = vector.shape_cast %broadcast_in_dim3A_1 : vector<16xf32> to vector<1x16xf32>
    tpu.vector_store %arg10[%swap3A_2, %swap3A_3], %swap3A_6 {strides = array<i32>} : memref<16x64xf32, #tpu.memory_space<vmem>>, vector<1x16xf32>,
    %swap3A_7 = arith.constant 0 : i32
    %swap3A_8 = arith.index_cast %swap3A_7 : i32 to index
    %swap3A_9 = arith.constant 16 : index
    %swap3A_10 = tpu.vector_load %arg10[%swap3A_8, %swap3A_9] {strides = array<i32>} : memref<16x64xf32, #tpu.memory_space<vmem>>, vector<1x16xf32>,
    %swap3A_11 = vector.shape_cast %swap3A_10 : vector<1x16xf32> to vector<16xf32>
    %swap3A_12 = vector.shape_cast %broadcast_in_dim3A_1 : vector<16xf32> to vector<1x16xf32>
    tpu.vector_store %arg10[%swap3A_8, %swap3A_9], %swap3A_12 {strides = array<i32>} : memref<16x64xf32, #tpu.memory_space<vmem>>, vector<1x16xf32>,
    %swap3A_13 = arith.constant 0 : i32
    %swap3A_14 = arith.index_cast %swap3A_13 : i32 to index
    %swap3A_15 = arith.constant 32 : index
    %swap3A_16 = tpu.vector_load %arg10[%swap3A_14, %swap3A_15] {strides = array<i32>} : memref<16x64xf32, #tpu.memory_space<vmem>>, vector<1x16xf32>,
    %swap3A_17 = vector.shape_cast %swap3A_16 : vector<1x16xf32> to vector<16xf32>
    %swap3A_18 = vector.shape_cast %broadcast_in_dim3A_1 : vector<16xf32> to vector<1x16xf32>
    tpu.vector_store %arg10[%swap3A_14, %swap3A_15], %swap3A_18 {strides = array<i32>} : memref<16x64xf32, #tpu.memory_space<vmem>>, vector<1x16xf32>,
    %swap3A_19 = arith.constant 0 : i32
    %swap3A_20 = arith.index_cast %swap3A_19 : i32 to index
    %swap3A_21 = arith.constant 48 : index
    %swap3A_22 = tpu.vector_load %arg10[%swap3A_20, %swap3A_21] {strides = array<i32>} : memref<16x64xf32, #tpu.memory_space<vmem>>, vector<1x16xf32>,
    %swap3A_23 = vector.shape_cast %swap3A_22 : vector<1x16xf32> to vector<16xf32>
    %swap3A_24 = vector.shape_cast %broadcast_in_dim3A_1 : vector<16xf32> to vector<1x16xf32>
    tpu.vector_store %arg10[%swap3A_20, %swap3A_21], %swap3A_24 {strides = array<i32>} : memref<16x64xf32, #tpu.memory_space<vmem>>, vector<1x16xf32>,
    %swap3A_25 = arith.constant 1 : i32
    %swap3A_26 = arith.index_cast %swap3A_25 : i32 to index
    %swap3A_27 = arith.constant 0 : index
    %swap3A_28 = tpu.vector_load %arg10[%swap3A_26, %swap3A_27] {strides = array<i32>} : memref<16x64xf32, #tpu.memory_space<vmem>>, vector<1x16xf32>,
    %swap3A_29 = vector.shape_cast %swap3A_28 : vector<1x16xf32> to vector<16xf32>
    %swap3A_30 = vector.shape_cast %broadcast_in_dim3A_1 : vector<16xf32> to vector<1x16xf32>
    tpu.vector_store %arg10[%swap3A_26, %swap3A_27], %swap3A_30 {strides = array<i32>} : memref<16x64xf32, #tpu.memory_space<vmem>>, vector<1x16xf32>,
    %swap3A_31 = arith.constant 1 : i32
    %swap3A_32 = arith.index_cast %swap3A_31 : i32 to index
    %swap3A_33 = arith.constant 16 : index
    %swap3A_34 = tpu.vector_load %arg10[%swap3A_32, %swap3A_33] {strides = array<i32>} : memref<16x64xf32, #tpu.memory_space<vmem>>, vector<1x16xf32>,
    %swap3A_35 = vector.shape_cast %swap3A_34 : vector<1x16xf32> to vector<16xf32>
    %swap3A_36 = vector.shape_cast %broadcast_in_dim3A_1 : vector<16xf32> to vector<1x16xf32>
    tpu.vector_store %arg10[%swap3A_32, %swap3A_33], %swap3A_36 {strides = array<i32>} : memref<16x64xf32, #tpu.memory_space<vmem>>, vector<1x16xf32>,
    %swap3A_37 = arith.constant 1 : i32
    %swap3A_38 = arith.index_cast %swap3A_37 : i32 to index
    %swap3A_39 = arith.constant 32 : index
    %swap3A_40 = tpu.vector_load %arg10[%swap3A_38, %swap3A_39] {strides = array<i32>} : memref<16x64xf32, #tpu.memory_space<vmem>>, vector<1x16xf32>,
    %swap3A_41 = vector.shape_cast %swap3A_40 : vector<1x16xf32> to vector<16xf32>
    %swap3A_42 = vector.shape_cast %broadcast_in_dim3A_1 : vector<16xf32> to vector<1x16xf32>
    tpu.vector_store %arg10[%swap3A_38, %swap3A_39], %swap3A_42 {strides = array<i32>} : memref<16x64xf32, #tpu.memory_space<vmem>>, vector<1x16xf32>,
    %swap3A_43 = arith.constant 1 : i32
    %swap3A_44 = arith.index_cast %swap3A_43 : i32 to index
    %swap3A_45 = arith.constant 48 : index
    %swap3A_46 = tpu.vector_load %arg10[%swap3A_44, %swap3A_45] {strides = array<i32>} : memref<16x64xf32, #tpu.memory_space<vmem>>, vector<1x16xf32>,
    %swap3A_47 = vector.shape_cast %swap3A_46 : vector<1x16xf32> to vector<16xf32>
    %swap3A_48 = vector.shape_cast %broadcast_in_dim3A_1 : vector<16xf32> to vector<1x16xf32>
    tpu.vector_store %arg10[%swap3A_44, %swap3A_45], %swap3A_48 {strides = array<i32>} : memref<16x64xf32, #tpu.memory_space<vmem>>, vector<1x16xf32>,
    %swap3A_49 = arith.constant 2 : i32
    %swap3A_50 = arith.index_cast %swap3A_49 : i32 to index
    %swap3A_51 = arith.constant 0 : index
    %swap3A_52 = tpu.vector_load %arg10[%swap3A_50, %swap3A_51] {strides = array<i32>} : memref<16x64xf32, #tpu.memory_space<vmem>>, vector<1x16xf32>,
    %swap3A_53 = vector.shape_cast %swap3A_52 : vector<1x16xf32> to vector<16xf32>
    %swap3A_54 = vector.shape_cast %broadcast_in_dim3A_1 : vector<16xf32> to vector<1x16xf32>
    tpu.vector_store %arg10[%swap3A_50, %swap3A_51], %swap3A_54 {strides = array<i32>} : memref<16x64xf32, #tpu.memory_space<vmem>>, vector<1x16xf32>,
    %swap3A_55 = arith.constant 2 : i32
    %swap3A_56 = arith.index_cast %swap3A_55 : i32 to index
    %swap3A_57 = arith.constant 16 : index
    %swap3A_58 = tpu.vector_load %arg10[%swap3A_56, %swap3A_57] {strides = array<i32>} : memref<16x64xf32, #tpu.memory_space<vmem>>, vector<1x16xf32>,
    %swap3A_59 = vector.shape_cast %swap3A_58 : vector<1x16xf32> to vector<16xf32>
    %swap3A_60 = vector.shape_cast %broadcast_in_dim3A_1 : vector<16xf32> to vector<1x16xf32>
    tpu.vector_store %arg10[%swap3A_56, %swap3A_57], %swap3A_60 {strides = array<i32>} : memref<16x64xf32, #tpu.memory_space<vmem>>, vector<1x16xf32>,
    %swap3A_61 = arith.constant 2 : i32
    %swap3A_62 = arith.index_cast %swap3A_61 : i32 to index
    %swap3A_63 = arith.constant 32 : index
    %swap3A_64 = tpu.vector_load %arg10[%swap3A_62, %swap3A_63] {strides = array<i32>} : memref<16x64xf32, #tpu.memory_space<vmem>>, vector<1x16xf32>,
    %swap3A_65 = vector.shape_cast %swap3A_64 : vector<1x16xf32> to vector<16xf32>
    %swap3A_66 = vector.shape_cast %broadcast_in_dim3A_1 : vector<16xf32> to vector<1x16xf32>
    tpu.vector_store %arg10[%swap3A_62, %swap3A_63], %swap3A_66 {strides = array<i32>} : memref<16x64xf32, #tpu.memory_space<vmem>>, vector<1x16xf32>,
    %swap3A_67 = arith.constant 2 : i32
    %swap3A_68 = arith.index_cast %swap3A_67 : i32 to index
    %swap3A_69 = arith.constant 48 : index
    %swap3A_70 = tpu.vector_load %arg10[%swap3A_68, %swap3A_69] {strides = array<i32>} : memref<16x64xf32, #tpu.memory_space<vmem>>, vector<1x16xf32>,
    %swap3A_71 = vector.shape_cast %swap3A_70 : vector<1x16xf32> to vector<16xf32>
    %swap3A_72 = vector.shape_cast %broadcast_in_dim3A_1 : vector<16xf32> to vector<1x16xf32>
    tpu.vector_store %arg10[%swap3A_68, %swap3A_69], %swap3A_72 {strides = array<i32>} : memref<16x64xf32, #tpu.memory_space<vmem>>, vector<1x16xf32>,
    %swap3A_73 = arith.constant 3 : i32
    %swap3A_74 = arith.index_cast %swap3A_73 : i32 to index
    %swap3A_75 = arith.constant 0 : index
    %swap3A_76 = tpu.vector_load %arg10[%swap3A_74, %swap3A_75] {strides = array<i32>} : memref<16x64xf32, #tpu.memory_space<vmem>>, vector<1x16xf32>,
    %swap3A_77 = vector.shape_cast %swap3A_76 : vector<1x16xf32> to vector<16xf32>
    %swap3A_78 = vector.shape_cast %broadcast_in_dim3A_1 : vector<16xf32> to vector<1x16xf32>
    tpu.vector_store %arg10[%swap3A_74, %swap3A_75], %swap3A_78 {strides = array<i32>} : memref<16x64xf32, #tpu.memory_space<vmem>>, vector<1x16xf32>,
    %swap3A_79 = arith.constant 3 : i32
    %swap3A_80 = arith.index_cast %swap3A_79 : i32 to index
    %swap3A_81 = arith.constant 16 : index
    %swap3A_82 = tpu.vector_load %arg10[%swap3A_80, %swap3A_81] {strides = array<i32>} : memref<16x64xf32, #tpu.memory_space<vmem>>, vector<1x16xf32>,
    %swap3A_83 = vector.shape_cast %swap3A_82 : vector<1x16xf32> to vector<16xf32>
    %swap3A_84 = vector.shape_cast %broadcast_in_dim3A_1 : vector<16xf32> to vector<1x16xf32>
    tpu.vector_store %arg10[%swap3A_80, %swap3A_81], %swap3A_84 {strides = array<i32>} : memref<16x64xf32, #tpu.memory_space<vmem>>, vector<1x16xf32>,
    %swap3A_85 = arith.constant 3 : i32
    %swap3A_86 = arith.index_cast %swap3A_85 : i32 to index
    %swap3A_87 = arith.constant 32 : index
    %swap3A_88 = tpu.vector_load %arg10[%swap3A_86, %swap3A_87] {strides = array<i32>} : memref<16x64xf32, #tpu.memory_space<vmem>>, vector<1x16xf32>,
    %swap3A_89 = vector.shape_cast %swap3A_88 : vector<1x16xf32> to vector<16xf32>
    %swap3A_90 = vector.shape_cast %broadcast_in_dim3A_1 : vector<16xf32> to vector<1x16xf32>
    tpu.vector_store %arg10[%swap3A_86, %swap3A_87], %swap3A_90 {strides = array<i32>} : memref<16x64xf32, #tpu.memory_space<vmem>>, vector<1x16xf32>,
    %swap3A_91 = arith.constant 3 : i32
    %swap3A_92 = arith.index_cast %swap3A_91 : i32 to index
    %swap3A_93 = arith.constant 48 : index
    %swap3A_94 = tpu.vector_load %arg10[%swap3A_92, %swap3A_93] {strides = array<i32>} : memref<16x64xf32, #tpu.memory_space<vmem>>, vector<1x16xf32>,
    %swap3A_95 = vector.shape_cast %swap3A_94 : vector<1x16xf32> to vector<16xf32>
    %swap3A_96 = vector.shape_cast %broadcast_in_dim3A_1 : vector<16xf32> to vector<1x16xf32>
    tpu.vector_store %arg10[%swap3A_92, %swap3A_93], %swap3A_96 {strides = array<i32>} : memref<16x64xf32, #tpu.memory_space<vmem>>, vector<1x16xf32>,
    %swap3A_97 = arith.constant 4 : i32
    %swap3A_98 = arith.index_cast %swap3A_97 : i32 to index
    %swap3A_99 = arith.constant 0 : index
    %swap3A_100 = tpu.vector_load %arg10[%swap3A_98, %swap3A_99] {strides = array<i32>} : memref<16x64xf32, #tpu.memory_space<vmem>>, vector<1x16xf32>,
    %swap3A_101 = vector.shape_cast %swap3A_100 : vector<1x16xf32> to vector<16xf32>
    %swap3A_102 = vector.shape_cast %broadcast_in_dim3A_1 : vector<16xf32> to vector<1x16xf32>
    tpu.vector_store %arg10[%swap3A_98, %swap3A_99], %swap3A_102 {strides = array<i32>} : memref<16x64xf32, #tpu.memory_space<vmem>>, vector<1x16xf32>,
    %swap3A_103 = arith.constant 4 : i32
    %swap3A_104 = arith.index_cast %swap3A_103 : i32 to index
    %swap3A_105 = arith.constant 16 : index
    %swap3A_106 = tpu.vector_load %arg10[%swap3A_104, %swap3A_105] {strides = array<i32>} : memref<16x64xf32, #tpu.memory_space<vmem>>, vector<1x16xf32>,
    %swap3A_107 = vector.shape_cast %swap3A_106 : vector<1x16xf32> to vector<16xf32>
    %swap3A_108 = vector.shape_cast %broadcast_in_dim3A_1 : vector<16xf32> to vector<1x16xf32>
    tpu.vector_store %arg10[%swap3A_104, %swap3A_105], %swap3A_108 {strides = array<i32>} : memref<16x64xf32, #tpu.memory_space<vmem>>, vector<1x16xf32>,
    %swap3A_109 = arith.constant 4 : i32
    %swap3A_110 = arith.index_cast %swap3A_109 : i32 to index
    %swap3A_111 = arith.constant 32 : index
    %swap3A_112 = tpu.vector_load %arg10[%swap3A_110, %swap3A_111] {strides = array<i32>} : memref<16x64xf32, #tpu.memory_space<vmem>>, vector<1x16xf32>,
    %swap3A_113 = vector.shape_cast %swap3A_112 : vector<1x16xf32> to vector<16xf32>
    %swap3A_114 = vector.shape_cast %broadcast_in_dim3A_1 : vector<16xf32> to vector<1x16xf32>
    tpu.vector_store %arg10[%swap3A_110, %swap3A_111], %swap3A_114 {strides = array<i32>} : memref<16x64xf32, #tpu.memory_space<vmem>>, vector<1x16xf32>,
    %swap3A_115 = arith.constant 4 : i32
    %swap3A_116 = arith.index_cast %swap3A_115 : i32 to index
    %swap3A_117 = arith.constant 48 : index
    %swap3A_118 = tpu.vector_load %arg10[%swap3A_116, %swap3A_117] {strides = array<i32>} : memref<16x64xf32, #tpu.memory_space<vmem>>, vector<1x16xf32>,
    %swap3A_119 = vector.shape_cast %swap3A_118 : vector<1x16xf32> to vector<16xf32>
    %swap3A_120 = vector.shape_cast %broadcast_in_dim3A_1 : vector<16xf32> to vector<1x16xf32>
    tpu.vector_store %arg10[%swap3A_116, %swap3A_117], %swap3A_120 {strides = array<i32>} : memref<16x64xf32, #tpu.memory_space<vmem>>, vector<1x16xf32>,
    %swap3A_121 = arith.constant 5 : i32
    %swap3A_122 = arith.index_cast %swap3A_121 : i32 to index
    %swap3A_123 = arith.constant 0 : index
    %swap3A_124 = tpu.vector_load %arg10[%swap3A_122, %swap3A_123] {strides = array<i32>} : memref<16x64xf32, #tpu.memory_space<vmem>>, vector<1x16xf32>,
    %swap3A_125 = vector.shape_cast %swap3A_124 : vector<1x16xf32> to vector<16xf32>
    %swap3A_126 = vector.shape_cast %broadcast_in_dim3A_1 : vector<16xf32> to vector<1x16xf32>
    tpu.vector_store %arg10[%swap3A_122, %swap3A_123], %swap3A_126 {strides = array<i32>} : memref<16x64xf32, #tpu.memory_space<vmem>>, vector<1x16xf32>,
    %swap3A_127 = arith.constant 5 : i32
    %swap3A_128 = arith.index_cast %swap3A_127 : i32 to index
    %swap3A_129 = arith.constant 16 : index
    %swap3A_130 = tpu.vector_load %arg10[%swap3A_128, %swap3A_129] {strides = array<i32>} : memref<16x64xf32, #tpu.memory_space<vmem>>, vector<1x16xf32>,
    %swap3A_131 = vector.shape_cast %swap3A_130 : vector<1x16xf32> to vector<16xf32>
    %swap3A_132 = vector.shape_cast %broadcast_in_dim3A_1 : vector<16xf32> to vector<1x16xf32>
    tpu.vector_store %arg10[%swap3A_128, %swap3A_129], %swap3A_132 {strides = array<i32>} : memref<16x64xf32, #tpu.memory_space<vmem>>, vector<1x16xf32>,
    %swap3A_133 = arith.constant 5 : i32
    %swap3A_134 = arith.index_cast %swap3A_133 : i32 to index
    %swap3A_135 = arith.constant 32 : index
    %swap3A_136 = tpu.vector_load %arg10[%swap3A_134, %swap3A_135] {strides = array<i32>} : memref<16x64xf32, #tpu.memory_space<vmem>>, vector<1x16xf32>,
    %swap3A_137 = vector.shape_cast %swap3A_136 : vector<1x16xf32> to vector<16xf32>
    %swap3A_138 = vector.shape_cast %broadcast_in_dim3A_1 : vector<16xf32> to vector<1x16xf32>
    tpu.vector_store %arg10[%swap3A_134, %swap3A_135], %swap3A_138 {strides = array<i32>} : memref<16x64xf32, #tpu.memory_space<vmem>>, vector<1x16xf32>,
    %swap3A_139 = arith.constant 5 : i32
    %swap3A_140 = arith.index_cast %swap3A_139 : i32 to index
    %swap3A_141 = arith.constant 48 : index
    %swap3A_142 = tpu.vector_load %arg10[%swap3A_140, %swap3A_141] {strides = array<i32>} : memref<16x64xf32, #tpu.memory_space<vmem>>, vector<1x16xf32>,
    %swap3A_143 = vector.shape_cast %swap3A_142 : vector<1x16xf32> to vector<16xf32>
    %swap3A_144 = vector.shape_cast %broadcast_in_dim3A_1 : vector<16xf32> to vector<1x16xf32>
    tpu.vector_store %arg10[%swap3A_140, %swap3A_141], %swap3A_144 {strides = array<i32>} : memref<16x64xf32, #tpu.memory_space<vmem>>, vector<1x16xf32>,
    %swap3A_145 = arith.constant 6 : i32
    %swap3A_146 = arith.index_cast %swap3A_145 : i32 to index
    %swap3A_147 = arith.constant 0 : index
    %swap3A_148 = tpu.vector_load %arg10[%swap3A_146, %swap3A_147] {strides = array<i32>} : memref<16x64xf32, #tpu.memory_space<vmem>>, vector<1x16xf32>,
    %swap3A_149 = vector.shape_cast %swap3A_148 : vector<1x16xf32> to vector<16xf32>
    %swap3A_150 = vector.shape_cast %broadcast_in_dim3A_1 : vector<16xf32> to vector<1x16xf32>
    tpu.vector_store %arg10[%swap3A_146, %swap3A_147], %swap3A_150 {strides = array<i32>} : memref<16x64xf32, #tpu.memory_space<vmem>>, vector<1x16xf32>,
    %swap3A_151 = arith.constant 6 : i32
    %swap3A_152 = arith.index_cast %swap3A_151 : i32 to index
    %swap3A_153 = arith.constant 16 : index
    %swap3A_154 = tpu.vector_load %arg10[%swap3A_152, %swap3A_153] {strides = array<i32>} : memref<16x64xf32, #tpu.memory_space<vmem>>, vector<1x16xf32>,
    %swap3A_155 = vector.shape_cast %swap3A_154 : vector<1x16xf32> to vector<16xf32>
    %swap3A_156 = vector.shape_cast %broadcast_in_dim3A_1 : vector<16xf32> to vector<1x16xf32>
    tpu.vector_store %arg10[%swap3A_152, %swap3A_153], %swap3A_156 {strides = array<i32>} : memref<16x64xf32, #tpu.memory_space<vmem>>, vector<1x16xf32>,
    %swap3A_157 = arith.constant 6 : i32
    %swap3A_158 = arith.index_cast %swap3A_157 : i32 to index
    %swap3A_159 = arith.constant 32 : index
    %swap3A_160 = tpu.vector_load %arg10[%swap3A_158, %swap3A_159] {strides = array<i32>} : memref<16x64xf32, #tpu.memory_space<vmem>>, vector<1x16xf32>,
    %swap3A_161 = vector.shape_cast %swap3A_160 : vector<1x16xf32> to vector<16xf32>
    %swap3A_162 = vector.shape_cast %broadcast_in_dim3A_1 : vector<16xf32> to vector<1x16xf32>
    tpu.vector_store %arg10[%swap3A_158, %swap3A_159], %swap3A_162 {strides = array<i32>} : memref<16x64xf32, #tpu.memory_space<vmem>>, vector<1x16xf32>,
    %swap3A_163 = arith.constant 6 : i32
    %swap3A_164 = arith.index_cast %swap3A_163 : i32 to index
    %swap3A_165 = arith.constant 48 : index
    %swap3A_166 = tpu.vector_load %arg10[%swap3A_164, %swap3A_165] {strides = array<i32>} : memref<16x64xf32, #tpu.memory_space<vmem>>, vector<1x16xf32>,
    %swap3A_167 = vector.shape_cast %swap3A_166 : vector<1x16xf32> to vector<16xf32>
    %swap3A_168 = vector.shape_cast %broadcast_in_dim3A_1 : vector<16xf32> to vector<1x16xf32>
    tpu.vector_store %arg10[%swap3A_164, %swap3A_165], %swap3A_168 {strides = array<i32>} : memref<16x64xf32, #tpu.memory_space<vmem>>, vector<1x16xf32>,
    %swap3A_169 = arith.constant 7 : i32
    %swap3A_170 = arith.index_cast %swap3A_169 : i32 to index
    %swap3A_171 = arith.constant 0 : index
    %swap3A_172 = tpu.vector_load %arg10[%swap3A_170, %swap3A_171] {strides = array<i32>} : memref<16x64xf32, #tpu.memory_space<vmem>>, vector<1x16xf32>,
    %swap3A_173 = vector.shape_cast %swap3A_172 : vector<1x16xf32> to vector<16xf32>
    %swap3A_174 = vector.shape_cast %broadcast_in_dim3A_1 : vector<16xf32> to vector<1x16xf32>
    tpu.vector_store %arg10[%swap3A_170, %swap3A_171], %swap3A_174 {strides = array<i32>} : memref<16x64xf32, #tpu.memory_space<vmem>>, vector<1x16xf32>,
    %swap3A_175 = arith.constant 7 : i32
    %swap3A_176 = arith.index_cast %swap3A_175 : i32 to index
    %swap3A_177 = arith.constant 16 : index
    %swap3A_178 = tpu.vector_load %arg10[%swap3A_176, %swap3A_177] {strides = array<i32>} : memref<16x64xf32, #tpu.memory_space<vmem>>, vector<1x16xf32>,
    %swap3A_179 = vector.shape_cast %swap3A_178 : vector<1x16xf32> to vector<16xf32>
    %swap3A_180 = vector.shape_cast %broadcast_in_dim3A_1 : vector<16xf32> to vector<1x16xf32>
    tpu.vector_store %arg10[%swap3A_176, %swap3A_177], %swap3A_180 {strides = array<i32>} : memref<16x64xf32, #tpu.memory_space<vmem>>, vector<1x16xf32>,
    %swap3A_181 = arith.constant 7 : i32
    %swap3A_182 = arith.index_cast %swap3A_181 : i32 to index
    %swap3A_183 = arith.constant 32 : index
    %swap3A_184 = tpu.vector_load %arg10[%swap3A_182, %swap3A_183] {strides = array<i32>} : memref<16x64xf32, #tpu.memory_space<vmem>>, vector<1x16xf32>,
    %swap3A_185 = vector.shape_cast %swap3A_184 : vector<1x16xf32> to vector<16xf32>
    %swap3A_186 = vector.shape_cast %broadcast_in_dim3A_1 : vector<16xf32> to vector<1x16xf32>
    tpu.vector_store %arg10[%swap3A_182, %swap3A_183], %swap3A_186 {strides = array<i32>} : memref<16x64xf32, #tpu.memory_space<vmem>>, vector<1x16xf32>,
    %swap3A_187 = arith.constant 7 : i32
    %swap3A_188 = arith.index_cast %swap3A_187 : i32 to index
    %swap3A_189 = arith.constant 48 : index
    %swap3A_190 = tpu.vector_load %arg10[%swap3A_188, %swap3A_189] {strides = array<i32>} : memref<16x64xf32, #tpu.memory_space<vmem>>, vector<1x16xf32>,
    %swap3A_191 = vector.shape_cast %swap3A_190 : vector<1x16xf32> to vector<16xf32>
    %swap3A_192 = vector.shape_cast %broadcast_in_dim3A_1 : vector<16xf32> to vector<1x16xf32>
    tpu.vector_store %arg10[%swap3A_188, %swap3A_189], %swap3A_192 {strides = array<i32>} : memref<16x64xf32, #tpu.memory_space<vmem>>, vector<1x16xf32>,
    %swap3A_193 = arith.constant 8 : i32
    %swap3A_194 = arith.index_cast %swap3A_193 : i32 to index
    %swap3A_195 = arith.constant 0 : index
    %swap3A_196 = tpu.vector_load %arg10[%swap3A_194, %swap3A_195] {strides = array<i32>} : memref<16x64xf32, #tpu.memory_space<vmem>>, vector<1x16xf32>,
    %swap3A_197 = vector.shape_cast %swap3A_196 : vector<1x16xf32> to vector<16xf32>
    %swap3A_198 = vector.shape_cast %broadcast_in_dim3A_1 : vector<16xf32> to vector<1x16xf32>
    tpu.vector_store %arg10[%swap3A_194, %swap3A_195], %swap3A_198 {strides = array<i32>} : memref<16x64xf32, #tpu.memory_space<vmem>>, vector<1x16xf32>,
    %swap3A_199 = arith.constant 8 : i32
    %swap3A_200 = arith.index_cast %swap3A_199 : i32 to index
    %swap3A_201 = arith.constant 16 : index
    %swap3A_202 = tpu.vector_load %arg10[%swap3A_200, %swap3A_201] {strides = array<i32>} : memref<16x64xf32, #tpu.memory_space<vmem>>, vector<1x16xf32>,
    %swap3A_203 = vector.shape_cast %swap3A_202 : vector<1x16xf32> to vector<16xf32>
    %swap3A_204 = vector.shape_cast %broadcast_in_dim3A_1 : vector<16xf32> to vector<1x16xf32>
    tpu.vector_store %arg10[%swap3A_200, %swap3A_201], %swap3A_204 {strides = array<i32>} : memref<16x64xf32, #tpu.memory_space<vmem>>, vector<1x16xf32>,
    %swap3A_205 = arith.constant 8 : i32
    %swap3A_206 = arith.index_cast %swap3A_205 : i32 to index
    %swap3A_207 = arith.constant 32 : index
    %swap3A_208 = tpu.vector_load %arg10[%swap3A_206, %swap3A_207] {strides = array<i32>} : memref<16x64xf32, #tpu.memory_space<vmem>>, vector<1x16xf32>,
    %swap3A_209 = vector.shape_cast %swap3A_208 : vector<1x16xf32> to vector<16xf32>
    %swap3A_210 = vector.shape_cast %broadcast_in_dim3A_1 : vector<16xf32> to vector<1x16xf32>
    tpu.vector_store %arg10[%swap3A_206, %swap3A_207], %swap3A_210 {strides = array<i32>} : memref<16x64xf32, #tpu.memory_space<vmem>>, vector<1x16xf32>,
    %swap3A_211 = arith.constant 8 : i32
    %swap3A_212 = arith.index_cast %swap3A_211 : i32 to index
    %swap3A_213 = arith.constant 48 : index
    %swap3A_214 = tpu.vector_load %arg10[%swap3A_212, %swap3A_213] {strides = array<i32>} : memref<16x64xf32, #tpu.memory_space<vmem>>, vector<1x16xf32>,
    %swap3A_215 = vector.shape_cast %swap3A_214 : vector<1x16xf32> to vector<16xf32>
    %swap3A_216 = vector.shape_cast %broadcast_in_dim3A_1 : vector<16xf32> to vector<1x16xf32>
    tpu.vector_store %arg10[%swap3A_212, %swap3A_213], %swap3A_216 {strides = array<i32>} : memref<16x64xf32, #tpu.memory_space<vmem>>, vector<1x16xf32>,
    %swap3A_217 = arith.constant 9 : i32
    %swap3A_218 = arith.index_cast %swap3A_217 : i32 to index
    %swap3A_219 = arith.constant 0 : index
    %swap3A_220 = tpu.vector_load %arg10[%swap3A_218, %swap3A_219] {strides = array<i32>} : memref<16x64xf32, #tpu.memory_space<vmem>>, vector<1x16xf32>,
    %swap3A_221 = vector.shape_cast %swap3A_220 : vector<1x16xf32> to vector<16xf32>
    %swap3A_222 = vector.shape_cast %broadcast_in_dim3A_1 : vector<16xf32> to vector<1x16xf32>
    tpu.vector_store %arg10[%swap3A_218, %swap3A_219], %swap3A_222 {strides = array<i32>} : memref<16x64xf32, #tpu.memory_space<vmem>>, vector<1x16xf32>,
    %swap3A_223 = arith.constant 9 : i32
    %swap3A_224 = arith.index_cast %swap3A_223 : i32 to index
    %swap3A_225 = arith.constant 16 : index
    %swap3A_226 = tpu.vector_load %arg10[%swap3A_224, %swap3A_225] {strides = array<i32>} : memref<16x64xf32, #tpu.memory_space<vmem>>, vector<1x16xf32>,
    %swap3A_227 = vector.shape_cast %swap3A_226 : vector<1x16xf32> to vector<16xf32>
    %swap3A_228 = vector.shape_cast %broadcast_in_dim3A_1 : vector<16xf32> to vector<1x16xf32>
    tpu.vector_store %arg10[%swap3A_224, %swap3A_225], %swap3A_228 {strides = array<i32>} : memref<16x64xf32, #tpu.memory_space<vmem>>, vector<1x16xf32>,
    %swap3A_229 = arith.constant 9 : i32
    %swap3A_230 = arith.index_cast %swap3A_229 : i32 to index
    %swap3A_231 = arith.constant 32 : index
    %swap3A_232 = tpu.vector_load %arg10[%swap3A_230, %swap3A_231] {strides = array<i32>} : memref<16x64xf32, #tpu.memory_space<vmem>>, vector<1x16xf32>,
    %swap3A_233 = vector.shape_cast %swap3A_232 : vector<1x16xf32> to vector<16xf32>
    %swap3A_234 = vector.shape_cast %broadcast_in_dim3A_1 : vector<16xf32> to vector<1x16xf32>
    tpu.vector_store %arg10[%swap3A_230, %swap3A_231], %swap3A_234 {strides = array<i32>} : memref<16x64xf32, #tpu.memory_space<vmem>>, vector<1x16xf32>,
    %swap3A_235 = arith.constant 9 : i32
    %swap3A_236 = arith.index_cast %swap3A_235 : i32 to index
    %swap3A_237 = arith.constant 48 : index
    %swap3A_238 = tpu.vector_load %arg10[%swap3A_236, %swap3A_237] {strides = array<i32>} : memref<16x64xf32, #tpu.memory_space<vmem>>, vector<1x16xf32>,
    %swap3A_239 = vector.shape_cast %swap3A_238 : vector<1x16xf32> to vector<16xf32>
    %swap3A_240 = vector.shape_cast %broadcast_in_dim3A_1 : vector<16xf32> to vector<1x16xf32>
    tpu.vector_store %arg10[%swap3A_236, %swap3A_237], %swap3A_240 {strides = array<i32>} : memref<16x64xf32, #tpu.memory_space<vmem>>, vector<1x16xf32>,
    %swap3A_241 = arith.constant 10 : i32
    %swap3A_242 = arith.index_cast %swap3A_241 : i32 to index
    %swap3A_243 = arith.constant 0 : index
    %swap3A_244 = tpu.vector_load %arg10[%swap3A_242, %swap3A_243] {strides = array<i32>} : memref<16x64xf32, #tpu.memory_space<vmem>>, vector<1x16xf32>,
    %swap3A_245 = vector.shape_cast %swap3A_244 : vector<1x16xf32> to vector<16xf32>
    %swap3A_246 = vector.shape_cast %broadcast_in_dim3A_1 : vector<16xf32> to vector<1x16xf32>
    tpu.vector_store %arg10[%swap3A_242, %swap3A_243], %swap3A_246 {strides = array<i32>} : memref<16x64xf32, #tpu.memory_space<vmem>>, vector<1x16xf32>,
    %swap3A_247 = arith.constant 10 : i32
    %swap3A_248 = arith.index_cast %swap3A_247 : i32 to index
    %swap3A_249 = arith.constant 16 : index
    %swap3A_250 = tpu.vector_load %arg10[%swap3A_248, %swap3A_249] {strides = array<i32>} : memref<16x64xf32, #tpu.memory_space<vmem>>, vector<1x16xf32>,
    %swap3A_251 = vector.shape_cast %swap3A_250 : vector<1x16xf32> to vector<16xf32>
    %swap3A_252 = vector.shape_cast %broadcast_in_dim3A_1 : vector<16xf32> to vector<1x16xf32>
    tpu.vector_store %arg10[%swap3A_248, %swap3A_249], %swap3A_252 {strides = array<i32>} : memref<16x64xf32, #tpu.memory_space<vmem>>, vector<1x16xf32>,
    %swap3A_253 = arith.constant 10 : i32
    %swap3A_254 = arith.index_cast %swap3A_253 : i32 to index
    %swap3A_255 = arith.constant 32 : index
    %swap3A_256 = tpu.vector_load %arg10[%swap3A_254, %swap3A_255] {strides = array<i32>} : memref<16x64xf32, #tpu.memory_space<vmem>>, vector<1x16xf32>,
    %swap3A_257 = vector.shape_cast %swap3A_256 : vector<1x16xf32> to vector<16xf32>
    %swap3A_258 = vector.shape_cast %broadcast_in_dim3A_1 : vector<16xf32> to vector<1x16xf32>
    tpu.vector_store %arg10[%swap3A_254, %swap3A_255], %swap3A_258 {strides = array<i32>} : memref<16x64xf32, #tpu.memory_space<vmem>>, vector<1x16xf32>,
    %swap3A_259 = arith.constant 10 : i32
    %swap3A_260 = arith.index_cast %swap3A_259 : i32 to index
    %swap3A_261 = arith.constant 48 : index
    %swap3A_262 = tpu.vector_load %arg10[%swap3A_260, %swap3A_261] {strides = array<i32>} : memref<16x64xf32, #tpu.memory_space<vmem>>, vector<1x16xf32>,
    %swap3A_263 = vector.shape_cast %swap3A_262 : vector<1x16xf32> to vector<16xf32>
    %swap3A_264 = vector.shape_cast %broadcast_in_dim3A_1 : vector<16xf32> to vector<1x16xf32>
    tpu.vector_store %arg10[%swap3A_260, %swap3A_261], %swap3A_264 {strides = array<i32>} : memref<16x64xf32, #tpu.memory_space<vmem>>, vector<1x16xf32>,
    %swap3A_265 = arith.constant 11 : i32
    %swap3A_266 = arith.index_cast %swap3A_265 : i32 to index
    %swap3A_267 = arith.constant 0 : index
    %swap3A_268 = tpu.vector_load %arg10[%swap3A_266, %swap3A_267] {strides = array<i32>} : memref<16x64xf32, #tpu.memory_space<vmem>>, vector<1x16xf32>,
    %swap3A_269 = vector.shape_cast %swap3A_268 : vector<1x16xf32> to vector<16xf32>
    %swap3A_270 = vector.shape_cast %broadcast_in_dim3A_1 : vector<16xf32> to vector<1x16xf32>
    tpu.vector_store %arg10[%swap3A_266, %swap3A_267], %swap3A_270 {strides = array<i32>} : memref<16x64xf32, #tpu.memory_space<vmem>>, vector<1x16xf32>,
    %swap3A_271 = arith.constant 11 : i32
    %swap3A_272 = arith.index_cast %swap3A_271 : i32 to index
    %swap3A_273 = arith.constant 16 : index
    %swap3A_274 = tpu.vector_load %arg10[%swap3A_272, %swap3A_273] {strides = array<i32>} : memref<16x64xf32, #tpu.memory_space<vmem>>, vector<1x16xf32>,
    %swap3A_275 = vector.shape_cast %swap3A_274 : vector<1x16xf32> to vector<16xf32>
    %swap3A_276 = vector.shape_cast %broadcast_in_dim3A_1 : vector<16xf32> to vector<1x16xf32>
    tpu.vector_store %arg10[%swap3A_272, %swap3A_273], %swap3A_276 {strides = array<i32>} : memref<16x64xf32, #tpu.memory_space<vmem>>, vector<1x16xf32>,
    %swap3A_277 = arith.constant 11 : i32
    %swap3A_278 = arith.index_cast %swap3A_277 : i32 to index
    %swap3A_279 = arith.constant 32 : index
    %swap3A_280 = tpu.vector_load %arg10[%swap3A_278, %swap3A_279] {strides = array<i32>} : memref<16x64xf32, #tpu.memory_space<vmem>>, vector<1x16xf32>,
    %swap3A_281 = vector.shape_cast %swap3A_280 : vector<1x16xf32> to vector<16xf32>
    %swap3A_282 = vector.shape_cast %broadcast_in_dim3A_1 : vector<16xf32> to vector<1x16xf32>
    tpu.vector_store %arg10[%swap3A_278, %swap3A_279], %swap3A_282 {strides = array<i32>} : memref<16x64xf32, #tpu.memory_space<vmem>>, vector<1x16xf32>,
    %swap3A_283 = arith.constant 11 : i32
    %swap3A_284 = arith.index_cast %swap3A_283 : i32 to index
    %swap3A_285 = arith.constant 48 : index
    %swap3A_286 = tpu.vector_load %arg10[%swap3A_284, %swap3A_285] {strides = array<i32>} : memref<16x64xf32, #tpu.memory_space<vmem>>, vector<1x16xf32>,
    %swap3A_287 = vector.shape_cast %swap3A_286 : vector<1x16xf32> to vector<16xf32>
    %swap3A_288 = vector.shape_cast %broadcast_in_dim3A_1 : vector<16xf32> to vector<1x16xf32>
    tpu.vector_store %arg10[%swap3A_284, %swap3A_285], %swap3A_288 {strides = array<i32>} : memref<16x64xf32, #tpu.memory_space<vmem>>, vector<1x16xf32>,
    %swap3A_289 = arith.constant 12 : i32
    %swap3A_290 = arith.index_cast %swap3A_289 : i32 to index
    %swap3A_291 = arith.constant 0 : index
    %swap3A_292 = tpu.vector_load %arg10[%swap3A_290, %swap3A_291] {strides = array<i32>} : memref<16x64xf32, #tpu.memory_space<vmem>>, vector<1x16xf32>,
    %swap3A_293 = vector.shape_cast %swap3A_292 : vector<1x16xf32> to vector<16xf32>
    %swap3A_294 = vector.shape_cast %broadcast_in_dim3A_1 : vector<16xf32> to vector<1x16xf32>
    tpu.vector_store %arg10[%swap3A_290, %swap3A_291], %swap3A_294 {strides = array<i32>} : memref<16x64xf32, #tpu.memory_space<vmem>>, vector<1x16xf32>,
    %swap3A_295 = arith.constant 12 : i32
    %swap3A_296 = arith.index_cast %swap3A_295 : i32 to index
    %swap3A_297 = arith.constant 16 : index
    %swap3A_298 = tpu.vector_load %arg10[%swap3A_296, %swap3A_297] {strides = array<i32>} : memref<16x64xf32, #tpu.memory_space<vmem>>, vector<1x16xf32>,
    %swap3A_299 = vector.shape_cast %swap3A_298 : vector<1x16xf32> to vector<16xf32>
    %swap3A_300 = vector.shape_cast %broadcast_in_dim3A_1 : vector<16xf32> to vector<1x16xf32>
    tpu.vector_store %arg10[%swap3A_296, %swap3A_297], %swap3A_300 {strides = array<i32>} : memref<16x64xf32, #tpu.memory_space<vmem>>, vector<1x16xf32>,
    %swap3A_301 = arith.constant 12 : i32
    %swap3A_302 = arith.index_cast %swap3A_301 : i32 to index
    %swap3A_303 = arith.constant 32 : index
    %swap3A_304 = tpu.vector_load %arg10[%swap3A_302, %swap3A_303] {strides = array<i32>} : memref<16x64xf32, #tpu.memory_space<vmem>>, vector<1x16xf32>,
    %swap3A_305 = vector.shape_cast %swap3A_304 : vector<1x16xf32> to vector<16xf32>
    %swap3A_306 = vector.shape_cast %broadcast_in_dim3A_1 : vector<16xf32> to vector<1x16xf32>
    tpu.vector_store %arg10[%swap3A_302, %swap3A_303], %swap3A_306 {strides = array<i32>} : memref<16x64xf32, #tpu.memory_space<vmem>>, vector<1x16xf32>,
    %swap3A_307 = arith.constant 12 : i32
    %swap3A_308 = arith.index_cast %swap3A_307 : i32 to index
    %swap3A_309 = arith.constant 48 : index
    %swap3A_310 = tpu.vector_load %arg10[%swap3A_308, %swap3A_309] {strides = array<i32>} : memref<16x64xf32, #tpu.memory_space<vmem>>, vector<1x16xf32>,
    %swap3A_311 = vector.shape_cast %swap3A_310 : vector<1x16xf32> to vector<16xf32>
    %swap3A_312 = vector.shape_cast %broadcast_in_dim3A_1 : vector<16xf32> to vector<1x16xf32>
    tpu.vector_store %arg10[%swap3A_308, %swap3A_309], %swap3A_312 {strides = array<i32>} : memref<16x64xf32, #tpu.memory_space<vmem>>, vector<1x16xf32>,
    %swap3A_313 = arith.constant 13 : i32
    %swap3A_314 = arith.index_cast %swap3A_313 : i32 to index
    %swap3A_315 = arith.constant 0 : index
    %swap3A_316 = tpu.vector_load %arg10[%swap3A_314, %swap3A_315] {strides = array<i32>} : memref<16x64xf32, #tpu.memory_space<vmem>>, vector<1x16xf32>,
    %swap3A_317 = vector.shape_cast %swap3A_316 : vector<1x16xf32> to vector<16xf32>
    %swap3A_318 = vector.shape_cast %broadcast_in_dim3A_1 : vector<16xf32> to vector<1x16xf32>
    tpu.vector_store %arg10[%swap3A_314, %swap3A_315], %swap3A_318 {strides = array<i32>} : memref<16x64xf32, #tpu.memory_space<vmem>>, vector<1x16xf32>,
    %swap3A_319 = arith.constant 13 : i32
    %swap3A_320 = arith.index_cast %swap3A_319 : i32 to index
    %swap3A_321 = arith.constant 16 : index
    %swap3A_322 = tpu.vector_load %arg10[%swap3A_320, %swap3A_321] {strides = array<i32>} : memref<16x64xf32, #tpu.memory_space<vmem>>, vector<1x16xf32>,
    %swap3A_323 = vector.shape_cast %swap3A_322 : vector<1x16xf32> to vector<16xf32>
    %swap3A_324 = vector.shape_cast %broadcast_in_dim3A_1 : vector<16xf32> to vector<1x16xf32>
    tpu.vector_store %arg10[%swap3A_320, %swap3A_321], %swap3A_324 {strides = array<i32>} : memref<16x64xf32, #tpu.memory_space<vmem>>, vector<1x16xf32>,
    %swap3A_325 = arith.constant 13 : i32
    %swap3A_326 = arith.index_cast %swap3A_325 : i32 to index
    %swap3A_327 = arith.constant 32 : index
    %swap3A_328 = tpu.vector_load %arg10[%swap3A_326, %swap3A_327] {strides = array<i32>} : memref<16x64xf32, #tpu.memory_space<vmem>>, vector<1x16xf32>,
    %swap3A_329 = vector.shape_cast %swap3A_328 : vector<1x16xf32> to vector<16xf32>
    %swap3A_330 = vector.shape_cast %broadcast_in_dim3A_1 : vector<16xf32> to vector<1x16xf32>
    tpu.vector_store %arg10[%swap3A_326, %swap3A_327], %swap3A_330 {strides = array<i32>} : memref<16x64xf32, #tpu.memory_space<vmem>>, vector<1x16xf32>,
    %swap3A_331 = arith.constant 13 : i32
    %swap3A_332 = arith.index_cast %swap3A_331 : i32 to index
    %swap3A_333 = arith.constant 48 : index
    %swap3A_334 = tpu.vector_load %arg10[%swap3A_332, %swap3A_333] {strides = array<i32>} : memref<16x64xf32, #tpu.memory_space<vmem>>, vector<1x16xf32>,
    %swap3A_335 = vector.shape_cast %swap3A_334 : vector<1x16xf32> to vector<16xf32>
    %swap3A_336 = vector.shape_cast %broadcast_in_dim3A_1 : vector<16xf32> to vector<1x16xf32>
    tpu.vector_store %arg10[%swap3A_332, %swap3A_333], %swap3A_336 {strides = array<i32>} : memref<16x64xf32, #tpu.memory_space<vmem>>, vector<1x16xf32>,
    %swap3A_337 = arith.constant 14 : i32
    %swap3A_338 = arith.index_cast %swap3A_337 : i32 to index
    %swap3A_339 = arith.constant 0 : index
    %swap3A_340 = tpu.vector_load %arg10[%swap3A_338, %swap3A_339] {strides = array<i32>} : memref<16x64xf32, #tpu.memory_space<vmem>>, vector<1x16xf32>,
    %swap3A_341 = vector.shape_cast %swap3A_340 : vector<1x16xf32> to vector<16xf32>
    %swap3A_342 = vector.shape_cast %broadcast_in_dim3A_1 : vector<16xf32> to vector<1x16xf32>
    tpu.vector_store %arg10[%swap3A_338, %swap3A_339], %swap3A_342 {strides = array<i32>} : memref<16x64xf32, #tpu.memory_space<vmem>>, vector<1x16xf32>,
    %swap3A_343 = arith.constant 14 : i32
    %swap3A_344 = arith.index_cast %swap3A_343 : i32 to index
    %swap3A_345 = arith.constant 16 : index
    %swap3A_346 = tpu.vector_load %arg10[%swap3A_344, %swap3A_345] {strides = array<i32>} : memref<16x64xf32, #tpu.memory_space<vmem>>, vector<1x16xf32>,
    %swap3A_347 = vector.shape_cast %swap3A_346 : vector<1x16xf32> to vector<16xf32>
    %swap3A_348 = vector.shape_cast %broadcast_in_dim3A_1 : vector<16xf32> to vector<1x16xf32>
    tpu.vector_store %arg10[%swap3A_344, %swap3A_345], %swap3A_348 {strides = array<i32>} : memref<16x64xf32, #tpu.memory_space<vmem>>, vector<1x16xf32>,
    %swap3A_349 = arith.constant 14 : i32
    %swap3A_350 = arith.index_cast %swap3A_349 : i32 to index
    %swap3A_351 = arith.constant 32 : index
    %swap3A_352 = tpu.vector_load %arg10[%swap3A_350, %swap3A_351] {strides = array<i32>} : memref<16x64xf32, #tpu.memory_space<vmem>>, vector<1x16xf32>,
    %swap3A_353 = vector.shape_cast %swap3A_352 : vector<1x16xf32> to vector<16xf32>
    %swap3A_354 = vector.shape_cast %broadcast_in_dim3A_1 : vector<16xf32> to vector<1x16xf32>
    tpu.vector_store %arg10[%swap3A_350, %swap3A_351], %swap3A_354 {strides = array<i32>} : memref<16x64xf32, #tpu.memory_space<vmem>>, vector<1x16xf32>,
    %swap3A_355 = arith.constant 14 : i32
    %swap3A_356 = arith.index_cast %swap3A_355 : i32 to index
    %swap3A_357 = arith.constant 48 : index
    %swap3A_358 = tpu.vector_load %arg10[%swap3A_356, %swap3A_357] {strides = array<i32>} : memref<16x64xf32, #tpu.memory_space<vmem>>, vector<1x16xf32>,
    %swap3A_359 = vector.shape_cast %swap3A_358 : vector<1x16xf32> to vector<16xf32>
    %swap3A_360 = vector.shape_cast %broadcast_in_dim3A_1 : vector<16xf32> to vector<1x16xf32>
    tpu.vector_store %arg10[%swap3A_356, %swap3A_357], %swap3A_360 {strides = array<i32>} : memref<16x64xf32, #tpu.memory_space<vmem>>, vector<1x16xf32>,
    %swap3A_361 = arith.constant 15 : i32
    %swap3A_362 = arith.index_cast %swap3A_361 : i32 to index
    %swap3A_363 = arith.constant 0 : index
    %swap3A_364 = tpu.vector_load %arg10[%swap3A_362, %swap3A_363] {strides = array<i32>} : memref<16x64xf32, #tpu.memory_space<vmem>>, vector<1x16xf32>,
    %swap3A_365 = vector.shape_cast %swap3A_364 : vector<1x16xf32> to vector<16xf32>
    %swap3A_366 = vector.shape_cast %broadcast_in_dim3A_1 : vector<16xf32> to vector<1x16xf32>
    tpu.vector_store %arg10[%swap3A_362, %swap3A_363], %swap3A_366 {strides = array<i32>} : memref<16x64xf32, #tpu.memory_space<vmem>>, vector<1x16xf32>,
    %swap3A_367 = arith.constant 15 : i32
    %swap3A_368 = arith.index_cast %swap3A_367 : i32 to index
    %swap3A_369 = arith.constant 16 : index
    %swap3A_370 = tpu.vector_load %arg10[%swap3A_368, %swap3A_369] {strides = array<i32>} : memref<16x64xf32, #tpu.memory_space<vmem>>, vector<1x16xf32>,
    %swap3A_371 = vector.shape_cast %swap3A_370 : vector<1x16xf32> to vector<16xf32>
    %swap3A_372 = vector.shape_cast %broadcast_in_dim3A_1 : vector<16xf32> to vector<1x16xf32>
    tpu.vector_store %arg10[%swap3A_368, %swap3A_369], %swap3A_372 {strides = array<i32>} : memref<16x64xf32, #tpu.memory_space<vmem>>, vector<1x16xf32>,
    %swap3A_373 = arith.constant 15 : i32
    %swap3A_374 = arith.index_cast %swap3A_373 : i32 to index
    %swap3A_375 = arith.constant 32 : index
    %swap3A_376 = tpu.vector_load %arg10[%swap3A_374, %swap3A_375] {strides = array<i32>} : memref<16x64xf32, #tpu.memory_space<vmem>>, vector<1x16xf32>,
    %swap3A_377 = vector.shape_cast %swap3A_376 : vector<1x16xf32> to vector<16xf32>
    %swap3A_378 = vector.shape_cast %broadcast_in_dim3A_1 : vector<16xf32> to vector<1x16xf32>
    tpu.vector_store %arg10[%swap3A_374, %swap3A_375], %swap3A_378 {strides = array<i32>} : memref<16x64xf32, #tpu.memory_space<vmem>>, vector<1x16xf32>,
    %swap3A_379 = arith.constant 15 : i32
    %swap3A_380 = arith.index_cast %swap3A_379 : i32 to index
    %swap3A_381 = arith.constant 48 : index
    %swap3A_382 = tpu.vector_load %arg10[%swap3A_380, %swap3A_381] {strides = array<i32>} : memref<16x64xf32, #tpu.memory_space<vmem>>, vector<1x16xf32>,
    %swap3A_383 = vector.shape_cast %swap3A_382 : vector<1x16xf32> to vector<16xf32>
    %swap3A_384 = vector.shape_cast %broadcast_in_dim3A_1 : vector<16xf32> to vector<1x16xf32>
    tpu.vector_store %arg10[%swap3A_380, %swap3A_381], %swap3A_384 {strides = array<i32>} : memref<16x64xf32, #tpu.memory_space<vmem>>, vector<1x16xf32>,
    %mul3A_385 = arith.constant 640 : i32
    %mul3A_386 = arith.muli %arg1, %mul3A_385 : i32
    %run_scoped3A = arith.constant 0 : i32
    "tpu.region"() ({
      %run_scoped3A_438 = tpu.sem_alloc : memref<!tpu.dma_semaphore, #tpu.memory_space<semaphore_mem>>
      %dma_start3A = arith.constant 0 : i32
      %dma_start3A_439 = arith.constant 0 : i32
      %dma_start3A_440 = tpu.memref_slice %arg4[%run_scoped3A, %add3A, %dma_start3A, %dma_start3A_439] : memref<2x32x80x128xi32, #tpu.memory_space<hbm>> -> memref<1x1x80x128xi32, #tpu.memory_space<hbm>>
      %dma_start3A_441 = tpu.memref_squeeze %dma_start3A_440 : memref<1x1x80x128xi32, #tpu.memory_space<hbm>> -> memref<80x128xi32, #tpu.memory_space<hbm>>
      %dma_start3A_442 = arith.constant 0 : i32
      %dma_start3A_443 = arith.constant 0 : i32
      %dma_start3A_444 = tpu.memref_slice %arg4[%run_scoped3A, %add3A, %dma_start3A_442, %dma_start3A_443] : memref<2x32x80x128xi32, #tpu.memory_space<hbm>> -> memref<1x1x80x128xi32, #tpu.memory_space<hbm>>
      %dma_start3A_445 = tpu.memref_squeeze %dma_start3A_444 : memref<1x1x80x128xi32, #tpu.memory_space<hbm>> -> memref<80x128xi32, #tpu.memory_space<hbm>>
      tpu.enqueue_dma source(%dma_start3A_445 : memref<80x128xi32, #tpu.memory_space<hbm>>) target(%arg7 : memref<80x128xi32, #tpu.memory_space<vmem>>) target_semaphore(%run_scoped3A_438 : memref<!tpu.dma_semaphore, #tpu.memory_space<semaphore_mem>>)
      %dma_wait3A = arith.constant 0 : i32
      %dma_wait3A_446 = arith.constant 0 : i32
      %dma_wait3A_447 = tpu.memref_slice %arg4[%run_scoped3A, %add3A, %dma_wait3A, %dma_wait3A_446] : memref<2x32x80x128xi32, #tpu.memory_space<hbm>> -> memref<1x1x80x128xi32, #tpu.memory_space<hbm>>
      %dma_wait3A_448 = tpu.memref_squeeze %dma_wait3A_447 : memref<1x1x80x128xi32, #tpu.memory_space<hbm>> -> memref<80x128xi32, #tpu.memory_space<hbm>>
      %dma_wait3A_449 = arith.constant 0 : i32
      %dma_wait3A_450 = arith.constant 0 : i32
      %dma_wait3A_451 = tpu.memref_slice %arg4[%run_scoped3A, %add3A, %dma_wait3A_449, %dma_wait3A_450] : memref<2x32x80x128xi32, #tpu.memory_space<hbm>> -> memref<1x1x80x128xi32, #tpu.memory_space<hbm>>
      %dma_wait3A_452 = tpu.memref_squeeze %dma_wait3A_451 : memref<1x1x80x128xi32, #tpu.memory_space<hbm>> -> memref<80x128xi32, #tpu.memory_space<hbm>>
      tpu.wait_dma2 semaphore(%run_scoped3A_438 : memref<!tpu.dma_semaphore, #tpu.memory_space<semaphore_mem>>) src(%dma_wait3A_452 : memref<80x128xi32, #tpu.memory_space<hbm>>) dst(%arg7 : memref<80x128xi32, #tpu.memory_space<vmem>>)
      tpu.yield
    }) : () -> ()
    %run_scoped3A_387 = arith.constant 1 : i32
    "tpu.region"() ({
      %run_scoped3A_438 = tpu.sem_alloc : memref<!tpu.dma_semaphore, #tpu.memory_space<semaphore_mem>>
      %dma_start3A = arith.constant 0 : i32
      %dma_start3A_439 = arith.constant 0 : i32
      %dma_start3A_440 = tpu.memref_slice %arg4[%run_scoped3A_387, %add3A, %dma_start3A, %dma_start3A_439] : memref<2x32x80x128xi32, #tpu.memory_space<hbm>> -> memref<1x1x80x128xi32, #tpu.memory_space<hbm>>
      %dma_start3A_441 = tpu.memref_squeeze %dma_start3A_440 : memref<1x1x80x128xi32, #tpu.memory_space<hbm>> -> memref<80x128xi32, #tpu.memory_space<hbm>>
      %dma_start3A_442 = arith.constant 0 : i32
      %dma_start3A_443 = arith.constant 0 : i32
      %dma_start3A_444 = tpu.memref_slice %arg4[%run_scoped3A_387, %add3A, %dma_start3A_442, %dma_start3A_443] : memref<2x32x80x128xi32, #tpu.memory_space<hbm>> -> memref<1x1x80x128xi32, #tpu.memory_space<hbm>>
      %dma_start3A_445 = tpu.memref_squeeze %dma_start3A_444 : memref<1x1x80x128xi32, #tpu.memory_space<hbm>> -> memref<80x128xi32, #tpu.memory_space<hbm>>
      tpu.enqueue_dma source(%dma_start3A_445 : memref<80x128xi32, #tpu.memory_space<hbm>>) target(%arg8 : memref<80x128xi32, #tpu.memory_space<vmem>>) target_semaphore(%run_scoped3A_438 : memref<!tpu.dma_semaphore, #tpu.memory_space<semaphore_mem>>)
      %dma_wait3A = arith.constant 0 : i32
      %dma_wait3A_446 = arith.constant 0 : i32
      %dma_wait3A_447 = tpu.memref_slice %arg4[%run_scoped3A_387, %add3A, %dma_wait3A, %dma_wait3A_446] : memref<2x32x80x128xi32, #tpu.memory_space<hbm>> -> memref<1x1x80x128xi32, #tpu.memory_space<hbm>>
      %dma_wait3A_448 = tpu.memref_squeeze %dma_wait3A_447 : memref<1x1x80x128xi32, #tpu.memory_space<hbm>> -> memref<80x128xi32, #tpu.memory_space<hbm>>
      %dma_wait3A_449 = arith.constant 0 : i32
      %dma_wait3A_450 = arith.constant 0 : i32
      %dma_wait3A_451 = tpu.memref_slice %arg4[%run_scoped3A_387, %add3A, %dma_wait3A_449, %dma_wait3A_450] : memref<2x32x80x128xi32, #tpu.memory_space<hbm>> -> memref<1x1x80x128xi32, #tpu.memory_space<hbm>>
      %dma_wait3A_452 = tpu.memref_squeeze %dma_wait3A_451 : memref<1x1x80x128xi32, #tpu.memory_space<hbm>> -> memref<80x128xi32, #tpu.memory_space<hbm>>
      tpu.wait_dma2 semaphore(%run_scoped3A_438 : memref<!tpu.dma_semaphore, #tpu.memory_space<semaphore_mem>>) src(%dma_wait3A_452 : memref<80x128xi32, #tpu.memory_space<hbm>>) dst(%arg8 : memref<80x128xi32, #tpu.memory_space<vmem>>)
      tpu.yield
    }) : () -> ()
    %scan3A = arith.constant 0 : i32
    %scan3A_388 = arith.constant 0 : i32
    %scan3A_389 = arith.constant 40 : i32
    %scan3A_390 = arith.addi %scan3A_388, %scan3A_389 : i32
    %scan3A_391 = arith.constant 1 : i32
    scf.for %scan3A_438 = %scan3A_388 to %scan3A_390 step %scan3A_391  : i32 {
      %mul3A_439 = arith.constant 16 : i32
      %mul3A_440 = arith.muli %scan3A_438, %mul3A_439 : i32
      %add3A_441 = arith.addi %mul3A_386, %mul3A_440 : i32
      "tpu.region"() ({
        %run_scoped3A_442 = tpu.sem_alloc : memref<!tpu.dma_semaphore, #tpu.memory_space<semaphore_mem>>
        %dma_start3A = arith.constant 0 : i32
        %dma_start3A_443 = tpu.memref_slice %arg12[%add3A_441, %dma_start3A] : memref<10240x64xf32, #tpu.memory_space<vmem_shared>> -> memref<16x64xf32, #tpu.memory_space<vmem_shared>>
        %dma_start3A_444 = arith.constant 0 : i32
        %dma_start3A_445 = tpu.memref_slice %arg12[%add3A_441, %dma_start3A_444] : memref<10240x64xf32, #tpu.memory_space<vmem_shared>> -> memref<16x64xf32, #tpu.memory_space<vmem_shared>>
        tpu.enqueue_dma source(%arg10 : memref<16x64xf32, #tpu.memory_space<vmem>>) target(%dma_start3A_445 : memref<16x64xf32, #tpu.memory_space<vmem_shared>>) target_semaphore(%run_scoped3A_442 : memref<!tpu.dma_semaphore, #tpu.memory_space<semaphore_mem>>)
        %dma_wait3A = arith.constant 0 : i32
        %dma_wait3A_446 = tpu.memref_slice %arg12[%add3A_441, %dma_wait3A] : memref<10240x64xf32, #tpu.memory_space<vmem_shared>> -> memref<16x64xf32, #tpu.memory_space<vmem_shared>>
        %dma_wait3A_447 = arith.constant 0 : i32
        %dma_wait3A_448 = tpu.memref_slice %arg12[%add3A_441, %dma_wait3A_447] : memref<10240x64xf32, #tpu.memory_space<vmem_shared>> -> memref<16x64xf32, #tpu.memory_space<vmem_shared>>
        tpu.wait_dma2 semaphore(%run_scoped3A_442 : memref<!tpu.dma_semaphore, #tpu.memory_space<semaphore_mem>>) src(%arg10 : memref<16x64xf32, #tpu.memory_space<vmem>>) dst(%dma_wait3A_448 : memref<16x64xf32, #tpu.memory_space<vmem_shared>>)
        tpu.yield
      }) : () -> ()
    }
    %scan3A_392 = arith.constant 40 : i32
    %scan3A_393 = arith.constant 0 : i32
    %scan3A_394 = arith.constant 0 : i32
    %scan3A_395 = arith.constant 5 : i32
    %scan3A_396 = arith.addi %scan3A_394, %scan3A_395 : i32
    %scan3A_397 = arith.constant 1 : i32
    scf.for %scan3A_438 = %scan3A_394 to %scan3A_396 step %scan3A_397  : i32 {
      %mul3A_439 = arith.constant 128 : i32
      %mul3A_440 = arith.muli %scan3A_438, %mul3A_439 : i32
      %add3A_441 = arith.addi %mul3A_386, %mul3A_440 : i32
      "tpu.region"() ({
        %run_scoped3A_445 = tpu.sem_alloc : memref<!tpu.dma_semaphore, #tpu.memory_space<semaphore_mem>>
        %dma_start3A = arith.constant 0 : i32
        %dma_start3A_446 = tpu.memref_slice %arg2[%add3A_441, %dma_start3A] : memref<10240x64xf32, #tpu.memory_space<hbm>> -> memref<128x64xf32, #tpu.memory_space<hbm>>
        %dma_start3A_447 = arith.constant 0 : i32
        %dma_start3A_448 = tpu.memref_slice %arg2[%add3A_441, %dma_start3A_447] : memref<10240x64xf32, #tpu.memory_space<hbm>> -> memref<128x64xf32, #tpu.memory_space<hbm>>
        tpu.enqueue_dma source(%dma_start3A_448 : memref<128x64xf32, #tpu.memory_space<hbm>>) target(%arg9 : memref<128x64xf32, #tpu.memory_space<vmem>>) target_semaphore(%run_scoped3A_445 : memref<!tpu.dma_semaphore, #tpu.memory_space<semaphore_mem>>)
        %dma_wait3A = arith.constant 0 : i32
        %dma_wait3A_449 = tpu.memref_slice %arg2[%add3A_441, %dma_wait3A] : memref<10240x64xf32, #tpu.memory_space<hbm>> -> memref<128x64xf32, #tpu.memory_space<hbm>>
        %dma_wait3A_450 = arith.constant 0 : i32
        %dma_wait3A_451 = tpu.memref_slice %arg2[%add3A_441, %dma_wait3A_450] : memref<10240x64xf32, #tpu.memory_space<hbm>> -> memref<128x64xf32, #tpu.memory_space<hbm>>
        tpu.wait_dma2 semaphore(%run_scoped3A_445 : memref<!tpu.dma_semaphore, #tpu.memory_space<semaphore_mem>>) src(%dma_wait3A_451 : memref<128x64xf32, #tpu.memory_space<hbm>>) dst(%arg9 : memref<128x64xf32, #tpu.memory_space<vmem>>)
        tpu.yield
      }) : () -> ()
      %mul3A_442 = arith.constant 128 : i32
      %mul3A_443 = arith.muli %scan3A_438, %mul3A_442 : i32
      %add3A_444 = arith.addi %mul3A_386, %mul3A_443 : i32
      "tpu.region"() ({
        %run_scoped3A_445 = tpu.sem_alloc : memref<!tpu.dma_semaphore, #tpu.memory_space<semaphore_mem>>
        %dma_start3A = arith.constant 0 : i32
        %dma_start3A_446 = tpu.memref_slice %arg11[%add3A_444, %dma_start3A] : memref<10240x64xf32, #tpu.memory_space<vmem_shared>> -> memref<128x64xf32, #tpu.memory_space<vmem_shared>>
        %dma_start3A_447 = arith.constant 0 : i32
        %dma_start3A_448 = tpu.memref_slice %arg11[%add3A_444, %dma_start3A_447] : memref<10240x64xf32, #tpu.memory_space<vmem_shared>> -> memref<128x64xf32, #tpu.memory_space<vmem_shared>>
        tpu.enqueue_dma source(%arg9 : memref<128x64xf32, #tpu.memory_space<vmem>>) target(%dma_start3A_448 : memref<128x64xf32, #tpu.memory_space<vmem_shared>>) target_semaphore(%run_scoped3A_445 : memref<!tpu.dma_semaphore, #tpu.memory_space<semaphore_mem>>)
        %dma_wait3A = arith.constant 0 : i32
        %dma_wait3A_449 = tpu.memref_slice %arg11[%add3A_444, %dma_wait3A] : memref<10240x64xf32, #tpu.memory_space<vmem_shared>> -> memref<128x64xf32, #tpu.memory_space<vmem_shared>>
        %dma_wait3A_450 = arith.constant 0 : i32
        %dma_wait3A_451 = tpu.memref_slice %arg11[%add3A_444, %dma_wait3A_450] : memref<10240x64xf32, #tpu.memory_space<vmem_shared>> -> memref<128x64xf32, #tpu.memory_space<vmem_shared>>
        tpu.wait_dma2 semaphore(%run_scoped3A_445 : memref<!tpu.dma_semaphore, #tpu.memory_space<semaphore_mem>>) src(%arg9 : memref<128x64xf32, #tpu.memory_space<vmem>>) dst(%dma_wait3A_451 : memref<128x64xf32, #tpu.memory_space<vmem_shared>>)
        tpu.yield
      }) : () -> ()
    }
    %scan3A_398 = arith.constant 5 : i32
    %barrier3A = arith.constant 0 : index
    tpu.barrier barrier_id(%barrier3A)
    %scan3A_399 = arith.constant 0 : i32
    %scan3A_400 = arith.constant 0 : i32
    %scan3A_401 = arith.constant 80 : i32
    %scan3A_402 = arith.addi %scan3A_400, %scan3A_401 : i32
    %scan3A_403 = arith.constant 1 : i32
    scf.for %scan3A_438 = %scan3A_400 to %scan3A_402 step %scan3A_403  : i32 {
      "tpu.region"() ({
        %run_scoped3A_439 = tpu.sem_alloc : memref<!tpu.dma_semaphore, #tpu.memory_space<semaphore_mem>>
        %dma_start3A = arith.constant 0 : i32
        %dma_start3A_440 = tpu.memref_slice %arg7[%scan3A_438, %dma_start3A] : memref<80x128xi32, #tpu.memory_space<vmem>> -> memref<1x128xi32, #tpu.memory_space<vmem>>
        %dma_start3A_441 = tpu.memref_squeeze %dma_start3A_440 : memref<1x128xi32, #tpu.memory_space<vmem>> -> memref<128xi32, #tpu.memory_space<vmem>>
        %dma_start3A_442 = arith.constant 0 : i32
        %dma_start3A_443 = arith.constant 0 : i32
        %dma_start3A_444 = tpu.memref_slice %arg11[%dma_start3A_442, %dma_start3A_443] : memref<10240x64xf32, #tpu.memory_space<vmem_shared>> -> memref<10240x64xf32, #tpu.memory_space<vmem_shared>>
        tpu.enqueue_indirect_dma source(%dma_start3A_444 : memref<10240x64xf32, #tpu.memory_space<vmem_shared>>) target(%arg9 : memref<128x64xf32, #tpu.memory_space<vmem>>) offsets(%dma_start3A_441 : memref<128xi32, #tpu.memory_space<vmem>>) semaphore(%run_scoped3A_439 : memref<!tpu.dma_semaphore, #tpu.memory_space<semaphore_mem>>)
        %dma_wait3A = arith.constant 0 : i32
        %dma_wait3A_445 = tpu.memref_slice %arg7[%scan3A_438, %dma_wait3A] : memref<80x128xi32, #tpu.memory_space<vmem>> -> memref<1x128xi32, #tpu.memory_space<vmem>>
        %dma_wait3A_446 = tpu.memref_squeeze %dma_wait3A_445 : memref<1x128xi32, #tpu.memory_space<vmem>> -> memref<128xi32, #tpu.memory_space<vmem>>
        %dma_wait3A_447 = arith.constant 0 : i32
        %dma_wait3A_448 = arith.constant 0 : i32
        %dma_wait3A_449 = tpu.memref_slice %arg11[%dma_wait3A_447, %dma_wait3A_448] : memref<10240x64xf32, #tpu.memory_space<vmem_shared>> -> memref<10240x64xf32, #tpu.memory_space<vmem_shared>>
        tpu.wait_indirect_dma semaphore(%run_scoped3A_439 : memref<!tpu.dma_semaphore, #tpu.memory_space<semaphore_mem>>) src(%dma_wait3A_449 : memref<10240x64xf32, #tpu.memory_space<vmem_shared>>) dst(%arg9 : memref<128x64xf32, #tpu.memory_space<vmem>>)
        tpu.yield
      }) : () -> ()
      "tpu.region"() ({
        %run_scoped3A_439 = tpu.sem_alloc : memref<!tpu.dma_semaphore, #tpu.memory_space<semaphore_mem>>
        %dma_start3A = arith.constant 0 : i32
        %dma_start3A_440 = tpu.memref_slice %arg8[%scan3A_438, %dma_start3A] : memref<80x128xi32, #tpu.memory_space<vmem>> -> memref<1x128xi32, #tpu.memory_space<vmem>>
        %dma_start3A_441 = tpu.memref_squeeze %dma_start3A_440 : memref<1x128xi32, #tpu.memory_space<vmem>> -> memref<128xi32, #tpu.memory_space<vmem>>
        %dma_start3A_442 = arith.constant 0 : i32
        %dma_start3A_443 = arith.constant 0 : i32
        %dma_start3A_444 = tpu.memref_slice %arg12[%dma_start3A_442, %dma_start3A_443] : memref<10240x64xf32, #tpu.memory_space<vmem_shared>> -> memref<10240x64xf32, #tpu.memory_space<vmem_shared>>
        tpu.enqueue_indirect_dma source(%arg9 : memref<128x64xf32, #tpu.memory_space<vmem>>) target(%dma_start3A_444 : memref<10240x64xf32, #tpu.memory_space<vmem_shared>>) offsets(%dma_start3A_441 : memref<128xi32, #tpu.memory_space<vmem>>) semaphore(%run_scoped3A_439 : memref<!tpu.dma_semaphore, #tpu.memory_space<semaphore_mem>>) {add = true}
        %dma_wait3A = arith.constant 0 : i32
        %dma_wait3A_445 = tpu.memref_slice %arg8[%scan3A_438, %dma_wait3A] : memref<80x128xi32, #tpu.memory_space<vmem>> -> memref<1x128xi32, #tpu.memory_space<vmem>>
        %dma_wait3A_446 = tpu.memref_squeeze %dma_wait3A_445 : memref<1x128xi32, #tpu.memory_space<vmem>> -> memref<128xi32, #tpu.memory_space<vmem>>
        %dma_wait3A_447 = arith.constant 0 : i32
        %dma_wait3A_448 = arith.constant 0 : i32
        %dma_wait3A_449 = tpu.memref_slice %arg12[%dma_wait3A_447, %dma_wait3A_448] : memref<10240x64xf32, #tpu.memory_space<vmem_shared>> -> memref<10240x64xf32, #tpu.memory_space<vmem_shared>>
        tpu.wait_indirect_dma semaphore(%run_scoped3A_439 : memref<!tpu.dma_semaphore, #tpu.memory_space<semaphore_mem>>) src(%arg9 : memref<128x64xf32, #tpu.memory_space<vmem>>) dst(%dma_wait3A_449 : memref<10240x64xf32, #tpu.memory_space<vmem_shared>>)
        tpu.yield
      }) : () -> ()
    }
    %scan3A_404 = arith.constant 80 : i32
    %barrier3A_405 = arith.constant 0 : index
    tpu.barrier barrier_id(%barrier3A_405)
    %scan3A_406 = arith.constant 0 : i32
    %scan3A_407 = arith.constant 0 : i32
    %scan3A_408 = arith.constant 5 : i32
    %scan3A_409 = arith.addi %scan3A_407, %scan3A_408 : i32
    %scan3A_410 = arith.constant 1 : i32
    scf.for %scan3A_438 = %scan3A_407 to %scan3A_409 step %scan3A_410  : i32 {
      %mul3A_439 = arith.constant 128 : i32
      %mul3A_440 = arith.muli %scan3A_438, %mul3A_439 : i32
      %add3A_441 = arith.addi %mul3A_386, %mul3A_440 : i32
      "tpu.region"() ({
        %run_scoped3A_445 = tpu.sem_alloc : memref<!tpu.dma_semaphore, #tpu.memory_space<semaphore_mem>>
        %dma_start3A = arith.constant 0 : i32
        %dma_start3A_446 = tpu.memref_slice %arg12[%add3A_441, %dma_start3A] : memref<10240x64xf32, #tpu.memory_space<vmem_shared>> -> memref<128x64xf32, #tpu.memory_space<vmem_shared>>
        %dma_start3A_447 = arith.constant 0 : i32
        %dma_start3A_448 = tpu.memref_slice %arg12[%add3A_441, %dma_start3A_447] : memref<10240x64xf32, #tpu.memory_space<vmem_shared>> -> memref<128x64xf32, #tpu.memory_space<vmem_shared>>
        tpu.enqueue_dma source(%dma_start3A_448 : memref<128x64xf32, #tpu.memory_space<vmem_shared>>) target(%arg9 : memref<128x64xf32, #tpu.memory_space<vmem>>) target_semaphore(%run_scoped3A_445 : memref<!tpu.dma_semaphore, #tpu.memory_space<semaphore_mem>>)
        %dma_wait3A = arith.constant 0 : i32
        %dma_wait3A_449 = tpu.memref_slice %arg12[%add3A_441, %dma_wait3A] : memref<10240x64xf32, #tpu.memory_space<vmem_shared>> -> memref<128x64xf32, #tpu.memory_space<vmem_shared>>
        %dma_wait3A_450 = arith.constant 0 : i32
        %dma_wait3A_451 = tpu.memref_slice %arg12[%add3A_441, %dma_wait3A_450] : memref<10240x64xf32, #tpu.memory_space<vmem_shared>> -> memref<128x64xf32, #tpu.memory_space<vmem_shared>>
        tpu.wait_dma2 semaphore(%run_scoped3A_445 : memref<!tpu.dma_semaphore, #tpu.memory_space<semaphore_mem>>) src(%dma_wait3A_451 : memref<128x64xf32, #tpu.memory_space<vmem_shared>>) dst(%arg9 : memref<128x64xf32, #tpu.memory_space<vmem>>)
        tpu.yield
      }) : () -> ()
      %mul3A_442 = arith.constant 128 : i32
      %mul3A_443 = arith.muli %scan3A_438, %mul3A_442 : i32
      %add3A_444 = arith.addi %mul3A_386, %mul3A_443 : i32
      "tpu.region"() ({
        %run_scoped3A_445 = tpu.sem_alloc : memref<!tpu.dma_semaphore, #tpu.memory_space<semaphore_mem>>
        %dma_start3A = arith.constant 0 : i32
        %dma_start3A_446 = tpu.memref_slice %arg5[%arg0, %add3A_444, %dma_start3A] : memref<2x10240x64xf32, #tpu.memory_space<hbm>> -> memref<1x128x64xf32, #tpu.memory_space<hbm>>
        %dma_start3A_447 = tpu.memref_squeeze %dma_start3A_446 : memref<1x128x64xf32, #tpu.memory_space<hbm>> -> memref<128x64xf32, #tpu.memory_space<hbm>>
        %dma_start3A_448 = arith.constant 0 : i32
        %dma_start3A_449 = tpu.memref_slice %arg5[%arg0, %add3A_444, %dma_start3A_448] : memref<2x10240x64xf32, #tpu.memory_space<hbm>> -> memref<1x128x64xf32, #tpu.memory_space<hbm>>
        %dma_start3A_450 = tpu.memref_squeeze %dma_start3A_449 : memref<1x128x64xf32, #tpu.memory_space<hbm>> -> memref<128x64xf32, #tpu.memory_space<hbm>>
        tpu.enqueue_dma source(%arg9 : memref<128x64xf32, #tpu.memory_space<vmem>>) target(%dma_start3A_450 : memref<128x64xf32, #tpu.memory_space<hbm>>) target_semaphore(%run_scoped3A_445 : memref<!tpu.dma_semaphore, #tpu.memory_space<semaphore_mem>>)
        %dma_wait3A = arith.constant 0 : i32
        %dma_wait3A_451 = tpu.memref_slice %arg5[%arg0, %add3A_444, %dma_wait3A] : memref<2x10240x64xf32, #tpu.memory_space<hbm>> -> memref<1x128x64xf32, #tpu.memory_space<hbm>>
        %dma_wait3A_452 = tpu.memref_squeeze %dma_wait3A_451 : memref<1x128x64xf32, #tpu.memory_space<hbm>> -> memref<128x64xf32, #tpu.memory_space<hbm>>
        %dma_wait3A_453 = arith.constant 0 : i32
        %dma_wait3A_454 = tpu.memref_slice %arg5[%arg0, %add3A_444, %dma_wait3A_453] : memref<2x10240x64xf32, #tpu.memory_space<hbm>> -> memref<1x128x64xf32, #tpu.memory_space<hbm>>
        %dma_wait3A_455 = tpu.memref_squeeze %dma_wait3A_454 : memref<1x128x64xf32, #tpu.memory_space<hbm>> -> memref<128x64xf32, #tpu.memory_space<hbm>>
        tpu.wait_dma2 semaphore(%run_scoped3A_445 : memref<!tpu.dma_semaphore, #tpu.memory_space<semaphore_mem>>) src(%arg9 : memref<128x64xf32, #tpu.memory_space<vmem>>) dst(%dma_wait3A_455 : memref<128x64xf32, #tpu.memory_space<hbm>>)
        tpu.yield
      }) : () -> ()
    }
    %scan3A_411 = arith.constant 5 : i32
    %scan3A_412 = arith.constant 0 : i32
    %scan3A_413 = arith.constant 0 : i32
    %scan3A_414 = arith.constant 40 : i32
    %scan3A_415 = arith.addi %scan3A_413, %scan3A_414 : i32
    %scan3A_416 = arith.constant 1 : i32
    scf.for %scan3A_438 = %scan3A_413 to %scan3A_415 step %scan3A_416  : i32 {
      %mul3A_439 = arith.constant 16 : i32
      %mul3A_440 = arith.muli %scan3A_438, %mul3A_439 : i32
      %add3A_441 = arith.addi %mul3A_386, %mul3A_440 : i32
      "tpu.region"() ({
        %run_scoped3A_442 = tpu.sem_alloc : memref<!tpu.dma_semaphore, #tpu.memory_space<semaphore_mem>>
        %dma_start3A = arith.constant 0 : i32
        %dma_start3A_443 = tpu.memref_slice %arg12[%add3A_441, %dma_start3A] : memref<10240x64xf32, #tpu.memory_space<vmem_shared>> -> memref<16x64xf32, #tpu.memory_space<vmem_shared>>
        %dma_start3A_444 = arith.constant 0 : i32
        %dma_start3A_445 = tpu.memref_slice %arg12[%add3A_441, %dma_start3A_444] : memref<10240x64xf32, #tpu.memory_space<vmem_shared>> -> memref<16x64xf32, #tpu.memory_space<vmem_shared>>
        tpu.enqueue_dma source(%arg10 : memref<16x64xf32, #tpu.memory_space<vmem>>) target(%dma_start3A_445 : memref<16x64xf32, #tpu.memory_space<vmem_shared>>) target_semaphore(%run_scoped3A_442 : memref<!tpu.dma_semaphore, #tpu.memory_space<semaphore_mem>>)
        %dma_wait3A = arith.constant 0 : i32
        %dma_wait3A_446 = tpu.memref_slice %arg12[%add3A_441, %dma_wait3A] : memref<10240x64xf32, #tpu.memory_space<vmem_shared>> -> memref<16x64xf32, #tpu.memory_space<vmem_shared>>
        %dma_wait3A_447 = arith.constant 0 : i32
        %dma_wait3A_448 = tpu.memref_slice %arg12[%add3A_441, %dma_wait3A_447] : memref<10240x64xf32, #tpu.memory_space<vmem_shared>> -> memref<16x64xf32, #tpu.memory_space<vmem_shared>>
        tpu.wait_dma2 semaphore(%run_scoped3A_442 : memref<!tpu.dma_semaphore, #tpu.memory_space<semaphore_mem>>) src(%arg10 : memref<16x64xf32, #tpu.memory_space<vmem>>) dst(%dma_wait3A_448 : memref<16x64xf32, #tpu.memory_space<vmem_shared>>)
        tpu.yield
      }) : () -> ()
    }
    %scan3A_417 = arith.constant 40 : i32
    %scan3A_418 = arith.constant 0 : i32
    %scan3A_419 = arith.constant 0 : i32
    %scan3A_420 = arith.constant 5 : i32
    %scan3A_421 = arith.addi %scan3A_419, %scan3A_420 : i32
    %scan3A_422 = arith.constant 1 : i32
    scf.for %scan3A_438 = %scan3A_419 to %scan3A_421 step %scan3A_422  : i32 {
      %mul3A_439 = arith.constant 128 : i32
      %mul3A_440 = arith.muli %scan3A_438, %mul3A_439 : i32
      %add3A_441 = arith.addi %mul3A_386, %mul3A_440 : i32
      "tpu.region"() ({
        %run_scoped3A_445 = tpu.sem_alloc : memref<!tpu.dma_semaphore, #tpu.memory_space<semaphore_mem>>
        %dma_start3A = arith.constant 0 : i32
        %dma_start3A_446 = tpu.memref_slice %arg3[%add3A_441, %dma_start3A] : memref<10240x64xf32, #tpu.memory_space<hbm>> -> memref<128x64xf32, #tpu.memory_space<hbm>>
        %dma_start3A_447 = arith.constant 0 : i32
        %dma_start3A_448 = tpu.memref_slice %arg3[%add3A_441, %dma_start3A_447] : memref<10240x64xf32, #tpu.memory_space<hbm>> -> memref<128x64xf32, #tpu.memory_space<hbm>>
        tpu.enqueue_dma source(%dma_start3A_448 : memref<128x64xf32, #tpu.memory_space<hbm>>) target(%arg9 : memref<128x64xf32, #tpu.memory_space<vmem>>) target_semaphore(%run_scoped3A_445 : memref<!tpu.dma_semaphore, #tpu.memory_space<semaphore_mem>>)
        %dma_wait3A = arith.constant 0 : i32
        %dma_wait3A_449 = tpu.memref_slice %arg3[%add3A_441, %dma_wait3A] : memref<10240x64xf32, #tpu.memory_space<hbm>> -> memref<128x64xf32, #tpu.memory_space<hbm>>
        %dma_wait3A_450 = arith.constant 0 : i32
        %dma_wait3A_451 = tpu.memref_slice %arg3[%add3A_441, %dma_wait3A_450] : memref<10240x64xf32, #tpu.memory_space<hbm>> -> memref<128x64xf32, #tpu.memory_space<hbm>>
        tpu.wait_dma2 semaphore(%run_scoped3A_445 : memref<!tpu.dma_semaphore, #tpu.memory_space<semaphore_mem>>) src(%dma_wait3A_451 : memref<128x64xf32, #tpu.memory_space<hbm>>) dst(%arg9 : memref<128x64xf32, #tpu.memory_space<vmem>>)
        tpu.yield
      }) : () -> ()
      %mul3A_442 = arith.constant 128 : i32
      %mul3A_443 = arith.muli %scan3A_438, %mul3A_442 : i32
      %add3A_444 = arith.addi %mul3A_386, %mul3A_443 : i32
      "tpu.region"() ({
        %run_scoped3A_445 = tpu.sem_alloc : memref<!tpu.dma_semaphore, #tpu.memory_space<semaphore_mem>>
        %dma_start3A = arith.constant 0 : i32
        %dma_start3A_446 = tpu.memref_slice %arg11[%add3A_444, %dma_start3A] : memref<10240x64xf32, #tpu.memory_space<vmem_shared>> -> memref<128x64xf32, #tpu.memory_space<vmem_shared>>
        %dma_start3A_447 = arith.constant 0 : i32
        %dma_start3A_448 = tpu.memref_slice %arg11[%add3A_444, %dma_start3A_447] : memref<10240x64xf32, #tpu.memory_space<vmem_shared>> -> memref<128x64xf32, #tpu.memory_space<vmem_shared>>
        tpu.enqueue_dma source(%arg9 : memref<128x64xf32, #tpu.memory_space<vmem>>) target(%dma_start3A_448 : memref<128x64xf32, #tpu.memory_space<vmem_shared>>) target_semaphore(%run_scoped3A_445 : memref<!tpu.dma_semaphore, #tpu.memory_space<semaphore_mem>>)
        %dma_wait3A = arith.constant 0 : i32
        %dma_wait3A_449 = tpu.memref_slice %arg11[%add3A_444, %dma_wait3A] : memref<10240x64xf32, #tpu.memory_space<vmem_shared>> -> memref<128x64xf32, #tpu.memory_space<vmem_shared>>
        %dma_wait3A_450 = arith.constant 0 : i32
        %dma_wait3A_451 = tpu.memref_slice %arg11[%add3A_444, %dma_wait3A_450] : memref<10240x64xf32, #tpu.memory_space<vmem_shared>> -> memref<128x64xf32, #tpu.memory_space<vmem_shared>>
        tpu.wait_dma2 semaphore(%run_scoped3A_445 : memref<!tpu.dma_semaphore, #tpu.memory_space<semaphore_mem>>) src(%arg9 : memref<128x64xf32, #tpu.memory_space<vmem>>) dst(%dma_wait3A_451 : memref<128x64xf32, #tpu.memory_space<vmem_shared>>)
        tpu.yield
      }) : () -> ()
    }
    %scan3A_423 = arith.constant 5 : i32
    %barrier3A_424 = arith.constant 0 : index
    tpu.barrier barrier_id(%barrier3A_424)
    %scan3A_425 = arith.constant 0 : i32
    %scan3A_426 = arith.constant 0 : i32
    %scan3A_427 = arith.constant 80 : i32
    %scan3A_428 = arith.addi %scan3A_426, %scan3A_427 : i32
    %scan3A_429 = arith.constant 1 : i32
    scf.for %scan3A_438 = %scan3A_426 to %scan3A_428 step %scan3A_429  : i32 {
      "tpu.region"() ({
        %run_scoped3A_439 = tpu.sem_alloc : memref<!tpu.dma_semaphore, #tpu.memory_space<semaphore_mem>>
        %dma_start3A = arith.constant 0 : i32
        %dma_start3A_440 = tpu.memref_slice %arg7[%scan3A_438, %dma_start3A] : memref<80x128xi32, #tpu.memory_space<vmem>> -> memref<1x128xi32, #tpu.memory_space<vmem>>
        %dma_start3A_441 = tpu.memref_squeeze %dma_start3A_440 : memref<1x128xi32, #tpu.memory_space<vmem>> -> memref<128xi32, #tpu.memory_space<vmem>>
        %dma_start3A_442 = arith.constant 0 : i32
        %dma_start3A_443 = arith.constant 0 : i32
        %dma_start3A_444 = tpu.memref_slice %arg11[%dma_start3A_442, %dma_start3A_443] : memref<10240x64xf32, #tpu.memory_space<vmem_shared>> -> memref<10240x64xf32, #tpu.memory_space<vmem_shared>>
        tpu.enqueue_indirect_dma source(%dma_start3A_444 : memref<10240x64xf32, #tpu.memory_space<vmem_shared>>) target(%arg9 : memref<128x64xf32, #tpu.memory_space<vmem>>) offsets(%dma_start3A_441 : memref<128xi32, #tpu.memory_space<vmem>>) semaphore(%run_scoped3A_439 : memref<!tpu.dma_semaphore, #tpu.memory_space<semaphore_mem>>)
        %dma_wait3A = arith.constant 0 : i32
        %dma_wait3A_445 = tpu.memref_slice %arg7[%scan3A_438, %dma_wait3A] : memref<80x128xi32, #tpu.memory_space<vmem>> -> memref<1x128xi32, #tpu.memory_space<vmem>>
        %dma_wait3A_446 = tpu.memref_squeeze %dma_wait3A_445 : memref<1x128xi32, #tpu.memory_space<vmem>> -> memref<128xi32, #tpu.memory_space<vmem>>
        %dma_wait3A_447 = arith.constant 0 : i32
        %dma_wait3A_448 = arith.constant 0 : i32
        %dma_wait3A_449 = tpu.memref_slice %arg11[%dma_wait3A_447, %dma_wait3A_448] : memref<10240x64xf32, #tpu.memory_space<vmem_shared>> -> memref<10240x64xf32, #tpu.memory_space<vmem_shared>>
        tpu.wait_indirect_dma semaphore(%run_scoped3A_439 : memref<!tpu.dma_semaphore, #tpu.memory_space<semaphore_mem>>) src(%dma_wait3A_449 : memref<10240x64xf32, #tpu.memory_space<vmem_shared>>) dst(%arg9 : memref<128x64xf32, #tpu.memory_space<vmem>>)
        tpu.yield
      }) : () -> ()
      "tpu.region"() ({
        %run_scoped3A_439 = tpu.sem_alloc : memref<!tpu.dma_semaphore, #tpu.memory_space<semaphore_mem>>
        %dma_start3A = arith.constant 0 : i32
        %dma_start3A_440 = tpu.memref_slice %arg8[%scan3A_438, %dma_start3A] : memref<80x128xi32, #tpu.memory_space<vmem>> -> memref<1x128xi32, #tpu.memory_space<vmem>>
        %dma_start3A_441 = tpu.memref_squeeze %dma_start3A_440 : memref<1x128xi32, #tpu.memory_space<vmem>> -> memref<128xi32, #tpu.memory_space<vmem>>
        %dma_start3A_442 = arith.constant 0 : i32
        %dma_start3A_443 = arith.constant 0 : i32
        %dma_start3A_444 = tpu.memref_slice %arg12[%dma_start3A_442, %dma_start3A_443] : memref<10240x64xf32, #tpu.memory_space<vmem_shared>> -> memref<10240x64xf32, #tpu.memory_space<vmem_shared>>
        tpu.enqueue_indirect_dma source(%arg9 : memref<128x64xf32, #tpu.memory_space<vmem>>) target(%dma_start3A_444 : memref<10240x64xf32, #tpu.memory_space<vmem_shared>>) offsets(%dma_start3A_441 : memref<128xi32, #tpu.memory_space<vmem>>) semaphore(%run_scoped3A_439 : memref<!tpu.dma_semaphore, #tpu.memory_space<semaphore_mem>>) {add = true}
        %dma_wait3A = arith.constant 0 : i32
        %dma_wait3A_445 = tpu.memref_slice %arg8[%scan3A_438, %dma_wait3A] : memref<80x128xi32, #tpu.memory_space<vmem>> -> memref<1x128xi32, #tpu.memory_space<vmem>>
        %dma_wait3A_446 = tpu.memref_squeeze %dma_wait3A_445 : memref<1x128xi32, #tpu.memory_space<vmem>> -> memref<128xi32, #tpu.memory_space<vmem>>
        %dma_wait3A_447 = arith.constant 0 : i32
        %dma_wait3A_448 = arith.constant 0 : i32
        %dma_wait3A_449 = tpu.memref_slice %arg12[%dma_wait3A_447, %dma_wait3A_448] : memref<10240x64xf32, #tpu.memory_space<vmem_shared>> -> memref<10240x64xf32, #tpu.memory_space<vmem_shared>>
        tpu.wait_indirect_dma semaphore(%run_scoped3A_439 : memref<!tpu.dma_semaphore, #tpu.memory_space<semaphore_mem>>) src(%arg9 : memref<128x64xf32, #tpu.memory_space<vmem>>) dst(%dma_wait3A_449 : memref<10240x64xf32, #tpu.memory_space<vmem_shared>>)
        tpu.yield
      }) : () -> ()
    }
    %scan3A_430 = arith.constant 80 : i32
    %barrier3A_431 = arith.constant 0 : index
    tpu.barrier barrier_id(%barrier3A_431)
    %scan3A_432 = arith.constant 0 : i32
    %scan3A_433 = arith.constant 0 : i32
    %scan3A_434 = arith.constant 5 : i32
    %scan3A_435 = arith.addi %scan3A_433, %scan3A_434 : i32
    %scan3A_436 = arith.constant 1 : i32
    scf.for %scan3A_438 = %scan3A_433 to %scan3A_435 step %scan3A_436  : i32 {
      %mul3A_439 = arith.constant 128 : i32
      %mul3A_440 = arith.muli %scan3A_438, %mul3A_439 : i32
      %add3A_441 = arith.addi %mul3A_386, %mul3A_440 : i32
      "tpu.region"() ({
        %run_scoped3A_445 = tpu.sem_alloc : memref<!tpu.dma_semaphore, #tpu.memory_space<semaphore_mem>>
        %dma_start3A = arith.constant 0 : i32
        %dma_start3A_446 = tpu.memref_slice %arg12[%add3A_441, %dma_start3A] : memref<10240x64xf32, #tpu.memory_space<vmem_shared>> -> memref<128x64xf32, #tpu.memory_space<vmem_shared>>
        %dma_start3A_447 = arith.constant 0 : i32
        %dma_start3A_448 = tpu.memref_slice %arg12[%add3A_441, %dma_start3A_447] : memref<10240x64xf32, #tpu.memory_space<vmem_shared>> -> memref<128x64xf32, #tpu.memory_space<vmem_shared>>
        tpu.enqueue_dma source(%dma_start3A_448 : memref<128x64xf32, #tpu.memory_space<vmem_shared>>) target(%arg9 : memref<128x64xf32, #tpu.memory_space<vmem>>) target_semaphore(%run_scoped3A_445 : memref<!tpu.dma_semaphore, #tpu.memory_space<semaphore_mem>>)
        %dma_wait3A = arith.constant 0 : i32
        %dma_wait3A_449 = tpu.memref_slice %arg12[%add3A_441, %dma_wait3A] : memref<10240x64xf32, #tpu.memory_space<vmem_shared>> -> memref<128x64xf32, #tpu.memory_space<vmem_shared>>
        %dma_wait3A_450 = arith.constant 0 : i32
        %dma_wait3A_451 = tpu.memref_slice %arg12[%add3A_441, %dma_wait3A_450] : memref<10240x64xf32, #tpu.memory_space<vmem_shared>> -> memref<128x64xf32, #tpu.memory_space<vmem_shared>>
        tpu.wait_dma2 semaphore(%run_scoped3A_445 : memref<!tpu.dma_semaphore, #tpu.memory_space<semaphore_mem>>) src(%dma_wait3A_451 : memref<128x64xf32, #tpu.memory_space<vmem_shared>>) dst(%arg9 : memref<128x64xf32, #tpu.memory_space<vmem>>)
        tpu.yield
      }) : () -> ()
      %mul3A_442 = arith.constant 128 : i32
      %mul3A_443 = arith.muli %scan3A_438, %mul3A_442 : i32
      %add3A_444 = arith.addi %mul3A_386, %mul3A_443 : i32
      "tpu.region"() ({
        %run_scoped3A_445 = tpu.sem_alloc : memref<!tpu.dma_semaphore, #tpu.memory_space<semaphore_mem>>
        %dma_start3A = arith.constant 0 : i32
        %dma_start3A_446 = tpu.memref_slice %arg6[%arg0, %add3A_444, %dma_start3A] : memref<2x10240x64xf32, #tpu.memory_space<hbm>> -> memref<1x128x64xf32, #tpu.memory_space<hbm>>
        %dma_start3A_447 = tpu.memref_squeeze %dma_start3A_446 : memref<1x128x64xf32, #tpu.memory_space<hbm>> -> memref<128x64xf32, #tpu.memory_space<hbm>>
        %dma_start3A_448 = arith.constant 0 : i32
        %dma_start3A_449 = tpu.memref_slice %arg6[%arg0, %add3A_444, %dma_start3A_448] : memref<2x10240x64xf32, #tpu.memory_space<hbm>> -> memref<1x128x64xf32, #tpu.memory_space<hbm>>
        %dma_start3A_450 = tpu.memref_squeeze %dma_start3A_449 : memref<1x128x64xf32, #tpu.memory_space<hbm>> -> memref<128x64xf32, #tpu.memory_space<hbm>>
        tpu.enqueue_dma source(%arg9 : memref<128x64xf32, #tpu.memory_space<vmem>>) target(%dma_start3A_450 : memref<128x64xf32, #tpu.memory_space<hbm>>) target_semaphore(%run_scoped3A_445 : memref<!tpu.dma_semaphore, #tpu.memory_space<semaphore_mem>>)
        %dma_wait3A = arith.constant 0 : i32
        %dma_wait3A_451 = tpu.memref_slice %arg6[%arg0, %add3A_444, %dma_wait3A] : memref<2x10240x64xf32, #tpu.memory_space<hbm>> -> memref<1x128x64xf32, #tpu.memory_space<hbm>>
        %dma_wait3A_452 = tpu.memref_squeeze %dma_wait3A_451 : memref<1x128x64xf32, #tpu.memory_space<hbm>> -> memref<128x64xf32, #tpu.memory_space<hbm>>
        %dma_wait3A_453 = arith.constant 0 : i32
        %dma_wait3A_454 = tpu.memref_slice %arg6[%arg0, %add3A_444, %dma_wait3A_453] : memref<2x10240x64xf32, #tpu.memory_space<hbm>> -> memref<1x128x64xf32, #tpu.memory_space<hbm>>
        %dma_wait3A_455 = tpu.memref_squeeze %dma_wait3A_454 : memref<1x128x64xf32, #tpu.memory_space<hbm>> -> memref<128x64xf32, #tpu.memory_space<hbm>>
        tpu.wait_dma2 semaphore(%run_scoped3A_445 : memref<!tpu.dma_semaphore, #tpu.memory_space<semaphore_mem>>) src(%arg9 : memref<128x64xf32, #tpu.memory_space<vmem>>) dst(%dma_wait3A_455 : memref<128x64xf32, #tpu.memory_space<hbm>>)
        tpu.yield
      }) : () -> ()
    }
    %scan3A_437 = arith.constant 5 : i32
    return
  }
}

module attributes {stable_mosaic.version = 14 : i64} {
  func.func @body(%arg0: memref<2x2x10240xf32, #tpu.memory_space<vmem>>, %arg1: memref<2x10240xf32, #tpu.memory_space<vmem>>) attributes {dimension_semantics = [], scalar_prefetch = 0 : i64, scratch_operands = 0 : i64, tpu.core_type = #tpu.core_type<tc>} {
    %get3A = arith.constant 0 : index
    %get3A_0 = arith.constant 0 : index
    %get3A_1 = arith.constant 0 : index
    %get3A_2 = vector.load %arg0[%get3A, %get3A_0, %get3A_1] : memref<2x2x10240xf32, #tpu.memory_space<vmem>>, vector<1x2x10240xf32>
    %get3A_3 = vector.shape_cast %get3A_2 : vector<1x2x10240xf32> to vector<2x10240xf32>
    %get3A_4 = arith.constant 1 : index
    %get3A_5 = arith.constant 0 : index
    %get3A_6 = arith.constant 0 : index
    %get3A_7 = vector.load %arg0[%get3A_4, %get3A_5, %get3A_6] : memref<2x2x10240xf32, #tpu.memory_space<vmem>>, vector<1x2x10240xf32>
    %get3A_8 = vector.shape_cast %get3A_7 : vector<1x2x10240xf32> to vector<2x10240xf32>
    %add3A = arith.addf %get3A_3, %get3A_8 : vector<2x10240xf32>
    %max3A = arith.constant 1.000000e+00 : f32
    %max3A_9 = vector.broadcast %max3A : f32 to vector<2x10240xf32>
    %max3A_10 = arith.maximumf %add3A, %max3A_9 : vector<2x10240xf32>
    %rsqrt3A = math.rsqrt %max3A_10 : vector<2x10240xf32>
    %swap3A = arith.constant 0 : index
    %swap3A_11 = arith.constant 0 : index
    %swap3A_12 = vector.load %arg1[%swap3A, %swap3A_11] : memref<2x10240xf32, #tpu.memory_space<vmem>>, vector<2x10240xf32>
    tpu.vector_store %arg1[%swap3A, %swap3A_11], %rsqrt3A {strides = array<i32>} : memref<2x10240xf32, #tpu.memory_space<vmem>>, vector<2x10240xf32>,
    return
  }
}

module attributes {stable_mosaic.version = 14 : i64} {
  func.func @body(%arg0: i32, %arg1: memref<1024x128xf32, #tpu.memory_space<vmem>>, %arg2: memref<128x128xf32, #tpu.memory_space<vmem>>, %arg3: memref<1024x1xf32, #tpu.memory_space<vmem>>, %arg4: memref<1024x64xf32, #tpu.memory_space<vmem>>, %arg5: memref<1024x64xf32, #tpu.memory_space<vmem>>) attributes {dimension_semantics = [#tpu.dimension_semantics<arbitrary>], iteration_bounds = array<i64: 10>, scalar_prefetch = 0 : i64, scratch_operands = 0 : i64, tpu.core_type = #tpu.core_type<tc>, window_params = [{transform_indices = @transform_0, window_bounds = array<i64: 1024, 128>}, {pipeline_mode = #tpu.pipeline_mode<synchronous>, transform_indices = @transform_1, window_bounds = array<i64: 128, 128>}, {transform_indices = @transform_2, window_bounds = array<i64: 1024, 1>}, {transform_indices = @transform_3, window_bounds = array<i64: 1024, 64>}, {transform_indices = @transform_4, window_bounds = array<i64: 1024, 64>}]} {
    %get3A = arith.constant 0 : index
    %get3A_0 = arith.constant 0 : index
    %get3A_1 = vector.load %arg1[%get3A, %get3A_0] : memref<1024x128xf32, #tpu.memory_space<vmem>>, vector<1024x128xf32>
    %get3A_2 = arith.constant 0 : index
    %get3A_3 = arith.constant 0 : index
    %get3A_4 = vector.load %arg2[%get3A_2, %get3A_3] : memref<128x128xf32, #tpu.memory_space<vmem>>, vector<128x128xf32>
    %dot_general3A = arith.constant dense<0.000000e+00> : vector<1024x128xf32>
    %dot_general3A_5 = tpu.matmul %get3A_1, %get3A_4, %dot_general3A {dimension_numbers = #tpu.dot_dimension_numbers<[1], [0], [0], [1], [0, 0, 1, 1], [], []>, transpose_lhs_hint = false} : vector<1024x128xf32>, vector<128x128xf32>, vector<1024x128xf32> -> vector<1024x128xf32>
    %get3A_6 = arith.constant 0 : index
    %get3A_7 = arith.constant 0 : index
    %get3A_8 = vector.load %arg3[%get3A_6, %get3A_7] : memref<1024x1xf32, #tpu.memory_space<vmem>>, vector<1024x1xf32>
    %mul3A = vector.broadcast %get3A_8 : vector<1024x1xf32> to vector<1024x128xf32>
    %mul3A_9 = arith.mulf %dot_general3A_5, %mul3A : vector<1024x128xf32>
    %slice3A = vector.extract_strided_slice %mul3A_9 {offsets = [0, 0], sizes = [1024, 64], strides = [1, 1]} : vector<1024x128xf32> to vector<1024x64xf32>
    %swap3A = arith.constant 0 : index
    %swap3A_10 = arith.constant 0 : index
    %swap3A_11 = vector.load %arg4[%swap3A, %swap3A_10] : memref<1024x64xf32, #tpu.memory_space<vmem>>, vector<1024x64xf32>
    tpu.vector_store %arg4[%swap3A, %swap3A_10], %slice3A {strides = array<i32>} : memref<1024x64xf32, #tpu.memory_space<vmem>>, vector<1024x64xf32>,
    %slice3A_12 = vector.extract_strided_slice %mul3A_9 {offsets = [0, 64], sizes = [1024, 64], strides = [1, 1]} : vector<1024x128xf32> to vector<1024x64xf32>
    %swap3A_13 = arith.constant 0 : index
    %swap3A_14 = arith.constant 0 : index
    %swap3A_15 = vector.load %arg5[%swap3A_13, %swap3A_14] : memref<1024x64xf32, #tpu.memory_space<vmem>>, vector<1024x64xf32>
    tpu.vector_store %arg5[%swap3A_13, %swap3A_14], %slice3A_12 {strides = array<i32>} : memref<1024x64xf32, #tpu.memory_space<vmem>>, vector<1024x64xf32>,
    return
  }
  func.func @transform_0(%arg0: i32) -> (i32, i32) {
    %c0_i32 = arith.constant 0 : i32
    %c0_i32_0 = arith.constant 0 : i32
    return %arg0, %c0_i32 : i32, i32
  }
  func.func @transform_1(%arg0: i32) -> (i32, i32) {
    %c0_i32 = arith.constant 0 : i32
    %c0_i32_0 = arith.constant 0 : i32
    %c0_i32_1 = arith.constant 0 : i32
    return %c0_i32, %c0_i32_0 : i32, i32
  }
  func.func @transform_2(%arg0: i32) -> (i32, i32) {
    %c0_i32 = arith.constant 0 : i32
    %c0_i32_0 = arith.constant 0 : i32
    return %arg0, %c0_i32 : i32, i32
  }
  func.func @transform_3(%arg0: i32) -> (i32, i32) {
    %c0_i32 = arith.constant 0 : i32
    %c0_i32_0 = arith.constant 0 : i32
    return %arg0, %c0_i32 : i32, i32
  }
  func.func @transform_4(%arg0: i32) -> (i32, i32) {
    %c0_i32 = arith.constant 0 : i32
    %c0_i32_0 = arith.constant 0 : i32
    return %arg0, %c0_i32 : i32, i32
  }
}

module attributes {stable_mosaic.version = 14 : i64} {
  func.func @body(%arg0: i32, %arg1: memref<2x1024x64xf32, #tpu.memory_space<vmem>>, %arg2: memref<2x1024x64xf32, #tpu.memory_space<vmem>>, %arg3: memref<1024x1xf32, #tpu.memory_space<vmem>>, %arg4: memref<1024x1xf32, #tpu.memory_space<vmem>>, %arg5: memref<1x128xf32, #tpu.memory_space<vmem>>, %arg6: memref<128x64xf32, #tpu.memory_space<vmem>>, %arg7: memref<8x128xf32, #tpu.memory_space<vmem>>, %arg8: memref<1024x64xf32, #tpu.memory_space<vmem>>) attributes {dimension_semantics = [#tpu.dimension_semantics<arbitrary>], iteration_bounds = array<i64: 10>, scalar_prefetch = 0 : i64, scratch_operands = 0 : i64, tpu.core_type = #tpu.core_type<tc>, window_params = [{transform_indices = @transform_0, window_bounds = array<i64: 2, 1024, 64>}, {transform_indices = @transform_1, window_bounds = array<i64: 2, 1024, 64>}, {transform_indices = @transform_2, window_bounds = array<i64: 1024, 1>}, {transform_indices = @transform_3, window_bounds = array<i64: 1024, 1>}, {pipeline_mode = #tpu.pipeline_mode<synchronous>, transform_indices = @transform_4, window_bounds = array<i64: 1, 128>}, {pipeline_mode = #tpu.pipeline_mode<synchronous>, transform_indices = @transform_5, window_bounds = array<i64: 128, 64>}, {transform_indices = @transform_6, window_bounds = array<i64: 8, 128>}, {transform_indices = @transform_7, window_bounds = array<i64: 1024, 64>}]} {
    %get3A = arith.constant 0 : index
    %get3A_0 = arith.constant 0 : index
    %get3A_1 = vector.load %arg3[%get3A, %get3A_0] : memref<1024x1xf32, #tpu.memory_space<vmem>>, vector<1024x1xf32>
    %get3A_2 = arith.constant 0 : index
    %get3A_3 = arith.constant 0 : index
    %get3A_4 = arith.constant 0 : index
    %get3A_5 = vector.load %arg1[%get3A_2, %get3A_3, %get3A_4] : memref<2x1024x64xf32, #tpu.memory_space<vmem>>, vector<1x1024x64xf32>
    %get3A_6 = vector.shape_cast %get3A_5 : vector<1x1024x64xf32> to vector<1024x64xf32>
    %get3A_7 = arith.constant 1 : index
    %get3A_8 = arith.constant 0 : index
    %get3A_9 = arith.constant 0 : index
    %get3A_10 = vector.load %arg1[%get3A_7, %get3A_8, %get3A_9] : memref<2x1024x64xf32, #tpu.memory_space<vmem>>, vector<1x1024x64xf32>
    %get3A_11 = vector.shape_cast %get3A_10 : vector<1x1024x64xf32> to vector<1024x64xf32>
    %add3A = arith.addf %get3A_6, %get3A_11 : vector<1024x64xf32>
    %mul3A = vector.broadcast %get3A_1 : vector<1024x1xf32> to vector<1024x64xf32>
    %mul3A_12 = arith.mulf %add3A, %mul3A : vector<1024x64xf32>
    %get3A_13 = arith.constant 0 : index
    %get3A_14 = arith.constant 0 : index
    %get3A_15 = vector.load %arg5[%get3A_13, %get3A_14] : memref<1x128xf32, #tpu.memory_space<vmem>>, vector<1x64xf32>
    %add3A_16 = vector.broadcast %get3A_15 : vector<1x64xf32> to vector<1024x64xf32>
    %add3A_17 = arith.addf %mul3A_12, %add3A_16 : vector<1024x64xf32>
    %max3A = arith.constant 0.000000e+00 : f32
    %max3A_18 = vector.broadcast %max3A : f32 to vector<1024x64xf32>
    %max3A_19 = arith.maximumf %add3A_17, %max3A_18 : vector<1024x64xf32>
    %get3A_20 = arith.constant 0 : index
    %get3A_21 = arith.constant 0 : index
    %get3A_22 = arith.constant 0 : index
    %get3A_23 = vector.load %arg2[%get3A_20, %get3A_21, %get3A_22] : memref<2x1024x64xf32, #tpu.memory_space<vmem>>, vector<1x1024x64xf32>
    %get3A_24 = vector.shape_cast %get3A_23 : vector<1x1024x64xf32> to vector<1024x64xf32>
    %get3A_25 = arith.constant 1 : index
    %get3A_26 = arith.constant 0 : index
    %get3A_27 = arith.constant 0 : index
    %get3A_28 = vector.load %arg2[%get3A_25, %get3A_26, %get3A_27] : memref<2x1024x64xf32, #tpu.memory_space<vmem>>, vector<1x1024x64xf32>
    %get3A_29 = vector.shape_cast %get3A_28 : vector<1x1024x64xf32> to vector<1024x64xf32>
    %add3A_30 = arith.addf %get3A_24, %get3A_29 : vector<1024x64xf32>
    %mul3A_31 = vector.broadcast %get3A_1 : vector<1024x1xf32> to vector<1024x64xf32>
    %mul3A_32 = arith.mulf %add3A_30, %mul3A_31 : vector<1024x64xf32>
    %get3A_33 = arith.constant 0 : index
    %get3A_34 = arith.constant 64 : index
    %get3A_35 = vector.load %arg5[%get3A_33, %get3A_34] : memref<1x128xf32, #tpu.memory_space<vmem>>, vector<1x64xf32>
    %add3A_36 = vector.broadcast %get3A_35 : vector<1x64xf32> to vector<1024x64xf32>
    %add3A_37 = arith.addf %mul3A_32, %add3A_36 : vector<1024x64xf32>
    %max3A_38 = arith.constant 0.000000e+00 : f32
    %max3A_39 = vector.broadcast %max3A_38 : f32 to vector<1024x64xf32>
    %max3A_40 = arith.maximumf %add3A_37, %max3A_39 : vector<1024x64xf32>
    %get3A_41 = arith.constant 0 : index
    %get3A_42 = arith.constant 0 : index
    %get3A_43 = vector.load %arg6[%get3A_41, %get3A_42] : memref<128x64xf32, #tpu.memory_space<vmem>>, vector<64x64xf32>
    %dot_general3A = arith.constant dense<0.000000e+00> : vector<1024x64xf32>
    %dot_general3A_44 = tpu.matmul %max3A_19, %get3A_43, %dot_general3A {dimension_numbers = #tpu.dot_dimension_numbers<[1], [0], [0], [1], [0, 0, 1, 1], [], []>, transpose_lhs_hint = false} : vector<1024x64xf32>, vector<64x64xf32>, vector<1024x64xf32> -> vector<1024x64xf32>
    %get3A_45 = arith.constant 64 : index
    %get3A_46 = arith.constant 0 : index
    %get3A_47 = vector.load %arg6[%get3A_45, %get3A_46] : memref<128x64xf32, #tpu.memory_space<vmem>>, vector<64x64xf32>
    %dot_general3A_48 = arith.constant dense<0.000000e+00> : vector<1024x64xf32>
    %dot_general3A_49 = tpu.matmul %max3A_40, %get3A_47, %dot_general3A_48 {dimension_numbers = #tpu.dot_dimension_numbers<[1], [0], [0], [1], [0, 0, 1, 1], [], []>, transpose_lhs_hint = false} : vector<1024x64xf32>, vector<64x64xf32>, vector<1024x64xf32> -> vector<1024x64xf32>
    %add3A_50 = arith.addf %dot_general3A_44, %dot_general3A_49 : vector<1024x64xf32>
    %get3A_51 = arith.constant 0 : index
    %get3A_52 = arith.constant 0 : index
    %get3A_53 = vector.load %arg4[%get3A_51, %get3A_52] : memref<1024x1xf32, #tpu.memory_space<vmem>>, vector<1024x1xf32>
    %mul3A_54 = vector.broadcast %get3A_53 : vector<1024x1xf32> to vector<1024x64xf32>
    %mul3A_55 = arith.mulf %add3A_50, %mul3A_54 : vector<1024x64xf32>
    %mul3A_56 = arith.constant 1024 : i32
    %mul3A_57 = arith.muli %arg0, %mul3A_56 : i32
    %iota3A = tpu.iota {dimensions = array<i32: 0>} : vector<1024x1xi32>
    %add3A_58 = vector.broadcast %mul3A_57 : i32 to vector<1024x1xi32>
    %add3A_59 = arith.addi %add3A_58, %iota3A : vector<1024x1xi32>
    %lt3A = arith.constant 10000 : i32
    %lt3A_60 = vector.broadcast %lt3A : i32 to vector<1024x1xi32>
    %lt3A_61 = arith.cmpi slt, %add3A_59, %lt3A_60 : vector<1024x1xi32>
    %jit3A = arith.constant 0.000000e+00 : f32
    %broadcast_in_dim3A = vector.shape_cast %lt3A_61 : vector<1024x1xi1> to vector<1024x1xi1>
    %broadcast_in_dim3A_62 = vector.broadcast %broadcast_in_dim3A : vector<1024x1xi1> to vector<1024x64xi1>
    %broadcast_in_dim3A_63 = vector.broadcast %jit3A : f32 to vector<1024x64xf32>
    %select_n3A = arith.select %broadcast_in_dim3A_62, %mul3A_55, %broadcast_in_dim3A_63 : vector<1024x64xi1>, vector<1024x64xf32>
    %swap3A = arith.constant 0 : index
    %swap3A_64 = arith.constant 0 : index
    %swap3A_65 = vector.load %arg8[%swap3A, %swap3A_64] : memref<1024x64xf32, #tpu.memory_space<vmem>>, vector<1024x64xf32>
    tpu.vector_store %arg8[%swap3A, %swap3A_64], %select_n3A {strides = array<i32>} : memref<1024x64xf32, #tpu.memory_space<vmem>>, vector<1024x64xf32>,
    return
  }
  func.func @transform_0(%arg0: i32) -> (i32, i32, i32) {
    %c0_i32 = arith.constant 0 : i32
    %c0_i32_0 = arith.constant 0 : i32
    %c0_i32_1 = arith.constant 0 : i32
    return %c0_i32, %arg0, %c0_i32_0 : i32, i32, i32
  }
  func.func @transform_1(%arg0: i32) -> (i32, i32, i32) {
    %c0_i32 = arith.constant 0 : i32
    %c0_i32_0 = arith.constant 0 : i32
    %c0_i32_1 = arith.constant 0 : i32
    return %c0_i32, %arg0, %c0_i32_0 : i32, i32, i32
  }
  func.func @transform_2(%arg0: i32) -> (i32, i32) {
    %c0_i32 = arith.constant 0 : i32
    %c0_i32_0 = arith.constant 0 : i32
    return %arg0, %c0_i32 : i32, i32
  }
  func.func @transform_3(%arg0: i32) -> (i32, i32) {
    %c0_i32 = arith.constant 0 : i32
    %c0_i32_0 = arith.constant 0 : i32
    return %arg0, %c0_i32 : i32, i32
  }
  func.func @transform_4(%arg0: i32) -> (i32, i32) {
    %c0_i32 = arith.constant 0 : i32
    %c0_i32_0 = arith.constant 0 : i32
    %c0_i32_1 = arith.constant 0 : i32
    return %c0_i32, %c0_i32_0 : i32, i32
  }
  func.func @transform_5(%arg0: i32) -> (i32, i32) {
    %c0_i32 = arith.constant 0 : i32
    %c0_i32_0 = arith.constant 0 : i32
    %c0_i32_1 = arith.constant 0 : i32
    return %c0_i32, %c0_i32_0 : i32, i32
  }
  func.func @transform_6(%arg0: i32) -> (i32, i32) {
    %c0_i32 = arith.constant 0 : i32
    %c0_i32_0 = arith.constant 0 : i32
    %c0_i32_1 = arith.constant 0 : i32
    return %c0_i32, %c0_i32_0 : i32, i32
  }
  func.func @transform_7(%arg0: i32) -> (i32, i32) {
    %c0_i32 = arith.constant 0 : i32
    %c0_i32_0 = arith.constant 0 : i32
    return %arg0, %c0_i32 : i32, i32
  }
}

module attributes {stable_mosaic.version = 14 : i64} {
  func.func @body(%arg0: i32, %arg1: memref<2x1000x64xf32, #tpu.memory_space<vmem>>, %arg2: memref<1000x1xf32, #tpu.memory_space<vmem>>, %arg3: memref<1x64xf32, #tpu.memory_space<vmem>>, %arg4: memref<1000x64xf32, #tpu.memory_space<vmem>>) attributes {dimension_semantics = [#tpu.dimension_semantics<arbitrary>], iteration_bounds = array<i64: 10>, scalar_prefetch = 0 : i64, scratch_operands = 0 : i64, tpu.core_type = #tpu.core_type<tc>, window_params = [{transform_indices = @transform_0, window_bounds = array<i64: 2, 1000, 64>}, {transform_indices = @transform_1, window_bounds = array<i64: 1000, 1>}, {pipeline_mode = #tpu.pipeline_mode<synchronous>, transform_indices = @transform_2, window_bounds = array<i64: 1, 64>}, {transform_indices = @transform_3, window_bounds = array<i64: 1000, 64>}]} {
    %get3A = arith.constant 0 : index
    %get3A_0 = arith.constant 0 : index
    %get3A_1 = arith.constant 0 : index
    %get3A_2 = vector.load %arg1[%get3A, %get3A_0, %get3A_1] : memref<2x1000x64xf32, #tpu.memory_space<vmem>>, vector<1x1000x64xf32>
    %get3A_3 = vector.shape_cast %get3A_2 : vector<1x1000x64xf32> to vector<1000x64xf32>
    %get3A_4 = arith.constant 1 : index
    %get3A_5 = arith.constant 0 : index
    %get3A_6 = arith.constant 0 : index
    %get3A_7 = vector.load %arg1[%get3A_4, %get3A_5, %get3A_6] : memref<2x1000x64xf32, #tpu.memory_space<vmem>>, vector<1x1000x64xf32>
    %get3A_8 = vector.shape_cast %get3A_7 : vector<1x1000x64xf32> to vector<1000x64xf32>
    %add3A = arith.addf %get3A_3, %get3A_8 : vector<1000x64xf32>
    %get3A_9 = arith.constant 0 : index
    %get3A_10 = arith.constant 0 : index
    %get3A_11 = vector.load %arg2[%get3A_9, %get3A_10] : memref<1000x1xf32, #tpu.memory_space<vmem>>, vector<1000x1xf32>
    %mul3A = vector.broadcast %get3A_11 : vector<1000x1xf32> to vector<1000x64xf32>
    %mul3A_12 = arith.mulf %add3A, %mul3A : vector<1000x64xf32>
    %get3A_13 = arith.constant 0 : index
    %get3A_14 = arith.constant 0 : index
    %get3A_15 = vector.load %arg3[%get3A_13, %get3A_14] : memref<1x64xf32, #tpu.memory_space<vmem>>, vector<1x64xf32>
    %add3A_16 = vector.broadcast %get3A_15 : vector<1x64xf32> to vector<1000x64xf32>
    %add3A_17 = arith.addf %mul3A_12, %add3A_16 : vector<1000x64xf32>
    %max3A = arith.constant 0.000000e+00 : f32
    %max3A_18 = vector.broadcast %max3A : f32 to vector<1000x64xf32>
    %max3A_19 = arith.maximumf %add3A_17, %max3A_18 : vector<1000x64xf32>
    %swap3A = arith.constant 0 : index
    %swap3A_20 = arith.constant 0 : index
    %swap3A_21 = vector.load %arg4[%swap3A, %swap3A_20] : memref<1000x64xf32, #tpu.memory_space<vmem>>, vector<1000x64xf32>
    tpu.vector_store %arg4[%swap3A, %swap3A_20], %max3A_19 {strides = array<i32>} : memref<1000x64xf32, #tpu.memory_space<vmem>>, vector<1000x64xf32>,
    return
  }
  func.func @transform_0(%arg0: i32) -> (i32, i32, i32) {
    %c0_i32 = arith.constant 0 : i32
    %c0_i32_0 = arith.constant 0 : i32
    %c0_i32_1 = arith.constant 0 : i32
    return %c0_i32, %arg0, %c0_i32_0 : i32, i32, i32
  }
  func.func @transform_1(%arg0: i32) -> (i32, i32) {
    %c0_i32 = arith.constant 0 : i32
    %c0_i32_0 = arith.constant 0 : i32
    return %arg0, %c0_i32 : i32, i32
  }
  func.func @transform_2(%arg0: i32) -> (i32, i32) {
    %c0_i32 = arith.constant 0 : i32
    %c0_i32_0 = arith.constant 0 : i32
    %c0_i32_1 = arith.constant 0 : i32
    return %c0_i32, %c0_i32_0 : i32, i32
  }
  func.func @transform_3(%arg0: i32) -> (i32, i32) {
    %c0_i32 = arith.constant 0 : i32
    %c0_i32_0 = arith.constant 0 : i32
    return %arg0, %c0_i32 : i32, i32
  }
}

module attributes {stable_mosaic.version = 14 : i64} {
  func.func @body(%arg0: i32, %arg1: memref<1000x64xf32, #tpu.memory_space<vmem>>, %arg2: memref<1000x640xf32, #tpu.memory_space<vmem>>, %arg3: memref<1x10xf32, #tpu.memory_space<vmem>>, %arg4: memref<1x10xf32, #tpu.memory_space<vmem>>) attributes {dimension_semantics = [#tpu.dimension_semantics<arbitrary>], iteration_bounds = array<i64: 10>, scalar_prefetch = 0 : i64, scratch_operands = 0 : i64, tpu.core_type = #tpu.core_type<tc>, window_params = [{transform_indices = @transform_0, window_bounds = array<i64: 1000, 64>}, {transform_indices = @transform_1, window_bounds = array<i64: 1000, 640>}, {pipeline_mode = #tpu.pipeline_mode<synchronous>, transform_indices = @transform_2, window_bounds = array<i64: 1, 10>}, {pipeline_mode = #tpu.pipeline_mode<synchronous>, transform_indices = @transform_3, window_bounds = array<i64: 1, 10>}]} {
    %get3A = arith.constant 0 : index
    %get3A_0 = arith.constant 0 : index
    %get3A_1 = vector.load %arg1[%get3A, %get3A_0] : memref<1000x64xf32, #tpu.memory_space<vmem>>, vector<1000x64xf32>
    %get3A_2 = arith.constant 0 : index
    %get3A_3 = arith.constant 0 : index
    %get3A_4 = vector.load %arg2[%get3A_2, %get3A_3] : memref<1000x640xf32, #tpu.memory_space<vmem>>, vector<1000x640xf32>
    %dot_general3A = arith.constant dense<0.000000e+00> : vector<64x640xf32>
    %dot_general3A_5 = tpu.matmul %get3A_1, %get3A_4, %dot_general3A {dimension_numbers = #tpu.dot_dimension_numbers<[0], [0], [1], [1], [0, 1, 1, 1], [], []>, transpose_lhs_hint = false} : vector<1000x64xf32>, vector<1000x640xf32>, vector<64x640xf32> -> vector<64x640xf32>
    %iota3A = tpu.iota {dimensions = array<i32: 1>} : vector<64x640xi32>
    %iota3A_6 = tpu.iota {dimensions = array<i32: 0>} : vector<64x640xi32>
    %mul3A = arith.constant 10 : i32
    %mul3A_7 = vector.broadcast %mul3A : i32 to vector<64x640xi32>
    %mul3A_8 = arith.muli %mul3A_7, %iota3A_6 : vector<64x640xi32>
    %sub3A = arith.subi %iota3A, %mul3A_8 : vector<64x640xi32>
    %eq3A = arith.constant 0 : i32
    %eq3A_9 = vector.broadcast %eq3A : i32 to vector<64x640xi32>
    %eq3A_10 = arith.cmpi eq, %sub3A, %eq3A_9 : vector<64x640xi32>
    %jit3A = arith.constant 0.000000e+00 : f32
    %broadcast_in_dim3A = vector.broadcast %jit3A : f32 to vector<64x640xf32>
    %select_n3A = arith.select %eq3A_10, %dot_general3A_5, %broadcast_in_dim3A : vector<64x640xi1>, vector<64x640xf32>
    %reduce_sum3A = vector.shape_cast %select_n3A : vector<64x640xf32> to vector<1x64x640xf32>
    %reduce_sum3A_11 = arith.constant dense<0.000000e+00> : vector<1xf32>
    %reduce_sum3A_12 = vector.multi_reduction <add>, %reduce_sum3A, %reduce_sum3A_11 [1, 2] : vector<1x64x640xf32> to vector<1xf32>
    %reduce_sum3A_13 = vector.shape_cast %reduce_sum3A_12 : vector<1xf32> to vector<1x1x1xf32>
    %reduce_sum3A_14 = vector.extract %reduce_sum3A_13[0, 0, 0] : f32 from vector<1x1x1xf32>
    %eq3A_15 = arith.constant 1 : i32
    %eq3A_16 = vector.broadcast %eq3A_15 : i32 to vector<64x640xi32>
    %eq3A_17 = arith.cmpi eq, %sub3A, %eq3A_16 : vector<64x640xi32>
    %jit3A_18 = arith.constant 0.000000e+00 : f32
    %broadcast_in_dim3A_19 = vector.broadcast %jit3A_18 : f32 to vector<64x640xf32>
    %select_n3A_20 = arith.select %eq3A_17, %dot_general3A_5, %broadcast_in_dim3A_19 : vector<64x640xi1>, vector<64x640xf32>
    %reduce_sum3A_21 = vector.shape_cast %select_n3A_20 : vector<64x640xf32> to vector<1x64x640xf32>
    %reduce_sum3A_22 = arith.constant dense<0.000000e+00> : vector<1xf32>
    %reduce_sum3A_23 = vector.multi_reduction <add>, %reduce_sum3A_21, %reduce_sum3A_22 [1, 2] : vector<1x64x640xf32> to vector<1xf32>
    %reduce_sum3A_24 = vector.shape_cast %reduce_sum3A_23 : vector<1xf32> to vector<1x1x1xf32>
    %reduce_sum3A_25 = vector.extract %reduce_sum3A_24[0, 0, 0] : f32 from vector<1x1x1xf32>
    %eq3A_26 = arith.constant 2 : i32
    %eq3A_27 = vector.broadcast %eq3A_26 : i32 to vector<64x640xi32>
    %eq3A_28 = arith.cmpi eq, %sub3A, %eq3A_27 : vector<64x640xi32>
    %jit3A_29 = arith.constant 0.000000e+00 : f32
    %broadcast_in_dim3A_30 = vector.broadcast %jit3A_29 : f32 to vector<64x640xf32>
    %select_n3A_31 = arith.select %eq3A_28, %dot_general3A_5, %broadcast_in_dim3A_30 : vector<64x640xi1>, vector<64x640xf32>
    %reduce_sum3A_32 = vector.shape_cast %select_n3A_31 : vector<64x640xf32> to vector<1x64x640xf32>
    %reduce_sum3A_33 = arith.constant dense<0.000000e+00> : vector<1xf32>
    %reduce_sum3A_34 = vector.multi_reduction <add>, %reduce_sum3A_32, %reduce_sum3A_33 [1, 2] : vector<1x64x640xf32> to vector<1xf32>
    %reduce_sum3A_35 = vector.shape_cast %reduce_sum3A_34 : vector<1xf32> to vector<1x1x1xf32>
    %reduce_sum3A_36 = vector.extract %reduce_sum3A_35[0, 0, 0] : f32 from vector<1x1x1xf32>
    %eq3A_37 = arith.constant 3 : i32
    %eq3A_38 = vector.broadcast %eq3A_37 : i32 to vector<64x640xi32>
    %eq3A_39 = arith.cmpi eq, %sub3A, %eq3A_38 : vector<64x640xi32>
    %jit3A_40 = arith.constant 0.000000e+00 : f32
    %broadcast_in_dim3A_41 = vector.broadcast %jit3A_40 : f32 to vector<64x640xf32>
    %select_n3A_42 = arith.select %eq3A_39, %dot_general3A_5, %broadcast_in_dim3A_41 : vector<64x640xi1>, vector<64x640xf32>
    %reduce_sum3A_43 = vector.shape_cast %select_n3A_42 : vector<64x640xf32> to vector<1x64x640xf32>
    %reduce_sum3A_44 = arith.constant dense<0.000000e+00> : vector<1xf32>
    %reduce_sum3A_45 = vector.multi_reduction <add>, %reduce_sum3A_43, %reduce_sum3A_44 [1, 2] : vector<1x64x640xf32> to vector<1xf32>
    %reduce_sum3A_46 = vector.shape_cast %reduce_sum3A_45 : vector<1xf32> to vector<1x1x1xf32>
    %reduce_sum3A_47 = vector.extract %reduce_sum3A_46[0, 0, 0] : f32 from vector<1x1x1xf32>
    %eq3A_48 = arith.constant 4 : i32
    %eq3A_49 = vector.broadcast %eq3A_48 : i32 to vector<64x640xi32>
    %eq3A_50 = arith.cmpi eq, %sub3A, %eq3A_49 : vector<64x640xi32>
    %jit3A_51 = arith.constant 0.000000e+00 : f32
    %broadcast_in_dim3A_52 = vector.broadcast %jit3A_51 : f32 to vector<64x640xf32>
    %select_n3A_53 = arith.select %eq3A_50, %dot_general3A_5, %broadcast_in_dim3A_52 : vector<64x640xi1>, vector<64x640xf32>
    %reduce_sum3A_54 = vector.shape_cast %select_n3A_53 : vector<64x640xf32> to vector<1x64x640xf32>
    %reduce_sum3A_55 = arith.constant dense<0.000000e+00> : vector<1xf32>
    %reduce_sum3A_56 = vector.multi_reduction <add>, %reduce_sum3A_54, %reduce_sum3A_55 [1, 2] : vector<1x64x640xf32> to vector<1xf32>
    %reduce_sum3A_57 = vector.shape_cast %reduce_sum3A_56 : vector<1xf32> to vector<1x1x1xf32>
    %reduce_sum3A_58 = vector.extract %reduce_sum3A_57[0, 0, 0] : f32 from vector<1x1x1xf32>
    %eq3A_59 = arith.constant 5 : i32
    %eq3A_60 = vector.broadcast %eq3A_59 : i32 to vector<64x640xi32>
    %eq3A_61 = arith.cmpi eq, %sub3A, %eq3A_60 : vector<64x640xi32>
    %jit3A_62 = arith.constant 0.000000e+00 : f32
    %broadcast_in_dim3A_63 = vector.broadcast %jit3A_62 : f32 to vector<64x640xf32>
    %select_n3A_64 = arith.select %eq3A_61, %dot_general3A_5, %broadcast_in_dim3A_63 : vector<64x640xi1>, vector<64x640xf32>
    %reduce_sum3A_65 = vector.shape_cast %select_n3A_64 : vector<64x640xf32> to vector<1x64x640xf32>
    %reduce_sum3A_66 = arith.constant dense<0.000000e+00> : vector<1xf32>
    %reduce_sum3A_67 = vector.multi_reduction <add>, %reduce_sum3A_65, %reduce_sum3A_66 [1, 2] : vector<1x64x640xf32> to vector<1xf32>
    %reduce_sum3A_68 = vector.shape_cast %reduce_sum3A_67 : vector<1xf32> to vector<1x1x1xf32>
    %reduce_sum3A_69 = vector.extract %reduce_sum3A_68[0, 0, 0] : f32 from vector<1x1x1xf32>
    %eq3A_70 = arith.constant 6 : i32
    %eq3A_71 = vector.broadcast %eq3A_70 : i32 to vector<64x640xi32>
    %eq3A_72 = arith.cmpi eq, %sub3A, %eq3A_71 : vector<64x640xi32>
    %jit3A_73 = arith.constant 0.000000e+00 : f32
    %broadcast_in_dim3A_74 = vector.broadcast %jit3A_73 : f32 to vector<64x640xf32>
    %select_n3A_75 = arith.select %eq3A_72, %dot_general3A_5, %broadcast_in_dim3A_74 : vector<64x640xi1>, vector<64x640xf32>
    %reduce_sum3A_76 = vector.shape_cast %select_n3A_75 : vector<64x640xf32> to vector<1x64x640xf32>
    %reduce_sum3A_77 = arith.constant dense<0.000000e+00> : vector<1xf32>
    %reduce_sum3A_78 = vector.multi_reduction <add>, %reduce_sum3A_76, %reduce_sum3A_77 [1, 2] : vector<1x64x640xf32> to vector<1xf32>
    %reduce_sum3A_79 = vector.shape_cast %reduce_sum3A_78 : vector<1xf32> to vector<1x1x1xf32>
    %reduce_sum3A_80 = vector.extract %reduce_sum3A_79[0, 0, 0] : f32 from vector<1x1x1xf32>
    %eq3A_81 = arith.constant 7 : i32
    %eq3A_82 = vector.broadcast %eq3A_81 : i32 to vector<64x640xi32>
    %eq3A_83 = arith.cmpi eq, %sub3A, %eq3A_82 : vector<64x640xi32>
    %jit3A_84 = arith.constant 0.000000e+00 : f32
    %broadcast_in_dim3A_85 = vector.broadcast %jit3A_84 : f32 to vector<64x640xf32>
    %select_n3A_86 = arith.select %eq3A_83, %dot_general3A_5, %broadcast_in_dim3A_85 : vector<64x640xi1>, vector<64x640xf32>
    %reduce_sum3A_87 = vector.shape_cast %select_n3A_86 : vector<64x640xf32> to vector<1x64x640xf32>
    %reduce_sum3A_88 = arith.constant dense<0.000000e+00> : vector<1xf32>
    %reduce_sum3A_89 = vector.multi_reduction <add>, %reduce_sum3A_87, %reduce_sum3A_88 [1, 2] : vector<1x64x640xf32> to vector<1xf32>
    %reduce_sum3A_90 = vector.shape_cast %reduce_sum3A_89 : vector<1xf32> to vector<1x1x1xf32>
    %reduce_sum3A_91 = vector.extract %reduce_sum3A_90[0, 0, 0] : f32 from vector<1x1x1xf32>
    %eq3A_92 = arith.constant 8 : i32
    %eq3A_93 = vector.broadcast %eq3A_92 : i32 to vector<64x640xi32>
    %eq3A_94 = arith.cmpi eq, %sub3A, %eq3A_93 : vector<64x640xi32>
    %jit3A_95 = arith.constant 0.000000e+00 : f32
    %broadcast_in_dim3A_96 = vector.broadcast %jit3A_95 : f32 to vector<64x640xf32>
    %select_n3A_97 = arith.select %eq3A_94, %dot_general3A_5, %broadcast_in_dim3A_96 : vector<64x640xi1>, vector<64x640xf32>
    %reduce_sum3A_98 = vector.shape_cast %select_n3A_97 : vector<64x640xf32> to vector<1x64x640xf32>
    %reduce_sum3A_99 = arith.constant dense<0.000000e+00> : vector<1xf32>
    %reduce_sum3A_100 = vector.multi_reduction <add>, %reduce_sum3A_98, %reduce_sum3A_99 [1, 2] : vector<1x64x640xf32> to vector<1xf32>
    %reduce_sum3A_101 = vector.shape_cast %reduce_sum3A_100 : vector<1xf32> to vector<1x1x1xf32>
    %reduce_sum3A_102 = vector.extract %reduce_sum3A_101[0, 0, 0] : f32 from vector<1x1x1xf32>
    %eq3A_103 = arith.constant 9 : i32
    %eq3A_104 = vector.broadcast %eq3A_103 : i32 to vector<64x640xi32>
    %eq3A_105 = arith.cmpi eq, %sub3A, %eq3A_104 : vector<64x640xi32>
    %jit3A_106 = arith.constant 0.000000e+00 : f32
    %broadcast_in_dim3A_107 = vector.broadcast %jit3A_106 : f32 to vector<64x640xf32>
    %select_n3A_108 = arith.select %eq3A_105, %dot_general3A_5, %broadcast_in_dim3A_107 : vector<64x640xi1>, vector<64x640xf32>
    %reduce_sum3A_109 = vector.shape_cast %select_n3A_108 : vector<64x640xf32> to vector<1x64x640xf32>
    %reduce_sum3A_110 = arith.constant dense<0.000000e+00> : vector<1xf32>
    %reduce_sum3A_111 = vector.multi_reduction <add>, %reduce_sum3A_109, %reduce_sum3A_110 [1, 2] : vector<1x64x640xf32> to vector<1xf32>
    %reduce_sum3A_112 = vector.shape_cast %reduce_sum3A_111 : vector<1xf32> to vector<1x1x1xf32>
    %reduce_sum3A_113 = vector.extract %reduce_sum3A_112[0, 0, 0] : f32 from vector<1x1x1xf32>
    %stack3A = vector.broadcast %reduce_sum3A_14 : f32 to vector<1xf32>
    %stack3A_114 = vector.broadcast %reduce_sum3A_25 : f32 to vector<1xf32>
    %stack3A_115 = vector.broadcast %reduce_sum3A_36 : f32 to vector<1xf32>
    %stack3A_116 = vector.broadcast %reduce_sum3A_47 : f32 to vector<1xf32>
    %stack3A_117 = vector.broadcast %reduce_sum3A_58 : f32 to vector<1xf32>
    %stack3A_118 = vector.broadcast %reduce_sum3A_69 : f32 to vector<1xf32>
    %stack3A_119 = vector.broadcast %reduce_sum3A_80 : f32 to vector<1xf32>
    %stack3A_120 = vector.broadcast %reduce_sum3A_91 : f32 to vector<1xf32>
    %stack3A_121 = vector.broadcast %reduce_sum3A_102 : f32 to vector<1xf32>
    %stack3A_122 = vector.broadcast %reduce_sum3A_113 : f32 to vector<1xf32>
    %stack3A_123 = tpu.concatenate %stack3A, %stack3A_114, %stack3A_115, %stack3A_116, %stack3A_117, %stack3A_118, %stack3A_119, %stack3A_120, %stack3A_121, %stack3A_122 in 0 : vector<1xf32>, vector<1xf32>, vector<1xf32>, vector<1xf32>, vector<1xf32>, vector<1xf32>, vector<1xf32>, vector<1xf32>, vector<1xf32>, vector<1xf32> -> vector<10xf32>
    %reshape3A = vector.shape_cast %stack3A_123 : vector<10xf32> to vector<1x10xf32>
    %eq3A_124 = arith.constant 0 : i32
    %eq3A_125 = arith.cmpi eq, %arg0, %eq3A_124 : i32
    %convert_element_type3A = arith.extui %eq3A_125 : i1 to i32
    %cond3A = arith.constant 0 : i32
    %cond3A_126 = arith.cmpi ne, %convert_element_type3A, %cond3A : i32
    scf.if %cond3A_126 {
      %get3A_131 = arith.constant 0 : index
      %get3A_132 = arith.constant 0 : index
      %get3A_133 = vector.load %arg3[%get3A_131, %get3A_132] : memref<1x10xf32, #tpu.memory_space<vmem>>, vector<1x10xf32>
      %add3A = arith.addf %get3A_133, %reshape3A : vector<1x10xf32>
      %swap3A = arith.constant 0 : index
      %swap3A_134 = arith.constant 0 : index
      %swap3A_135 = vector.load %arg4[%swap3A, %swap3A_134] : memref<1x10xf32, #tpu.memory_space<vmem>>, vector<1x10xf32>
      tpu.vector_store %arg4[%swap3A, %swap3A_134], %add3A {strides = array<i32>} : memref<1x10xf32, #tpu.memory_space<vmem>>, vector<1x10xf32>,
    } else {
    }
    %gt3A = arith.constant 0 : i32
    %gt3A_127 = arith.cmpi sgt, %arg0, %gt3A : i32
    %convert_element_type3A_128 = arith.extui %gt3A_127 : i1 to i32
    %cond3A_129 = arith.constant 0 : i32
    %cond3A_130 = arith.cmpi ne, %convert_element_type3A_128, %cond3A_129 : i32
    scf.if %cond3A_130 {
      %get3A_131 = arith.constant 0 : index
      %get3A_132 = arith.constant 0 : index
      %get3A_133 = vector.load %arg4[%get3A_131, %get3A_132] : memref<1x10xf32, #tpu.memory_space<vmem>>, vector<1x10xf32>
      %add3A = arith.addf %get3A_133, %reshape3A : vector<1x10xf32>
      %swap3A = arith.constant 0 : index
      %swap3A_134 = arith.constant 0 : index
      %swap3A_135 = vector.load %arg4[%swap3A, %swap3A_134] : memref<1x10xf32, #tpu.memory_space<vmem>>, vector<1x10xf32>
      tpu.vector_store %arg4[%swap3A, %swap3A_134], %add3A {strides = array<i32>} : memref<1x10xf32, #tpu.memory_space<vmem>>, vector<1x10xf32>,
    } else {
    }
    return
  }
  func.func @transform_0(%arg0: i32) -> (i32, i32) {
    %c0_i32 = arith.constant 0 : i32
    %c0_i32_0 = arith.constant 0 : i32
    return %arg0, %c0_i32 : i32, i32
  }
  func.func @transform_1(%arg0: i32) -> (i32, i32) {
    %c0_i32 = arith.constant 0 : i32
    %c0_i32_0 = arith.constant 0 : i32
    return %arg0, %c0_i32 : i32, i32
  }
  func.func @transform_2(%arg0: i32) -> (i32, i32) {
    %c0_i32 = arith.constant 0 : i32
    %c0_i32_0 = arith.constant 0 : i32
    %c0_i32_1 = arith.constant 0 : i32
    return %c0_i32, %c0_i32_0 : i32, i32
  }
  func.func @transform_3(%arg0: i32) -> (i32, i32) {
    %c0_i32 = arith.constant 0 : i32
    %c0_i32_0 = arith.constant 0 : i32
    %c0_i32_1 = arith.constant 0 : i32
    return %c0_i32, %c0_i32_0 : i32, i32
  }
}

</mosaic_0001>

<sc_bundles>
// kernel: kernel.10.cloned.1.call-start
scs
__scs_entry_jumppad:
0x0: {  	(pc) =	sbr.rel $0x88, $3  }
0x1: {  	(tag) =	ssettag $0x0;
	lr =	simm.s32 $0x1  }
0x2: {  	[smem:$0x3F99] =	sst lr;
	_ =	strace $0xD0000000  }
0x3: {  	_ = 	snop  }
0x4: {  	_ = 	snop  }
0x5: {  	_ = 	snop  }
0x6: {  	_ = 	snop  }
0x7: {  	_ = 	snop  }
__scs_overlays_trampoline_lowered:
0x8: {  	[smem:$0x3FA8] =	sst s0  }
0x9: {  	[smem:$0x3FA9] =	sst s1  }
0xa: {  	[smem:$0x3FAA] =	sst s2  }
0xb: {  	[smem:$0x3FAB] =	sst s3  }
0xc: {  	[smem:$0x3FAC] =	sst s4  }
0xd: {  	[smem:$0x3FAD] =	sst s5  }
0xe: {  	[smem:$0x3FAE] =	sst s6  }
0xf: {  	[smem:$0x3FAF] =	sst s7  }
0x10: {  	[smem:$0x3FB0] =	sst s8  }
0x11: {  	[smem:$0x3FB1] =	sst s9;
	s0 =	simm.s32 @!p0 $0x0  }
0x12: {  	s1 =	sld [smem:$0x3F97];
	s0 =	simm.s32 @p0 $0x1  }
0x13: {  	[smem:$0x3FB2] =	sst s0;
	s0 =	simm.s32 @!p1 $0x0  }
0x14: {  	s2 =	sld [smem:$0x3F96];
	s0 =	simm.s32 @p1 $0x1  }
0x15: {  	[smem:$0x3FB3] =	sst s0;
	s0 =	simm.s32 @!p2 $0x0  }
0x16: {  	s3 =	sld [smem:$0x3FDB];
	s0 =	simm.s32 @p2 $0x1  }
0x17: {  	s4 =	simm.s32 $0x1BF5;
	[smem:$0x3FB5] =	sst s0  }
0x18: {  	s0 =	sld [smem:$0x3F98];
	_ =	swait.ge [sflag:s4], $0x0  }
0x19: {  	s7 =	sld [smem:$0x3F99]  }
0x1a: {  	s8 =	sadd.s32 $0xFFFFE003, lr  }
0x1b: {  	s9 =	sadd.s32 $0xFFFFFEF7, lr;
	s5 =	simm.s32 $0xFFFFFFFF;
	p2 =	slt.u32 s8, $0xFFFFF086  }
0x1c: {  	p1 =	slt.u32 s9, $0xF7A;
	s5 =	simm.s32 @!p2 $0x0  }
0x1d: {  	s5 =	simm.s32 @p1 $0x1;
	p0 =	seq.s32 s7, s2  }
0x1e: {  	s7 =	smul.u32 @!p0 $0xF7A, s2;
	p2 =	seq.s32 @!p0 s5, $0x0  }
0x1f: {  	s9 =	smul.u32 $0xF7A, s1;
	s8 =	simm.s32 @!p0 $0x1BF5;
	p2 =	por !p2, p0  }
0x20: {  	[sflag:s8] =	ssyncset.s32 @!p0 $0xFFFFF086;
	s6 =	sadd.s32 @!p0 s3, s7;
	s7 =	simm.s32 @!p0 $0x108  }
0x21: {  	s3 =	sadd.s32 s3, s9;
	s6 =	sadd.s32 @!p0 $0x88, s6;
	s7 =	simm.s32 @p2 $0x1082  }
0x22: {  	[simem:s7], [sflag:s8] =	dma.local @!p0 [hbm:s6], $0xF7A  }
0x23: {  	s9 =	sor.u32 $0xD0000000, s2;
	s6 =	simm.s32 $0x108;
	_ =	swait.ge @!p0 [sflag:s8], $0x0  }
0x24: {  	s3 =	sadd.s32 $0x88, s3;
	s6 =	simm.s32 @!p1 $0x1082;
	[sflag:s4] =	ssyncset.s32 $0xFFFFF086  }
0x25: {  	[simem:s6], [sflag:s4] =	dma.local [hbm:s3], $0xF7A  }
0x26: {  	[smem:$0x3F99] =	sst s1;
	(tag) =	ssettag s2;
	_ =	strace s9  }
0x27: {  	s1 =	sld [smem:$0x3FA9]  }
0x28: {  	s2 =	sld [smem:$0x3FAA]  }
0x29: {  	s4 =	sld [smem:$0x3FAC]  }
0x2a: {  	p0 =	seq.s32 s5, $0x0;
	s5 =	sld [smem:$0x3FAD]  }
0x2b: {  	s6 =	sld [smem:$0x3FAE]  }
0x2c: {  	s7 =	sld [smem:$0x3FAF]  }
0x2d: {  	s3 =	simm.s32 $0x108;
	s8 =	sld [smem:$0x3FB0]  }
0x2e: {  	s3 =	simm.s32 @!p0 $0x1082;
	s9 =	sld [smem:$0x3FB1]  }
0x2f: {  	lr =	sadd.s32 s0, s3;
	s0 =	sld [smem:$0x3FA8]  }
0x30: {  	s3 =	sld [smem:$0x3FAB]  }
0x31: {  	[smem:$0x3FB4] =	sst s10  }
0x32: {  	s10 =	sld [smem:$0x3FB2];
	_ =	sdelay $0x3  }
0x33: {  	p0 =	seq.s32 s10, $0x1;
	s10 =	sld [smem:$0x3FB4];
	_ =	sdelay $0x3  }
0x34: {  	[smem:$0x3FB4] =	sst s10  }
0x35: {  	s10 =	sld [smem:$0x3FB3];
	_ =	sdelay $0x3  }
0x36: {  	p1 =	seq.s32 s10, $0x1;
	s10 =	sld [smem:$0x3FB4];
	_ =	sdelay $0x3  }
0x37: {  	[smem:$0x3FB4] =	sst s10  }
0x38: {  	s10 =	sld [smem:$0x3FB5]  }
0x39: {  	_ = 	snop;
	(pc) =	sbr.ind lr, $3  }
0x3a: {  	_ = 	snop  }
0x3b: {  	_ = 	snop  }
0x3c: {  	p2 =	seq.s32 s10, $0x1;
	s10 =	sld [smem:$0x3FB4]  }
0x3d: {  	_ =	shalt  }
0x3e: {  	_ =	shalt  }
0x3f: {  	_ =	shalt  }
0x40: {  	_ =	shalt  }
0x41: {  	_ =	shalt  }
0x42: {  	_ =	shalt  }
0x43: {  	_ =	shalt  }
0x44: {  	_ =	shalt  }
0x45: {  	_ =	shalt  }
0x46: {  	_ =	shalt  }
0x47: {  	_ =	shalt  }
0x48: {  	_ =	shalt  }
0x49: {  	_ =	shalt  }
0x4a: {  	_ =	shalt  }
0x4b: {  	_ =	shalt  }
0x4c: {  	_ =	shalt  }
0x4d: {  	_ =	shalt  }
0x4e: {  	_ =	shalt  }
0x4f: {  	_ =	shalt  }
0x50: {  	_ =	shalt  }
0x51: {  	_ =	shalt  }
0x52: {  	_ =	shalt  }
0x53: {  	_ =	shalt  }
0x54: {  	_ =	shalt  }
0x55: {  	_ =	shalt  }
0x56: {  	_ =	shalt  }
0x57: {  	_ =	shalt  }
0x58: {  	_ =	shalt  }
0x59: {  	_ =	shalt  }
0x5a: {  	_ =	shalt  }
0x5b: {  	_ =	shalt  }
0x5c: {  	_ =	shalt  }
0x5d: {  	_ =	shalt  }
0x5e: {  	_ =	shalt  }
0x5f: {  	_ =	shalt  }
0x60: {  	_ =	shalt  }
0x61: {  	_ =	shalt  }
0x62: {  	_ =	shalt  }
0x63: {  	_ =	shalt  }
0x64: {  	_ =	shalt  }
0x65: {  	_ =	shalt  }
0x66: {  	_ =	shalt  }
0x67: {  	_ =	shalt  }
0x68: {  	_ =	shalt  }
0x69: {  	_ =	shalt  }
0x6a: {  	_ =	shalt  }
0x6b: {  	_ =	shalt  }
0x6c: {  	_ =	shalt  }
0x6d: {  	_ =	shalt  }
0x6e: {  	_ =	shalt  }
0x6f: {  	_ =	shalt  }
0x70: {  	_ =	shalt  }
0x71: {  	_ =	shalt  }
0x72: {  	_ =	shalt  }
0x73: {  	_ =	shalt  }
0x74: {  	_ =	shalt  }
0x75: {  	_ =	shalt  }
0x76: {  	_ =	shalt  }
0x77: {  	_ =	shalt  }
0x78: {  	_ =	shalt  }
0x79: {  	_ =	shalt  }
0x7a: {  	_ =	shalt  }
0x7b: {  	_ =	shalt  }
0x7c: {  	_ =	shalt  }
0x7d: {  	_ =	shalt  }
0x7e: {  	_ =	shalt  }
0x7f: {  	_ =	shalt  }
0x80: {  	_ =	shalt  }
0x81: {  	_ =	shalt  }
0x82: {  	_ =	shalt  }
0x83: {  	_ =	shalt  }
0x84: {  	_ =	shalt  }
0x85: {  	_ =	shalt  }
0x86: {  	_ =	shalt  }
0x87: {  	_ =	shalt  }
.Lfunc_end0:
.L_simem_size_0:
called_computation_lowered:
.L_overlay_start_0:
0x88: {  	s2 =	sld [smem:$0x3FD9]  }
0x89: {  	s3 =	sld [smem:$0x3FFE];
	_ =	sdelay $0x1  }
0x8a: {  	s1 =	srdreg.scid  }
0x8b: {  	s0 =	sand.u32 $0x1, s1  }
0x8c: {  	s16 =	sshll.u32 s0, $0xA;
	s2 =	sadd.s32 s3, s2  }
0x8d: {  	s2 =	sadd.s32 s2, s16  }
0x8e: {  	[smem:$0x3FC0] =	sst s2  }
0x8f: {  	_ = 	snop  }
0x90: {  	(tm) =	ssettm $0x1  }
0x91: {  	s17 =	sld [smem:$0x3FFB];
	_ =	sdelay $0x3  }
0x92: {  	_ =	strace s17  }
0x93: {  	s2 =	sld [smem:$0x3FFC];
	_ =	sdelay $0x3  }
0x94: {  	_ =	strace s2  }
0x95: {  	s2 =	sld [smem:$0x3FFD];
	_ =	sdelay $0x3  }
0x96: {  	_ =	strace s2  }
0x97: {  	_ =	strace $0x8FFFFFFF  }
0x98: {  	s18 =	sld [smem:$0x3FDB];
	_ =	sdelay $0x1  }
0x99: {  	s19 =	simm.s32 $_scs_section_size  }
0x9a: {  	s4 =	simm.s32 $_size__tile_overlayer_lowered;
	s5 =	simm.s32 $_tile_overlayer_lowered  }
0x9b: {  	s22 =	simm.s32 $0x1BFF;
	s21 =	sshll.u32 s5, $0x1;
	s2 =	sadd.s32 s19, s18  }
0x9c: {  	s6 =	simm.s32 $0x0;
	s20 =	sshll.u32 s4, $0x1;
	s4 =	sadd.s32 s21, s2  }
0x9d: {  	[timem:s6], [sflag:s22] =	dma.local [hbm:s4], s20  }
0x9e: {  	_ =	swait.ge [sflag:s22], s20  }
0x9f: {  	s3 =	ssub.s32 $0x0, s20;
	[sflag:s22] =	ssyncset.done $0x0  }
0xa0: {  	[sflag:s22] =	ssyncadd.s32 s3;
	_ =	sdelay $0x1  }
0xa1: {  	s23 =	simm.s32 $0x1B8B  }
0xa2: {  	_ =	swait.ge [sflag:s23], $0x1  }
0xa3: {  	[sflag:s23] =	ssyncset.done $0x0  }
0xa4: {  	s25 =	simm.s32 $0x1B8E;
	s24 =	sld [smem:$0x3FFE];
	[sflag:s23] =	ssyncadd.s32 $0xFFFFFFFF  }
0xa5: {  	s26 =	simm.s32 $execute0_lowered;
	[smem:$0x3FD2] =	sst s25  }
0xa6: {  	s4 =	sshll.u32 s26, $0x1;
	_ =	strace $0x80000046;
	[dreg:$0x1] =	wrdreg $0xFFFFFFFF  }
0xa7: {  	s28 =	simm.s32 $_size_execute0_lowered;
	s2 =	sadd.s32 s2, s4;
	[dreg:$0x0] =	wrdreg $0x0  }
0xa8: {  	s4 =	sshll.u32 s28, $0x1;
	[dreg:$0x2] =	wrdreg s2  }
0xa9: {  	[dreg:$0x3] =	wrdreg s4  }
0xaa: {  	[dreg:$0x4] =	wrdreg $0xC0  }
0xab: {  	_ =	task [dreg:s6], $0x5FFFF  }
0xac: {  	[dreg:$0x1] =	wrdreg $0xFFFFFFFF  }
0xad: {  	[dreg:$0x0] =	wrdreg $0x60  }
0xae: {  	[dreg:$0x2] =	wrdreg s24  }
0xaf: {  	[dreg:$0x3] =	wrdreg $0x55800  }
0xb0: {  	[dreg:$0x4] =	wrdreg $0x58000  }
0xb1: {  	[dreg:$0x5] =	wrdreg $0x9  }
0xb2: {  	_ =	task.clear_ibuf [dreg:s6], $0x6FFFF;
	_ =	strace $0x90000046  }
0xb3: {  	s29 =	simm.s32 $0x9;
	_ =	strace $0x80000048  }
0xb4: {  	_ =	swait.ge [sflag:s29], $0x1  }
0xb5: {  	[sflag:s29] =	ssyncadd.s32 $0xFFFFFFFF  }
0xb6: {  	_ =	strace $0x90000048  }
0xb7: {  	_ =	sfence  }
0xb8: {  	s30 =	sld [smem:$0x0];
	_ =	sdelay $0x2  }
0xb9: {  	s31 =	sshll.u32 s1, $0xD;
	s1 =	sshrl.u32 s1, $0x2  }
0xba: {  	s3 =	sand.u32 $0x4000, s31;
	s1 =	sadd.s32 s1, s30  }
0xbb: {  	s0 =	sor.u32 s3, s0;
	s1 =	sshll.u32 s1, $0x11  }
0xbc: {  	s0 =	sor.u32 s1, s0  }
0xbd: {  	s0 =	sadd.s32 $0x8F2B, s0  }
0xbe: {  	[sflag:s0] =	ssyncadd.remote.s32 $0x1  }
0xbf: {  	_ =	sfence.sel $0xFFFF  }
0xc0: {  	[dreg:$0x0] =	wrdreg $0xFFFFFFFF;
	(pc) =	sbr.abs _section_cstart, $3  }
0xc1: {  	[dreg:$0x1] =	wrdreg $0xFFFFFFFF  }
0xc2: {  	_ =	task.clear_ibuf [dreg:s6], $0x2FFFF;
	_ =	strace $0x9FFFFFFF  }
0xc3: {  	(tm) =	ssettm $0x7FFFFFFF  }
tec
execute0_lowered:
.L_overlay_start_1:
0x0: {  	(tag) =	ssettag $0x1  }
0x1: {  	s5 =	rddreg [dreg:$0x0]  }
0x2: {  	s2 =	rddreg [dreg:$0x1]  }
0x3: {  	s3 =	rddreg [dreg:$0x2]  }
0x4: {  	s0 =	rddreg [dreg:$0x3]  }
0x5: {  	s4 =	srdreg.scid;
	s1 =	stileid.u32;
	s13 =	simm.s32 $0x1  }
0x6: {  	s14 =	simm.s32 $0x2800;
	s15 =	simm.s32 $0x80;
	s16 =	simm.s32 $0x5000  }
0x7: {  	s17 =	simm.s32 $0x5300;
	s18 =	simm.s32 $0x0;
	s6 =	sand.u32 $0x1, s4  }
0x8: {  	s7 =	sshll.u32 s1, $0x1;
	s8 =	smul.u32 $0x280, s1;
	s4 =	simm.s32 $0x0  }
0x9: {  	s7 =	sor.u32 s6, s7;
	s9 =	smul.u32 $0x5000, s6;
	s6 =	ssub.s32 $0x2, s6  }
0xa: {  	[smem:$0x7FF] =	sst s4;
	s7 =	smul.u32 $0x2800, s7;
	s31 =	sshrl.u32 s6, $0x1  }
0xb: {  	_ =	strace $0x80000047;
	s9 =	sadd.s32 s8, s9;
	s12 =	ssub.s32 s6, s31  }
0xc: {  	s6 =	sadd.s32 s8, s3;
	s7 =	sshrl.u32 s7, $0x3;
	s9 =	sshrl.u32 s9, $0x3  }
0xd: {  	s10 =	sadd.s32 s7, s5;
	s11 =	sadd.s32 s9, s5;
	s5 =	sadd.s32 s8, s2  }
0xe: {  	s7 =	sadd.s32 $0x2C00, s10;
	s8 =	sadd.s32 $0xCC00, s10;
	s9 =	sadd.s32 $0x16C00, s11  }
0xf: {  	v0 =	vimm.f32 $1.000000000e+00;
	v1 =	vimm.f32 $0.0e+00;
	s10 =	sadd.s32 $0x17100, s11;
	s11 =	smax.u32 s12, $0x1;
	s12 =	simm.s32 $0x5080  }
.LBB2_1:
0x10: {  	[tilespmem:$0x5000] =	vst v0  }
0x11: {  	[tilespmem:$0x5010] =	vst v0  }
0x12: {  	[tilespmem:$0x5020] =	vst v0  }
0x13: {  	[tilespmem:$0x5030] =	vst v0  }
0x14: {  	[tilespmem:$0x5040] =	vst v0  }
0x15: {  	[tilespmem:$0x5050] =	vst v0  }
0x16: {  	[tilespmem:$0x5060] =	vst v0  }
0x17: {  	[tilespmem:$0x5070] =	vst v0  }
0x18: {  	[tilespmem:$0x5080] =	vst v1  }
0x19: {  	[tilespmem:$0x5090] =	vst v1  }
0x1a: {  	[tilespmem:$0x50A0] =	vst v1  }
0x1b: {  	[tilespmem:$0x50B0] =	vst v1  }
0x1c: {  	[tilespmem:$0x50C0] =	vst v1  }
0x1d: {  	[tilespmem:$0x50D0] =	vst v1  }
0x1e: {  	[tilespmem:$0x50E0] =	vst v1  }
0x1f: {  	[tilespmem:$0x50F0] =	vst v1  }
0x20: {  	[tilespmem:$0x5100] =	vst v1  }
0x21: {  	[tilespmem:$0x5110] =	vst v1  }
0x22: {  	[tilespmem:$0x5120] =	vst v1  }
0x23: {  	[tilespmem:$0x5130] =	vst v1  }
0x24: {  	[tilespmem:$0x5140] =	vst v1  }
0x25: {  	[tilespmem:$0x5150] =	vst v1  }
0x26: {  	[tilespmem:$0x5160] =	vst v1  }
0x27: {  	[tilespmem:$0x5170] =	vst v1  }
0x28: {  	[tilespmem:$0x5180] =	vst v1  }
0x29: {  	[tilespmem:$0x5190] =	vst v1  }
0x2a: {  	[tilespmem:$0x51A0] =	vst v1  }
0x2b: {  	[tilespmem:$0x51B0] =	vst v1  }
0x2c: {  	[tilespmem:$0x51C0] =	vst v1  }
0x2d: {  	[tilespmem:$0x51D0] =	vst v1  }
0x2e: {  	[tilespmem:$0x51E0] =	vst v1  }
0x2f: {  	[tilespmem:$0x51F0] =	vst v1  }
0x30: {  	[tilespmem:$0x5200] =	vst v1  }
0x31: {  	[tilespmem:$0x5210] =	vst v1  }
0x32: {  	[tilespmem:$0x5220] =	vst v1  }
0x33: {  	[tilespmem:$0x5230] =	vst v1  }
0x34: {  	[tilespmem:$0x5240] =	vst v1  }
0x35: {  	[tilespmem:$0x5250] =	vst v1  }
0x36: {  	[tilespmem:$0x5260] =	vst v1  }
0x37: {  	[tilespmem:$0x5270] =	vst v1  }
0x38: {  	[tilespmem:$0x5280] =	vst v1  }
0x39: {  	[tilespmem:$0x5290] =	vst v1  }
0x3a: {  	[tilespmem:$0x52A0] =	vst v1  }
0x3b: {  	[tilespmem:$0x52B0] =	vst v1  }
0x3c: {  	[tilespmem:$0x52C0] =	vst v1  }
0x3d: {  	[tilespmem:$0x52D0] =	vst v1  }
0x3e: {  	[tilespmem:$0x52E0] =	vst v1  }
0x3f: {  	[tilespmem:$0x52F0] =	vst v1  }
0x40: {  	[spmem:s5] =	stream.linear.scatter [tilespmem:s12], [sflag:$0x1], $0x280, $0x38;
	[tilespmem:$0x5A80] =	vst v63  }
0x41: {  	_ =	swait.ge [sflag:s13], $0x280  }
0x42: {  	[sflag:s13] =	ssyncset.done $0x0  }
0x43: {  	[sflag:s13] =	ssyncadd.s32 $0xFFFFFD80  }
0x44: {  	[spmem:s6] =	stream.linear.scatter [tilespmem:s12], [sflag:$0x1], $0x280, $0x38;
	[tilespmem:$0x5A80] =	vst v63  }
0x45: {  	_ =	swait.ge [sflag:s13], $0x280  }
0x46: {  	[sflag:s13] =	ssyncset.done $0x0  }
0x47: {  	[sflag:s13] =	ssyncadd.s32 $0xFFFFFD80  }
0x48: {  	[bflag:$0x0] =	sbarrier.arrive $0xFFFF  }
0x49: {  	[tilespmem:s4], [sflag:$0x1] =	stream.linear.gather [hbm4b:s7+s4], $0x2800, $0x38;
	[tilespmem:$0x5A80] =	vst v63  }
0x4a: {  	_ =	swait.ge [sflag:s13], $0x2800  }
0x4b: {  	[sflag:s13] =	ssyncset.done $0x0  }
0x4c: {  	[sflag:s13] =	ssyncadd.s32 $0xFFFFD800  }
0x4d: {  	[tilespmem:s14], [sflag:$0x1] =	stream.linear.gather [hbm4b:s8+s4], $0x2800, $0x38;
	[tilespmem:$0x5A80] =	vst v63  }
0x4e: {  	_ =	swait.ge [sflag:s13], $0x2800  }
0x4f: {  	[sflag:s13] =	ssyncset.done $0x0  }
0x50: {  	s19 =	simm.s32 $0x0;
	[sflag:s13] =	ssyncadd.s32 $0xFFFFD800  }
0x51: {  	[spmem:s2] =	stream.indirect.scatter.add.f32 [tilespmem:s16], [sflag:$0x1], $0x1, s19, s15, $0xb8;
	[tilespmem:$0x5A80] =	vst v63  }
0x52: {  	_ =	swait.ge [sflag:s13], $0x80  }
0x53: {  	[sflag:s13] =	ssyncset.done $0x0  }
0x54: {  	s31 =	simm.s32 $0x2800;
	[sflag:s13] =	ssyncadd.s32 $0xFFFFFF80  }
0x55: {  	[spmem:s3] =	stream.indirect.scatter.add.f32 [tilespmem:s16], [sflag:$0x1], $0x1, s31, s15, $0xb8;
	[tilespmem:$0x5A80] =	vst v63  }
0x56: {  	_ =	swait.ge [sflag:s13], $0x80  }
0x57: {  	s20 =	simm.s32 $0x400;
	s19 =	simm.s32 $0x200;
	[sflag:s13] =	ssyncset.done $0x0  }
.LBB2_2:
0x58: {  	s21 =	sshra.s32 s19, $0x2  }
0x59: {  	[sflag:s13] =	ssyncadd.s32 $0xFFFFFF80;
	s19 =	smov.u32 s20;
	s22 =	sadd.s32 $0x200, s20  }
0x5a: {  	[spmem:s2] =	stream.indirect.scatter.add.f32 [tilespmem:s16], [sflag:$0x1], $0x1, s21, s15, $0xb8;
	[tilespmem:$0x5A80] =	vst v63  }
0x5b: {  	p0 =	sne.s32 s20, $0x9E00;
	_ =	swait.ge [sflag:s13], $0x80  }
.Ltmp0:
0x5c: {  	[sflag:s13] =	ssyncset.done $0x0;
	(pc) =	sbr.rel @p0 .LBB2_2-.Ltmp0, $4  }
0x5d: {  	s20 =	sadd.s32 $0x2800, s21;
	[sflag:s13] =	ssyncadd.s32 $0xFFFFFF80  }
0x5e: {  	[spmem:s3] =	stream.indirect.scatter.add.f32 [tilespmem:s16], [sflag:$0x1], $0x1, s20, s15, $0xb8;
	[tilespmem:$0x5A80] =	vst v63  }
0x5f: {  	_ =	swait.ge [sflag:s13], $0x80  }
0x60: {  	s20 =	smov.u32 s22;
	[sflag:s13] =	ssyncset.done $0x0  }
0x61: {  	s19 =	sshra.s32 s19, $0x2;
	[sflag:s13] =	ssyncadd.s32 $0xFFFFFF80  }
0x62: {  	[spmem:s2] =	stream.indirect.scatter.add.f32 [tilespmem:s16], [sflag:$0x1], $0x1, s19, s15, $0xb8;
	[tilespmem:$0x5A80] =	vst v63  }
0x63: {  	_ =	swait.ge [sflag:s13], $0x80  }
0x64: {  	[sflag:s13] =	ssyncset.done $0x0  }
0x65: {  	s19 =	sadd.s32 $0x2800, s19;
	[sflag:s13] =	ssyncadd.s32 $0xFFFFFF80  }
0x66: {  	[spmem:s3] =	stream.indirect.scatter.add.f32 [tilespmem:s16], [sflag:$0x1], $0x1, s19, s15, $0xb8;
	[tilespmem:$0x5A80] =	vst v63  }
0x67: {  	_ =	swait.ge [sflag:s13], $0x80  }
0x68: {  	[sflag:s13] =	ssyncset.done $0x0  }
0x69: {  	[sflag:s13] =	ssyncadd.s32 $0xFFFFFF80  }
0x6a: {  	[bflag:$0x0] =	sbarrier.arrive $0xFFFF  }
0x6b: {  	[tilespmem:s17], [sflag:$0x1] =	stream.linear.gather [spmem:s5], $0x280, $0x38;
	[tilespmem:$0x5A80] =	vst v63  }
0x6c: {  	_ =	swait.ge [sflag:s13], $0x280  }
0x6d: {  	[sflag:s13] =	ssyncset.done $0x0  }
0x6e: {  	[sflag:s13] =	ssyncadd.s32 $0xFFFFFD80  }
0x6f: {  	[hbm4b:s9+s4] =	stream.linear.scatter [tilespmem:s17], [sflag:$0x1], $0x280, $0x38;
	[tilespmem:$0x5A80] =	vst v63  }
0x70: {  	_ =	swait.ge [sflag:s13], $0x280  }
0x71: {  	[sflag:s13] =	ssyncset.done $0x0  }
0x72: {  	[sflag:s13] =	ssyncadd.s32 $0xFFFFFD80  }
0x73: {  	[tilespmem:s17], [sflag:$0x1] =	stream.linear.gather [spmem:s6], $0x280, $0x38;
	[tilespmem:$0x5A80] =	vst v63  }
0x74: {  	s18 =	sadd.s32 $0x1, s18;
	_ =	swait.ge [sflag:s13], $0x280  }
0x75: {  	p0 =	sne.s32 s18, s11;
	[sflag:s13] =	ssyncset.done $0x0  }
.Ltmp1:
0x76: {  	[sflag:s13] =	ssyncadd.s32 $0xFFFFFD80;
	(pc) =	sbr.rel @p0 .LBB2_1-.Ltmp1, $4  }
0x77: {  	[hbm4b:s10+s4] =	stream.linear.scatter [tilespmem:s17], [sflag:$0x1], $0x280, $0x38;
	[tilespmem:$0x5A80] =	vst v63  }
0x78: {  	_ =	swait.ge [sflag:s13], $0x280  }
0x79: {  	[sflag:s13] =	ssyncset.done $0x0  }
0x7a: {  	[sflag:s13] =	ssyncadd.s32 $0xFFFFFD80  }
0x7b: {  	_ =	sfence.sel $0x180000  }
0x7c: {  	[bflag:$0x0] =	sbarrier.arrive $0xFFFF  }
0x7d: {  	p0 =	sne.s32 s1, $0x0;
	_ =	strace $0x90000047  }
0x7e: {  	s0 =	sadd.s32 @!p0 $0x100000, s0;
	[bflag:$0x2] =	sbarrier.arrive $0xFFFF  }
0x7f: {  	[sflag:s0] =	ssyncadd.tile.s32 @!p0 $0x1;
	_ =	shalt  }
.Lfunc_end2:
_tile_overlayer_lowered:
.L_overlay_start_2:
0x80: {  	(tag) =	ssettag $0x2  }
0x81: {  	s0 =	rddreg [dreg:$0x0];
	s2 =	stileid.u32  }
0x82: {  	s1 =	rddreg [dreg:$0x1];
	p0 =	sne.s32 s2, $0x0  }
0x83: {  	s3 =	rddreg [dreg:$0x2];
	[bflag:$0x3] =	sbarrier.arrive $0xFFFF;
	s2 =	simm.s32 @!p0 $0x1C01  }
0x84: {  	[timem:s3], [sflag:s2] =	dma.local @!p0 [hbm:s0], s1  }
0x85: {  	s0 =	simm.s32 @!p0 $0x1  }
0x86: {  	_ =	swait.ge @!p0 [sflag:s0], s1  }
0x87: {  	s1 =	ssub.s32 @!p0 $0x0, s1;
	[sflag:s0] =	ssyncset.done @!p0 $0x0  }
0x88: {  	[sflag:s0] =	ssyncadd.s32 @!p0 s1  }
0x89: {  	[bflag:$0x3] =	sbarrier.arrive $0xFFFF  }
0x8a: {  	_ =	shalt  }

// kernel: kernel.13.cloned.1.call-start
scs
__scs_entry_jumppad:
0x0: {  	(pc) =	sbr.rel $0x88, $3  }
0x1: {  	(tag) =	ssettag $0x0;
	lr =	simm.s32 $0x1  }
0x2: {  	[smem:$0x3F99] =	sst lr;
	_ =	strace $0xD0000000  }
0x3: {  	_ = 	snop  }
0x4: {  	_ = 	snop  }
0x5: {  	_ = 	snop  }
0x6: {  	_ = 	snop  }
0x7: {  	_ = 	snop  }
__scs_overlays_trampoline_lowered:
0x8: {  	[smem:$0x3FA8] =	sst s0  }
0x9: {  	[smem:$0x3FA9] =	sst s1  }
0xa: {  	[smem:$0x3FAA] =	sst s2  }
0xb: {  	[smem:$0x3FAB] =	sst s3  }
0xc: {  	[smem:$0x3FAC] =	sst s4  }
0xd: {  	[smem:$0x3FAD] =	sst s5  }
0xe: {  	[smem:$0x3FAE] =	sst s6  }
0xf: {  	[smem:$0x3FAF] =	sst s7  }
0x10: {  	[smem:$0x3FB0] =	sst s8  }
0x11: {  	[smem:$0x3FB1] =	sst s9;
	s0 =	simm.s32 @!p0 $0x0  }
0x12: {  	s1 =	sld [smem:$0x3F97];
	s0 =	simm.s32 @p0 $0x1  }
0x13: {  	[smem:$0x3FB2] =	sst s0;
	s0 =	simm.s32 @!p1 $0x0  }
0x14: {  	s2 =	sld [smem:$0x3F96];
	s0 =	simm.s32 @p1 $0x1  }
0x15: {  	[smem:$0x3FB3] =	sst s0;
	s0 =	simm.s32 @!p2 $0x0  }
0x16: {  	s3 =	sld [smem:$0x3FDB];
	s0 =	simm.s32 @p2 $0x1  }
0x17: {  	s4 =	simm.s32 $0x1BF5;
	[smem:$0x3FB5] =	sst s0  }
0x18: {  	s0 =	sld [smem:$0x3F98];
	_ =	swait.ge [sflag:s4], $0x0  }
0x19: {  	s7 =	sld [smem:$0x3F99]  }
0x1a: {  	s8 =	sadd.s32 $0xFFFFE003, lr  }
0x1b: {  	s9 =	sadd.s32 $0xFFFFFEF7, lr;
	s5 =	simm.s32 $0xFFFFFFFF;
	p2 =	slt.u32 s8, $0xFFFFF086  }
0x1c: {  	p1 =	slt.u32 s9, $0xF7A;
	s5 =	simm.s32 @!p2 $0x0  }
0x1d: {  	s5 =	simm.s32 @p1 $0x1;
	p0 =	seq.s32 s7, s2  }
0x1e: {  	s7 =	smul.u32 @!p0 $0xF7A, s2;
	p2 =	seq.s32 @!p0 s5, $0x0  }
0x1f: {  	s9 =	smul.u32 $0xF7A, s1;
	s8 =	simm.s32 @!p0 $0x1BF5;
	p2 =	por !p2, p0  }
0x20: {  	[sflag:s8] =	ssyncset.s32 @!p0 $0xFFFFF086;
	s6 =	sadd.s32 @!p0 s3, s7;
	s7 =	simm.s32 @!p0 $0x108  }
0x21: {  	s3 =	sadd.s32 s3, s9;
	s6 =	sadd.s32 @!p0 $0x88, s6;
	s7 =	simm.s32 @p2 $0x1082  }
0x22: {  	[simem:s7], [sflag:s8] =	dma.local @!p0 [hbm:s6], $0xF7A  }
0x23: {  	s9 =	sor.u32 $0xD0000000, s2;
	s6 =	simm.s32 $0x108;
	_ =	swait.ge @!p0 [sflag:s8], $0x0  }
0x24: {  	s3 =	sadd.s32 $0x88, s3;
	s6 =	simm.s32 @!p1 $0x1082;
	[sflag:s4] =	ssyncset.s32 $0xFFFFF086  }
0x25: {  	[simem:s6], [sflag:s4] =	dma.local [hbm:s3], $0xF7A  }
0x26: {  	[smem:$0x3F99] =	sst s1;
	(tag) =	ssettag s2;
	_ =	strace s9  }
0x27: {  	s1 =	sld [smem:$0x3FA9]  }
0x28: {  	s2 =	sld [smem:$0x3FAA]  }
0x29: {  	s4 =	sld [smem:$0x3FAC]  }
0x2a: {  	p0 =	seq.s32 s5, $0x0;
	s5 =	sld [smem:$0x3FAD]  }
0x2b: {  	s6 =	sld [smem:$0x3FAE]  }
0x2c: {  	s7 =	sld [smem:$0x3FAF]  }
0x2d: {  	s3 =	simm.s32 $0x108;
	s8 =	sld [smem:$0x3FB0]  }
0x2e: {  	s3 =	simm.s32 @!p0 $0x1082;
	s9 =	sld [smem:$0x3FB1]  }
0x2f: {  	lr =	sadd.s32 s0, s3;
	s0 =	sld [smem:$0x3FA8]  }
0x30: {  	s3 =	sld [smem:$0x3FAB]  }
0x31: {  	[smem:$0x3FB4] =	sst s10  }
0x32: {  	s10 =	sld [smem:$0x3FB2];
	_ =	sdelay $0x3  }
0x33: {  	p0 =	seq.s32 s10, $0x1;
	s10 =	sld [smem:$0x3FB4];
	_ =	sdelay $0x3  }
0x34: {  	[smem:$0x3FB4] =	sst s10  }
0x35: {  	s10 =	sld [smem:$0x3FB3];
	_ =	sdelay $0x3  }
0x36: {  	p1 =	seq.s32 s10, $0x1;
	s10 =	sld [smem:$0x3FB4];
	_ =	sdelay $0x3  }
0x37: {  	[smem:$0x3FB4] =	sst s10  }
0x38: {  	s10 =	sld [smem:$0x3FB5]  }
0x39: {  	_ = 	snop;
	(pc) =	sbr.ind lr, $3  }
0x3a: {  	_ = 	snop  }
0x3b: {  	_ = 	snop  }
0x3c: {  	p2 =	seq.s32 s10, $0x1;
	s10 =	sld [smem:$0x3FB4]  }
0x3d: {  	_ =	shalt  }
0x3e: {  	_ =	shalt  }
0x3f: {  	_ =	shalt  }
0x40: {  	_ =	shalt  }
0x41: {  	_ =	shalt  }
0x42: {  	_ =	shalt  }
0x43: {  	_ =	shalt  }
0x44: {  	_ =	shalt  }
0x45: {  	_ =	shalt  }
0x46: {  	_ =	shalt  }
0x47: {  	_ =	shalt  }
0x48: {  	_ =	shalt  }
0x49: {  	_ =	shalt  }
0x4a: {  	_ =	shalt  }
0x4b: {  	_ =	shalt  }
0x4c: {  	_ =	shalt  }
0x4d: {  	_ =	shalt  }
0x4e: {  	_ =	shalt  }
0x4f: {  	_ =	shalt  }
0x50: {  	_ =	shalt  }
0x51: {  	_ =	shalt  }
0x52: {  	_ =	shalt  }
0x53: {  	_ =	shalt  }
0x54: {  	_ =	shalt  }
0x55: {  	_ =	shalt  }
0x56: {  	_ =	shalt  }
0x57: {  	_ =	shalt  }
0x58: {  	_ =	shalt  }
0x59: {  	_ =	shalt  }
0x5a: {  	_ =	shalt  }
0x5b: {  	_ =	shalt  }
0x5c: {  	_ =	shalt  }
0x5d: {  	_ =	shalt  }
0x5e: {  	_ =	shalt  }
0x5f: {  	_ =	shalt  }
0x60: {  	_ =	shalt  }
0x61: {  	_ =	shalt  }
0x62: {  	_ =	shalt  }
0x63: {  	_ =	shalt  }
0x64: {  	_ =	shalt  }
0x65: {  	_ =	shalt  }
0x66: {  	_ =	shalt  }
0x67: {  	_ =	shalt  }
0x68: {  	_ =	shalt  }
0x69: {  	_ =	shalt  }
0x6a: {  	_ =	shalt  }
0x6b: {  	_ =	shalt  }
0x6c: {  	_ =	shalt  }
0x6d: {  	_ =	shalt  }
0x6e: {  	_ =	shalt  }
0x6f: {  	_ =	shalt  }
0x70: {  	_ =	shalt  }
0x71: {  	_ =	shalt  }
0x72: {  	_ =	shalt  }
0x73: {  	_ =	shalt  }
0x74: {  	_ =	shalt  }
0x75: {  	_ =	shalt  }
0x76: {  	_ =	shalt  }
0x77: {  	_ =	shalt  }
0x78: {  	_ =	shalt  }
0x79: {  	_ =	shalt  }
0x7a: {  	_ =	shalt  }
0x7b: {  	_ =	shalt  }
0x7c: {  	_ =	shalt  }
0x7d: {  	_ =	shalt  }
0x7e: {  	_ =	shalt  }
0x7f: {  	_ =	shalt  }
0x80: {  	_ =	shalt  }
0x81: {  	_ =	shalt  }
0x82: {  	_ =	shalt  }
0x83: {  	_ =	shalt  }
0x84: {  	_ =	shalt  }
0x85: {  	_ =	shalt  }
0x86: {  	_ =	shalt  }
0x87: {  	_ =	shalt  }
.Lfunc_end0:
.L_simem_size_0:
called_computation.1_lowered:
.L_overlay_start_0:
0x88: {  	s2 =	sld [smem:$0x3FD9]  }
0x89: {  	s3 =	sld [smem:$0x3FFE];
	_ =	sdelay $0x1  }
0x8a: {  	s1 =	srdreg.scid  }
0x8b: {  	s0 =	sand.u32 $0x1, s1  }
0x8c: {  	s16 =	sshll.u32 s0, $0xA;
	s2 =	sadd.s32 s3, s2  }
0x8d: {  	s2 =	sadd.s32 s2, s16  }
0x8e: {  	[smem:$0x3FC0] =	sst s2  }
0x8f: {  	_ = 	snop  }
0x90: {  	(tm) =	ssettm $0x1  }
0x91: {  	s17 =	sld [smem:$0x3FFB];
	_ =	sdelay $0x3  }
0x92: {  	_ =	strace s17  }
0x93: {  	s2 =	sld [smem:$0x3FFC];
	_ =	sdelay $0x3  }
0x94: {  	_ =	strace s2  }
0x95: {  	s2 =	sld [smem:$0x3FFD];
	_ =	sdelay $0x3  }
0x96: {  	_ =	strace s2  }
0x97: {  	_ =	strace $0x8FFFFFFF  }
0x98: {  	s18 =	sld [smem:$0x3FDB];
	_ =	sdelay $0x1  }
0x99: {  	s19 =	simm.s32 $_scs_section_size  }
0x9a: {  	s4 =	simm.s32 $_size__tile_overlayer_lowered;
	s5 =	simm.s32 $_tile_overlayer_lowered  }
0x9b: {  	s22 =	simm.s32 $0x1BFF;
	s21 =	sshll.u32 s5, $0x1;
	s2 =	sadd.s32 s19, s18  }
0x9c: {  	s6 =	simm.s32 $0x0;
	s20 =	sshll.u32 s4, $0x1;
	s4 =	sadd.s32 s21, s2  }
0x9d: {  	[timem:s6], [sflag:s22] =	dma.local [hbm:s4], s20  }
0x9e: {  	_ =	swait.ge [sflag:s22], s20  }
0x9f: {  	s3 =	ssub.s32 $0x0, s20;
	[sflag:s22] =	ssyncset.done $0x0  }
0xa0: {  	[sflag:s22] =	ssyncadd.s32 s3;
	_ =	sdelay $0x1  }
0xa1: {  	s23 =	simm.s32 $0x1B8B  }
0xa2: {  	_ =	swait.ge [sflag:s23], $0x1  }
0xa3: {  	[sflag:s23] =	ssyncset.done $0x0  }
0xa4: {  	s25 =	simm.s32 $0x1B8E;
	s24 =	sld [smem:$0x3FFE];
	[sflag:s23] =	ssyncadd.s32 $0xFFFFFFFF  }
0xa5: {  	s26 =	simm.s32 $execute0_lowered;
	[smem:$0x3FD2] =	sst s25  }
0xa6: {  	s4 =	sshll.u32 s26, $0x1;
	_ =	strace $0x80000049;
	[dreg:$0x1] =	wrdreg $0xFFFFFFFF  }
0xa7: {  	s28 =	simm.s32 $_size_execute0_lowered;
	s2 =	sadd.s32 s2, s4;
	[dreg:$0x0] =	wrdreg $0x0  }
0xa8: {  	s4 =	sshll.u32 s28, $0x1;
	[dreg:$0x2] =	wrdreg s2  }
0xa9: {  	[dreg:$0x3] =	wrdreg s4  }
0xaa: {  	[dreg:$0x4] =	wrdreg $0xC0  }
0xab: {  	_ =	task [dreg:s6], $0x5FFFF  }
0xac: {  	[dreg:$0x1] =	wrdreg $0xFFFFFFFF  }
0xad: {  	[dreg:$0x0] =	wrdreg $0x60  }
0xae: {  	[dreg:$0x2] =	wrdreg s24  }
0xaf: {  	[dreg:$0x3] =	wrdreg $0x114000  }
0xb0: {  	[dreg:$0x4] =	wrdreg $0x74000  }
0xb1: {  	[dreg:$0x5] =	wrdreg $0x9  }
0xb2: {  	_ =	task.clear_ibuf [dreg:s6], $0x6FFFF;
	_ =	strace $0x90000049  }
0xb3: {  	s29 =	simm.s32 $0x9;
	_ =	strace $0x8000004B  }
0xb4: {  	_ =	swait.ge [sflag:s29], $0x1  }
0xb5: {  	[sflag:s29] =	ssyncadd.s32 $0xFFFFFFFF  }
0xb6: {  	_ =	strace $0x9000004B  }
0xb7: {  	_ =	sfence  }
0xb8: {  	s30 =	sld [smem:$0x0];
	_ =	sdelay $0x2  }
0xb9: {  	s31 =	sshll.u32 s1, $0xD;
	s1 =	sshrl.u32 s1, $0x2  }
0xba: {  	s3 =	sand.u32 $0x4000, s31;
	s1 =	sadd.s32 s1, s30  }
0xbb: {  	s0 =	sor.u32 s3, s0;
	s1 =	sshll.u32 s1, $0x11  }
0xbc: {  	s0 =	sor.u32 s1, s0  }
0xbd: {  	s0 =	sadd.s32 $0x8F2B, s0  }
0xbe: {  	[sflag:s0] =	ssyncadd.remote.s32 $0x1  }
0xbf: {  	_ =	sfence.sel $0xFFFF  }
0xc0: {  	[dreg:$0x0] =	wrdreg $0xFFFFFFFF;
	(pc) =	sbr.abs _section_cstart, $3  }
0xc1: {  	[dreg:$0x1] =	wrdreg $0xFFFFFFFF  }
0xc2: {  	_ =	task.clear_ibuf [dreg:s6], $0x2FFFF;
	_ =	strace $0x9FFFFFFF  }
0xc3: {  	(tm) =	ssettm $0x7FFFFFFF  }
tec
execute0_lowered:
.L_overlay_start_1:
0x0: {  	(tag) =	ssettag $0x1  }
0x1: {  	s0 =	srdreg.scid;
	s23 =	stileid.u32  }
0x2: {  	s3 =	rddreg [dreg:$0x0];
	s0 =	sand.u32 $0x1, s0;
	s1 =	sshll.u32 s23, $0x1  }
0x3: {  	s4 =	sadd.s32 $0x53200, s3;
	s5 =	sadd.s32 $0x3F200, s3;
	s8 =	smul.u32 $0xA000, s23  }
0x4: {  	s2 =	sor.u32 s0, s1;
	s6 =	ssub.s32 $0x2, s0;
	s0 =	smul.u32 $0xA0000, s0  }
0x5: {  	s9 =	sadd.s32 $0x8F200, s3;
	s1 =	simm.s32 $0x0;
	s2 =	smul.u32 $0x2800, s2  }
0x6: {  	[smem:$0x7FF] =	sst s1;
	s7 =	sshrl.u32 s6, $0x1;
	s16 =	sshrl.u32 s8, $0x3  }
0x7: {  	s10 =	sadd.s32 $0x2000, s8;
	s12 =	sadd.s32 $0x4000, s8;
	s14 =	sadd.s32 $0x6000, s8  }
0x8: {  	s6 =	ssub.s32 s6, s7;
	s20 =	sadd.s32 s4, s16;
	s11 =	sshrl.u32 s10, $0x3  }
0x9: {  	s13 =	sshrl.u32 s12, $0x3;
	s15 =	sshrl.u32 s14, $0x3;
	s7 =	sadd.s32 $0x8000, s8  }
0xa: {  	s18 =	sadd.s32 s0, s8;
	s25 =	sadd.s32 s0, s10;
	s26 =	sadd.s32 s0, s12  }
0xb: {  	s16 =	sadd.s32 s5, s16;
	s2 =	sshrl.u32 s2, $0x3;
	[dreg:$0x4] =	wrdreg s20  }
0xc: {  	s21 =	sadd.s32 s4, s11;
	s22 =	sadd.s32 s4, s13;
	[dreg:$0x9] =	wrdreg s16  }
0xd: {  	s17 =	sadd.s32 s4, s15;
	s24 =	sshrl.u32 s7, $0x3;
	[dreg:$0x5] =	wrdreg s21  }
0xe: {  	s20 =	sshrl.u32 s25, $0x3;
	s11 =	sadd.s32 s5, s11;
	[dreg:$0x6] =	wrdreg s22  }
0xf: {  	s16 =	sadd.s32 s5, s13;
	s19 =	sadd.s32 s5, s15;
	[dreg:$0x7] =	wrdreg s17  }
0x10: {  	s29 =	smax.u32 s6, $0x1;
	s2 =	sadd.s32 s2, s3;
	[dreg:$0xa] =	wrdreg s11  }
0x11: {  	s3 =	sadd.s32 $0x67200, s3;
	s4 =	sadd.s32 s4, s24;
	[dreg:$0xb] =	wrdreg s16  }
0x12: {  	[dreg:$0xc] =	wrdreg s19;
	s5 =	sadd.s32 s5, s24;
	s21 =	sadd.s32 s0, s14  }
0x13: {  	s0 =	sadd.s32 s0, s7;
	s22 =	sshrl.u32 s26, $0x3;
	[dreg:$0x8] =	wrdreg s4  }
0x14: {  	s25 =	sadd.s32 s9, s20;
	s16 =	smul.u32 $0x28000, s23;
	[dreg:$0xd] =	wrdreg s5  }
0x15: {  	s11 =	simm.s32 $0x80;
	s4 =	sshrl.u32 s18, $0x3;
	[dreg:$0xf] =	wrdreg s25  }
0x16: {  	s5 =	sshrl.u32 s21, $0x3;
	s0 =	sshrl.u32 s0, $0x3;
	s18 =	rddreg [dreg:$0x1]  }
0x17: {  	s26 =	sadd.s32 s9, s22;
	s20 =	sadd.s32 s3, s20;
	s21 =	rddreg [dreg:$0x2]  }
0x18: {  	s22 =	sadd.s32 s3, s22;
	s25 =	sadd.s32 $0x2C00, s2;
	s24 =	sadd.s32 s9, s4  }
0x19: {  	[dreg:$0x10] =	wrdreg s26;
	s15 =	sadd.s32 s9, s5;
	s9 =	sadd.s32 s9, s0  }
0x1a: {  	s19 =	sadd.s32 s3, s4;
	s23 =	sadd.s32 s3, s5;
	s26 =	sadd.s32 $0xCC00, s2  }
0x1b: {  	s17 =	sshrl.u32 s16, $0x2;
	s30 =	sadd.s32 s8, s18;
	s31 =	sadd.s32 s8, s21  }
0x1c: {  	s16 =	sadd.s32 s10, s21;
	s2 =	sadd.s32 s12, s21;
	s4 =	sadd.s32 s14, s21  }
0x1d: {  	s5 =	sadd.s32 s14, s18;
	s6 =	sadd.s32 s7, s21;
	[dreg:$0xe] =	wrdreg s24  }
0x1e: {  	s7 =	sadd.s32 s7, s18;
	s8 =	simm.s32 $0x1;
	[dreg:$0x11] =	wrdreg s15  }
0x1f: {  	[dreg:$0x12] =	wrdreg s9;
	s24 =	sadd.s32 s3, s0;
	s28 =	sadd.s32 s17, s18  }
0x20: {  	s0 =	sadd.s32 s10, s18;
	s3 =	sadd.s32 s12, s18;
	s9 =	simm.s32 $0x7000  }
0x21: {  	v0 =	vimm.f32 $0.0e+00;
	s10 =	simm.s32 $0x5000;
	s12 =	simm.s32 $0x0;
	_ =	strace $0x8000004A  }
.LBB2_1:
0x22: {  	[tilespmem:$0x7000] =	vst v0  }
0x23: {  	[tilespmem:$0x7010] =	vst v0  }
0x24: {  	[tilespmem:$0x7020] =	vst v0  }
0x25: {  	[tilespmem:$0x7030] =	vst v0  }
0x26: {  	[tilespmem:$0x7040] =	vst v0  }
0x27: {  	[tilespmem:$0x7050] =	vst v0  }
0x28: {  	[tilespmem:$0x7060] =	vst v0  }
0x29: {  	[tilespmem:$0x7070] =	vst v0  }
0x2a: {  	[tilespmem:$0x7080] =	vst v0  }
0x2b: {  	[tilespmem:$0x7090] =	vst v0  }
0x2c: {  	[tilespmem:$0x70A0] =	vst v0  }
0x2d: {  	[tilespmem:$0x70B0] =	vst v0  }
0x2e: {  	[tilespmem:$0x70C0] =	vst v0  }
0x2f: {  	[tilespmem:$0x70D0] =	vst v0  }
0x30: {  	[tilespmem:$0x70E0] =	vst v0  }
0x31: {  	[tilespmem:$0x70F0] =	vst v0  }
0x32: {  	[tilespmem:$0x7100] =	vst v0  }
0x33: {  	[tilespmem:$0x7110] =	vst v0  }
0x34: {  	[tilespmem:$0x7120] =	vst v0  }
0x35: {  	[tilespmem:$0x7130] =	vst v0  }
0x36: {  	[tilespmem:$0x7140] =	vst v0  }
0x37: {  	[tilespmem:$0x7150] =	vst v0  }
0x38: {  	[tilespmem:$0x7160] =	vst v0  }
0x39: {  	[tilespmem:$0x7170] =	vst v0  }
0x3a: {  	[tilespmem:$0x7180] =	vst v0  }
0x3b: {  	[tilespmem:$0x7190] =	vst v0  }
0x3c: {  	[tilespmem:$0x71A0] =	vst v0  }
0x3d: {  	[tilespmem:$0x71B0] =	vst v0  }
0x3e: {  	[tilespmem:$0x71C0] =	vst v0  }
0x3f: {  	[tilespmem:$0x71D0] =	vst v0  }
0x40: {  	[tilespmem:$0x71E0] =	vst v0  }
0x41: {  	[tilespmem:$0x71F0] =	vst v0  }
0x42: {  	[tilespmem:$0x7200] =	vst v0  }
0x43: {  	[tilespmem:$0x7210] =	vst v0  }
0x44: {  	[tilespmem:$0x7220] =	vst v0  }
0x45: {  	[tilespmem:$0x7230] =	vst v0  }
0x46: {  	[tilespmem:$0x7240] =	vst v0  }
0x47: {  	[tilespmem:$0x7250] =	vst v0  }
0x48: {  	[tilespmem:$0x7260] =	vst v0  }
0x49: {  	[tilespmem:$0x7270] =	vst v0  }
0x4a: {  	[tilespmem:$0x7280] =	vst v0  }
0x4b: {  	[tilespmem:$0x7290] =	vst v0  }
0x4c: {  	[tilespmem:$0x72A0] =	vst v0  }
0x4d: {  	[tilespmem:$0x72B0] =	vst v0  }
0x4e: {  	[tilespmem:$0x72C0] =	vst v0  }
0x4f: {  	[tilespmem:$0x72D0] =	vst v0  }
0x50: {  	[tilespmem:$0x72E0] =	vst v0  }
0x51: {  	[tilespmem:$0x72F0] =	vst v0  }
0x52: {  	[tilespmem:$0x7300] =	vst v0  }
0x53: {  	[tilespmem:$0x7310] =	vst v0  }
0x54: {  	[tilespmem:$0x7320] =	vst v0  }
0x55: {  	[tilespmem:$0x7330] =	vst v0  }
0x56: {  	[tilespmem:$0x7340] =	vst v0  }
0x57: {  	[tilespmem:$0x7350] =	vst v0  }
0x58: {  	[tilespmem:$0x7360] =	vst v0  }
0x59: {  	[tilespmem:$0x7370] =	vst v0  }
0x5a: {  	[tilespmem:$0x7380] =	vst v0  }
0x5b: {  	[tilespmem:$0x7390] =	vst v0  }
0x5c: {  	[tilespmem:$0x73A0] =	vst v0  }
0x5d: {  	[tilespmem:$0x73B0] =	vst v0  }
0x5e: {  	[tilespmem:$0x73C0] =	vst v0  }
0x5f: {  	[tilespmem:$0x73D0] =	vst v0  }
0x60: {  	[tilespmem:$0x73E0] =	vst v0  }
0x61: {  	[tilespmem:$0x73F0] =	vst v0  }
0x62: {  	[tilespmem:s1], [sflag:$0x1] =	stream.linear.gather [hbm4b:s25+s1], $0x2800, $0x38;
	[tilespmem:$0x1B400] =	vst v63  }
0x63: {  	_ =	swait.ge [sflag:s8], $0x2800  }
0x64: {  	[sflag:s8] =	ssyncset.done $0x0  }
0x65: {  	s13 =	simm.s32 $0x2800;
	[sflag:s8] =	ssyncadd.s32 $0xFFFFD800  }
0x66: {  	[tilespmem:s13], [sflag:$0x1] =	stream.linear.gather [hbm4b:s26+s1], $0x2800, $0x38;
	[tilespmem:$0x1B400] =	vst v63  }
0x67: {  	_ =	swait.ge [sflag:s8], $0x2800  }
0x68: {  	[sflag:s8] =	ssyncset.done $0x0  }
0x69: {  	s17 =	sadd.s32 $0x0, s28;
	[sflag:s8] =	ssyncadd.s32 $0xFFFFD800  }
0x6a: {  	[spmem:s17] =	stream.linear.scatter [tilespmem:s9], [sflag:$0x1], $0x400, $0x38;
	[tilespmem:$0x1B400] =	vst v63  }
0x6b: {  	s13 =	simm.s32 $0x1000;
	_ =	swait.ge [sflag:s8], $0x400  }
.LBB2_2:
0x6c: {  	s14 =	sshra.s32 s13, $0x2;
	[sflag:s8] =	ssyncset.done $0x0;
	p0 =	sne.s32 s13, $0x27000  }
.Ltmp0:
0x6d: {  	s14 =	sadd.s32 s14, s28;
	[sflag:s8] =	ssyncadd.s32 $0xFFFFFC00;
	(pc) =	sbr.rel @p0 .LBB2_2-.Ltmp0, $3  }
0x6e: {  	[spmem:s14] =	stream.linear.scatter [tilespmem:s9], [sflag:$0x1], $0x400, $0x38;
	[tilespmem:$0x1B400] =	vst v63  }
0x6f: {  	s13 =	sadd.s32 $0x1000, s13;
	_ =	sdelay $0x1  }
0x70: {  	_ =	swait.ge [sflag:s8], $0x400  }
0x71: {  	[sflag:s8] =	ssyncset.done $0x0  }
0x72: {  	s13 =	simm.s32 $0x0;
	s14 =	rddreg [dreg:$0x4];
	[sflag:s8] =	ssyncadd.s32 $0xFFFFFC00  }
0x73: {  	[tilespmem:s10], [sflag:$0x1] =	stream.linear.gather [hbm4b:s14+s13], $0x2000, $0x38;
	[tilespmem:$0x1B400] =	vst v63  }
0x74: {  	_ =	swait.ge [sflag:s8], $0x2000  }
0x75: {  	[sflag:s8] =	ssyncset.done $0x0  }
0x76: {  	[sflag:s8] =	ssyncadd.s32 $0xFFFFE000  }
0x77: {  	[spmem:s31] =	stream.linear.scatter [tilespmem:s10], [sflag:$0x1], $0x2000, $0x38;
	[tilespmem:$0x1B400] =	vst v63  }
0x78: {  	_ =	swait.ge [sflag:s8], $0x2000  }
0x79: {  	[sflag:s8] =	ssyncset.done $0x0  }
0x7a: {  	s15 =	rddreg [dreg:$0x5];
	[sflag:s8] =	ssyncadd.s32 $0xFFFFE000  }
0x7b: {  	[tilespmem:s10], [sflag:$0x1] =	stream.linear.gather [hbm4b:s15+s13], $0x2000, $0x38;
	[tilespmem:$0x1B400] =	vst v63  }
0x7c: {  	_ =	swait.ge [sflag:s8], $0x2000  }
0x7d: {  	[sflag:s8] =	ssyncset.done $0x0  }
0x7e: {  	[sflag:s8] =	ssyncadd.s32 $0xFFFFE000  }
0x7f: {  	[spmem:s16] =	stream.linear.scatter [tilespmem:s10], [sflag:$0x1], $0x2000, $0x38;
	[tilespmem:$0x1B400] =	vst v63  }
0x80: {  	_ =	swait.ge [sflag:s8], $0x2000  }
0x81: {  	[sflag:s8] =	ssyncset.done $0x0  }
0x82: {  	s17 =	rddreg [dreg:$0x6];
	[sflag:s8] =	ssyncadd.s32 $0xFFFFE000  }
0x83: {  	[tilespmem:s10], [sflag:$0x1] =	stream.linear.gather [hbm4b:s17+s13], $0x2000, $0x38;
	[tilespmem:$0x1B400] =	vst v63  }
0x84: {  	_ =	swait.ge [sflag:s8], $0x2000  }
0x85: {  	[sflag:s8] =	ssyncset.done $0x0  }
0x86: {  	[sflag:s8] =	ssyncadd.s32 $0xFFFFE000  }
0x87: {  	[spmem:s2] =	stream.linear.scatter [tilespmem:s10], [sflag:$0x1], $0x2000, $0x38;
	[tilespmem:$0x1B400] =	vst v63  }
0x88: {  	_ =	swait.ge [sflag:s8], $0x2000  }
0x89: {  	[sflag:s8] =	ssyncset.done $0x0  }
0x8a: {  	s15 =	rddreg [dreg:$0x7];
	[sflag:s8] =	ssyncadd.s32 $0xFFFFE000  }
0x8b: {  	[tilespmem:s10], [sflag:$0x1] =	stream.linear.gather [hbm4b:s15+s13], $0x2000, $0x38;
	[tilespmem:$0x1B400] =	vst v63  }
0x8c: {  	_ =	swait.ge [sflag:s8], $0x2000  }
0x8d: {  	[sflag:s8] =	ssyncset.done $0x0  }
0x8e: {  	[sflag:s8] =	ssyncadd.s32 $0xFFFFE000  }
0x8f: {  	[spmem:s4] =	stream.linear.scatter [tilespmem:s10], [sflag:$0x1], $0x2000, $0x38;
	[tilespmem:$0x1B400] =	vst v63  }
0x90: {  	_ =	swait.ge [sflag:s8], $0x2000  }
0x91: {  	[sflag:s8] =	ssyncset.done $0x0  }
0x92: {  	s17 =	rddreg [dreg:$0x8];
	[sflag:s8] =	ssyncadd.s32 $0xFFFFE000  }
0x93: {  	[tilespmem:s10], [sflag:$0x1] =	stream.linear.gather [hbm4b:s17+s13], $0x2000, $0x38;
	[tilespmem:$0x1B400] =	vst v63  }
0x94: {  	_ =	swait.ge [sflag:s8], $0x2000  }
0x95: {  	[sflag:s8] =	ssyncset.done $0x0  }
0x96: {  	[sflag:s8] =	ssyncadd.s32 $0xFFFFE000  }
0x97: {  	[spmem:s6] =	stream.linear.scatter [tilespmem:s10], [sflag:$0x1], $0x2000, $0x38;
	[tilespmem:$0x1B400] =	vst v63  }
0x98: {  	_ =	swait.ge [sflag:s8], $0x2000  }
0x99: {  	[sflag:s8] =	ssyncset.done $0x0  }
0x9a: {  	[sflag:s8] =	ssyncadd.s32 $0xFFFFE000  }
0x9b: {  	s15 =	simm.s32 $0x0;
	[bflag:$0x0] =	sbarrier.arrive $0xFFFF  }
0x9c: {  	[tilespmem:s10], [sflag:$0x1] =	stream.indirect.gather [spmem:s21], $0x40, s15, s11, $0xb8;
	[tilespmem:$0x1B400] =	vst v63  }
0x9d: {  	_ =	swait.ge [sflag:s8], $0x2000  }
0x9e: {  	[sflag:s8] =	ssyncset.done $0x0  }
0x9f: {  	s17 =	simm.s32 $0x2800;
	[sflag:s8] =	ssyncadd.s32 $0xFFFFE000  }
0xa0: {  	[spmem:s18] =	stream.indirect.scatter.add.f32 [tilespmem:s10], [sflag:$0x1], $0x40, s17, s11, $0xb8;
	[tilespmem:$0x1B400] =	vst v63  }
0xa1: {  	_ =	swait.ge [sflag:s8], $0x2000  }
0xa2: {  	s14 =	simm.s32 $0x400;
	s13 =	simm.s32 $0x200;
	[sflag:s8] =	ssyncset.done $0x0  }
.LBB2_4:
0xa3: {  	s15 =	sshra.s32 s13, $0x2  }
0xa4: {  	[sflag:s8] =	ssyncadd.s32 $0xFFFFE000;
	s13 =	smov.u32 s14;
	s17 =	sadd.s32 $0x200, s14  }
0xa5: {  	[tilespmem:s10], [sflag:$0x1] =	stream.indirect.gather [spmem:s21], $0x40, s15, s11, $0xb8;
	[tilespmem:$0x1B400] =	vst v63  }
0xa6: {  	p0 =	sne.s32 s14, $0x9E00;
	_ =	swait.ge [sflag:s8], $0x2000  }
.Ltmp1:
0xa7: {  	[sflag:s8] =	ssyncset.done $0x0;
	(pc) =	sbr.rel @p0 .LBB2_4-.Ltmp1, $4  }
0xa8: {  	s14 =	sadd.s32 $0x2800, s15;
	[sflag:s8] =	ssyncadd.s32 $0xFFFFE000  }
0xa9: {  	[spmem:s18] =	stream.indirect.scatter.add.f32 [tilespmem:s10], [sflag:$0x1], $0x40, s14, s11, $0xb8;
	[tilespmem:$0x1B400] =	vst v63  }
0xaa: {  	_ =	swait.ge [sflag:s8], $0x2000  }
0xab: {  	s14 =	smov.u32 s17;
	[sflag:s8] =	ssyncset.done $0x0  }
0xac: {  	s13 =	sshra.s32 s13, $0x2;
	[sflag:s8] =	ssyncadd.s32 $0xFFFFE000  }
0xad: {  	[tilespmem:s10], [sflag:$0x1] =	stream.indirect.gather [spmem:s21], $0x40, s13, s11, $0xb8;
	[tilespmem:$0x1B400] =	vst v63  }
0xae: {  	_ =	swait.ge [sflag:s8], $0x2000  }
0xaf: {  	[sflag:s8] =	ssyncset.done $0x0  }
0xb0: {  	s13 =	sadd.s32 $0x2800, s13;
	[sflag:s8] =	ssyncadd.s32 $0xFFFFE000  }
0xb1: {  	[spmem:s18] =	stream.indirect.scatter.add.f32 [tilespmem:s10], [sflag:$0x1], $0x40, s13, s11, $0xb8;
	[tilespmem:$0x1B400] =	vst v63  }
0xb2: {  	_ =	swait.ge [sflag:s8], $0x2000  }
0xb3: {  	[sflag:s8] =	ssyncset.done $0x0  }
0xb4: {  	[sflag:s8] =	ssyncadd.s32 $0xFFFFE000  }
0xb5: {  	[bflag:$0x0] =	sbarrier.arrive $0xFFFF  }
0xb6: {  	[tilespmem:s10], [sflag:$0x1] =	stream.linear.gather [spmem:s30], $0x2000, $0x38;
	[tilespmem:$0x1B400] =	vst v63  }
0xb7: {  	_ =	swait.ge [sflag:s8], $0x2000  }
0xb8: {  	[sflag:s8] =	ssyncset.done $0x0  }
0xb9: {  	s13 =	simm.s32 $0x0;
	s14 =	rddreg [dreg:$0xe];
	[sflag:s8] =	ssyncadd.s32 $0xFFFFE000  }
0xba: {  	[hbm4b:s14+s13] =	stream.linear.scatter [tilespmem:s10], [sflag:$0x1], $0x2000, $0x38;
	[tilespmem:$0x1B400] =	vst v63  }
0xbb: {  	_ =	swait.ge [sflag:s8], $0x2000  }
0xbc: {  	[sflag:s8] =	ssyncset.done $0x0  }
0xbd: {  	[sflag:s8] =	ssyncadd.s32 $0xFFFFE000  }
0xbe: {  	[tilespmem:s10], [sflag:$0x1] =	stream.linear.gather [spmem:s0], $0x2000, $0x38;
	[tilespmem:$0x1B400] =	vst v63  }
0xbf: {  	_ =	swait.ge [sflag:s8], $0x2000  }
0xc0: {  	[sflag:s8] =	ssyncset.done $0x0  }
0xc1: {  	s17 =	rddreg [dreg:$0xf];
	[sflag:s8] =	ssyncadd.s32 $0xFFFFE000  }
0xc2: {  	[hbm4b:s17+s13] =	stream.linear.scatter [tilespmem:s10], [sflag:$0x1], $0x2000, $0x38;
	[tilespmem:$0x1B400] =	vst v63  }
0xc3: {  	_ =	swait.ge [sflag:s8], $0x2000  }
0xc4: {  	[sflag:s8] =	ssyncset.done $0x0  }
0xc5: {  	[sflag:s8] =	ssyncadd.s32 $0xFFFFE000  }
0xc6: {  	[tilespmem:s10], [sflag:$0x1] =	stream.linear.gather [spmem:s3], $0x2000, $0x38;
	[tilespmem:$0x1B400] =	vst v63  }
0xc7: {  	_ =	swait.ge [sflag:s8], $0x2000  }
0xc8: {  	[sflag:s8] =	ssyncset.done $0x0  }
0xc9: {  	s15 =	rddreg [dreg:$0x10];
	[sflag:s8] =	ssyncadd.s32 $0xFFFFE000  }
0xca: {  	[hbm4b:s15+s13] =	stream.linear.scatter [tilespmem:s10], [sflag:$0x1], $0x2000, $0x38;
	[tilespmem:$0x1B400] =	vst v63  }
0xcb: {  	_ =	swait.ge [sflag:s8], $0x2000  }
0xcc: {  	[sflag:s8] =	ssyncset.done $0x0  }
0xcd: {  	[sflag:s8] =	ssyncadd.s32 $0xFFFFE000  }
0xce: {  	[tilespmem:s10], [sflag:$0x1] =	stream.linear.gather [spmem:s5], $0x2000, $0x38;
	[tilespmem:$0x1B400] =	vst v63  }
0xcf: {  	_ =	swait.ge [sflag:s8], $0x2000  }
0xd0: {  	[sflag:s8] =	ssyncset.done $0x0  }
0xd1: {  	s17 =	rddreg [dreg:$0x11];
	[sflag:s8] =	ssyncadd.s32 $0xFFFFE000  }
0xd2: {  	[hbm4b:s17+s13] =	stream.linear.scatter [tilespmem:s10], [sflag:$0x1], $0x2000, $0x38;
	[tilespmem:$0x1B400] =	vst v63  }
0xd3: {  	_ =	swait.ge [sflag:s8], $0x2000  }
0xd4: {  	[sflag:s8] =	ssyncset.done $0x0  }
0xd5: {  	[sflag:s8] =	ssyncadd.s32 $0xFFFFE000  }
0xd6: {  	[tilespmem:s10], [sflag:$0x1] =	stream.linear.gather [spmem:s7], $0x2000, $0x38;
	[tilespmem:$0x1B400] =	vst v63  }
0xd7: {  	_ =	swait.ge [sflag:s8], $0x2000  }
0xd8: {  	[sflag:s8] =	ssyncset.done $0x0  }
0xd9: {  	s15 =	rddreg [dreg:$0x12];
	[sflag:s8] =	ssyncadd.s32 $0xFFFFE000  }
0xda: {  	[hbm4b:s15+s13] =	stream.linear.scatter [tilespmem:s10], [sflag:$0x1], $0x2000, $0x38;
	[tilespmem:$0x1B400] =	vst v63  }
0xdb: {  	_ =	swait.ge [sflag:s8], $0x2000  }
0xdc: {  	[sflag:s8] =	ssyncset.done $0x0  }
0xdd: {  	s17 =	sadd.s32 $0x0, s28;
	[sflag:s8] =	ssyncadd.s32 $0xFFFFE000  }
0xde: {  	[spmem:s17] =	stream.linear.scatter [tilespmem:s9], [sflag:$0x1], $0x400, $0x38;
	[tilespmem:$0x1B400] =	vst v63  }
0xdf: {  	s13 =	simm.s32 $0x1000;
	_ =	swait.ge [sflag:s8], $0x400  }
.LBB2_6:
0xe0: {  	s14 =	sshra.s32 s13, $0x2;
	[sflag:s8] =	ssyncset.done $0x0;
	p0 =	sne.s32 s13, $0x27000  }
.Ltmp2:
0xe1: {  	s14 =	sadd.s32 s14, s28;
	[sflag:s8] =	ssyncadd.s32 $0xFFFFFC00;
	(pc) =	sbr.rel @p0 .LBB2_6-.Ltmp2, $3  }
0xe2: {  	[spmem:s14] =	stream.linear.scatter [tilespmem:s9], [sflag:$0x1], $0x400, $0x38;
	[tilespmem:$0x1B400] =	vst v63  }
0xe3: {  	s13 =	sadd.s32 $0x1000, s13;
	_ =	sdelay $0x1  }
0xe4: {  	_ =	swait.ge [sflag:s8], $0x400  }
0xe5: {  	[sflag:s8] =	ssyncset.done $0x0  }
0xe6: {  	s13 =	simm.s32 $0x0;
	s14 =	rddreg [dreg:$0x9];
	[sflag:s8] =	ssyncadd.s32 $0xFFFFFC00  }
0xe7: {  	[tilespmem:s10], [sflag:$0x1] =	stream.linear.gather [hbm4b:s14+s13], $0x2000, $0x38;
	[tilespmem:$0x1B400] =	vst v63  }
0xe8: {  	_ =	swait.ge [sflag:s8], $0x2000  }
0xe9: {  	[sflag:s8] =	ssyncset.done $0x0  }
0xea: {  	[sflag:s8] =	ssyncadd.s32 $0xFFFFE000  }
0xeb: {  	[spmem:s31] =	stream.linear.scatter [tilespmem:s10], [sflag:$0x1], $0x2000, $0x38;
	[tilespmem:$0x1B400] =	vst v63  }
0xec: {  	_ =	swait.ge [sflag:s8], $0x2000  }
0xed: {  	[sflag:s8] =	ssyncset.done $0x0  }
0xee: {  	s15 =	rddreg [dreg:$0xa];
	[sflag:s8] =	ssyncadd.s32 $0xFFFFE000  }
0xef: {  	[tilespmem:s10], [sflag:$0x1] =	stream.linear.gather [hbm4b:s15+s13], $0x2000, $0x38;
	[tilespmem:$0x1B400] =	vst v63  }
0xf0: {  	_ =	swait.ge [sflag:s8], $0x2000  }
0xf1: {  	[sflag:s8] =	ssyncset.done $0x0  }
0xf2: {  	[sflag:s8] =	ssyncadd.s32 $0xFFFFE000  }
0xf3: {  	[spmem:s16] =	stream.linear.scatter [tilespmem:s10], [sflag:$0x1], $0x2000, $0x38;
	[tilespmem:$0x1B400] =	vst v63  }
0xf4: {  	_ =	swait.ge [sflag:s8], $0x2000  }
0xf5: {  	[sflag:s8] =	ssyncset.done $0x0  }
0xf6: {  	s17 =	rddreg [dreg:$0xb];
	[sflag:s8] =	ssyncadd.s32 $0xFFFFE000  }
0xf7: {  	[tilespmem:s10], [sflag:$0x1] =	stream.linear.gather [hbm4b:s17+s13], $0x2000, $0x38;
	[tilespmem:$0x1B400] =	vst v63  }
0xf8: {  	_ =	swait.ge [sflag:s8], $0x2000  }
0xf9: {  	[sflag:s8] =	ssyncset.done $0x0  }
0xfa: {  	[sflag:s8] =	ssyncadd.s32 $0xFFFFE000  }
0xfb: {  	[spmem:s2] =	stream.linear.scatter [tilespmem:s10], [sflag:$0x1], $0x2000, $0x38;
	[tilespmem:$0x1B400] =	vst v63  }
0xfc: {  	_ =	swait.ge [sflag:s8], $0x2000  }
0xfd: {  	[sflag:s8] =	ssyncset.done $0x0  }
0xfe: {  	s15 =	rddreg [dreg:$0xc];
	[sflag:s8] =	ssyncadd.s32 $0xFFFFE000  }
0xff: {  	[tilespmem:s10], [sflag:$0x1] =	stream.linear.gather [hbm4b:s15+s13], $0x2000, $0x38;
	[tilespmem:$0x1B400] =	vst v63  }
0x100: {  	_ =	swait.ge [sflag:s8], $0x2000  }
0x101: {  	[sflag:s8] =	ssyncset.done $0x0  }
0x102: {  	[sflag:s8] =	ssyncadd.s32 $0xFFFFE000  }
0x103: {  	[spmem:s4] =	stream.linear.scatter [tilespmem:s10], [sflag:$0x1], $0x2000, $0x38;
	[tilespmem:$0x1B400] =	vst v63  }
0x104: {  	_ =	swait.ge [sflag:s8], $0x2000  }
0x105: {  	[sflag:s8] =	ssyncset.done $0x0  }
0x106: {  	s17 =	rddreg [dreg:$0xd];
	[sflag:s8] =	ssyncadd.s32 $0xFFFFE000  }
0x107: {  	[tilespmem:s10], [sflag:$0x1] =	stream.linear.gather [hbm4b:s17+s13], $0x2000, $0x38;
	[tilespmem:$0x1B400] =	vst v63  }
0x108: {  	_ =	swait.ge [sflag:s8], $0x2000  }
0x109: {  	[sflag:s8] =	ssyncset.done $0x0  }
0x10a: {  	[sflag:s8] =	ssyncadd.s32 $0xFFFFE000  }
0x10b: {  	[spmem:s6] =	stream.linear.scatter [tilespmem:s10], [sflag:$0x1], $0x2000, $0x38;
	[tilespmem:$0x1B400] =	vst v63  }
0x10c: {  	_ =	swait.ge [sflag:s8], $0x2000  }
0x10d: {  	[sflag:s8] =	ssyncset.done $0x0  }
0x10e: {  	[sflag:s8] =	ssyncadd.s32 $0xFFFFE000  }
0x10f: {  	s15 =	simm.s32 $0x0;
	[bflag:$0x0] =	sbarrier.arrive $0xFFFF  }
0x110: {  	[tilespmem:s10], [sflag:$0x1] =	stream.indirect.gather [spmem:s21], $0x40, s15, s11, $0xb8;
	[tilespmem:$0x1B400] =	vst v63  }
0x111: {  	_ =	swait.ge [sflag:s8], $0x2000  }
0x112: {  	[sflag:s8] =	ssyncset.done $0x0  }
0x113: {  	s17 =	simm.s32 $0x2800;
	[sflag:s8] =	ssyncadd.s32 $0xFFFFE000  }
0x114: {  	[spmem:s18] =	stream.indirect.scatter.add.f32 [tilespmem:s10], [sflag:$0x1], $0x40, s17, s11, $0xb8;
	[tilespmem:$0x1B400] =	vst v63  }
0x115: {  	_ =	swait.ge [sflag:s8], $0x2000  }
0x116: {  	s14 =	simm.s32 $0x400;
	s13 =	simm.s32 $0x200;
	[sflag:s8] =	ssyncset.done $0x0  }
.LBB2_8:
0x117: {  	s15 =	sshra.s32 s13, $0x2  }
0x118: {  	[sflag:s8] =	ssyncadd.s32 $0xFFFFE000;
	s13 =	smov.u32 s14;
	s17 =	sadd.s32 $0x200, s14  }
0x119: {  	[tilespmem:s10], [sflag:$0x1] =	stream.indirect.gather [spmem:s21], $0x40, s15, s11, $0xb8;
	[tilespmem:$0x1B400] =	vst v63  }
0x11a: {  	p0 =	sne.s32 s14, $0x9E00;
	_ =	swait.ge [sflag:s8], $0x2000  }
.Ltmp3:
0x11b: {  	[sflag:s8] =	ssyncset.done $0x0;
	(pc) =	sbr.rel @p0 .LBB2_8-.Ltmp3, $4  }
0x11c: {  	s14 =	sadd.s32 $0x2800, s15;
	[sflag:s8] =	ssyncadd.s32 $0xFFFFE000  }
0x11d: {  	[spmem:s18] =	stream.indirect.scatter.add.f32 [tilespmem:s10], [sflag:$0x1], $0x40, s14, s11, $0xb8;
	[tilespmem:$0x1B400] =	vst v63  }
0x11e: {  	_ =	swait.ge [sflag:s8], $0x2000  }
0x11f: {  	s14 =	smov.u32 s17;
	[sflag:s8] =	ssyncset.done $0x0  }
0x120: {  	s13 =	sshra.s32 s13, $0x2;
	[sflag:s8] =	ssyncadd.s32 $0xFFFFE000  }
0x121: {  	[tilespmem:s10], [sflag:$0x1] =	stream.indirect.gather [spmem:s21], $0x40, s13, s11, $0xb8;
	[tilespmem:$0x1B400] =	vst v63  }
0x122: {  	_ =	swait.ge [sflag:s8], $0x2000  }
0x123: {  	[sflag:s8] =	ssyncset.done $0x0  }
0x124: {  	s13 =	sadd.s32 $0x2800, s13;
	[sflag:s8] =	ssyncadd.s32 $0xFFFFE000  }
0x125: {  	[spmem:s18] =	stream.indirect.scatter.add.f32 [tilespmem:s10], [sflag:$0x1], $0x40, s13, s11, $0xb8;
	[tilespmem:$0x1B400] =	vst v63  }
0x126: {  	_ =	swait.ge [sflag:s8], $0x2000  }
0x127: {  	[sflag:s8] =	ssyncset.done $0x0  }
0x128: {  	[sflag:s8] =	ssyncadd.s32 $0xFFFFE000  }
0x129: {  	[bflag:$0x0] =	sbarrier.arrive $0xFFFF  }
0x12a: {  	[tilespmem:s10], [sflag:$0x1] =	stream.linear.gather [spmem:s30], $0x2000, $0x38;
	[tilespmem:$0x1B400] =	vst v63  }
0x12b: {  	_ =	swait.ge [sflag:s8], $0x2000  }
0x12c: {  	[sflag:s8] =	ssyncset.done $0x0  }
0x12d: {  	[sflag:s8] =	ssyncadd.s32 $0xFFFFE000  }
0x12e: {  	[hbm4b:s19+s1] =	stream.linear.scatter [tilespmem:s10], [sflag:$0x1], $0x2000, $0x38;
	[tilespmem:$0x1B400] =	vst v63  }
0x12f: {  	_ =	swait.ge [sflag:s8], $0x2000  }
0x130: {  	[sflag:s8] =	ssyncset.done $0x0  }
0x131: {  	[sflag:s8] =	ssyncadd.s32 $0xFFFFE000  }
0x132: {  	[tilespmem:s10], [sflag:$0x1] =	stream.linear.gather [spmem:s0], $0x2000, $0x38;
	[tilespmem:$0x1B400] =	vst v63  }
0x133: {  	_ =	swait.ge [sflag:s8], $0x2000  }
0x134: {  	[sflag:s8] =	ssyncset.done $0x0  }
0x135: {  	[sflag:s8] =	ssyncadd.s32 $0xFFFFE000  }
0x136: {  	[hbm4b:s20+s1] =	stream.linear.scatter [tilespmem:s10], [sflag:$0x1], $0x2000, $0x38;
	[tilespmem:$0x1B400] =	vst v63  }
0x137: {  	_ =	swait.ge [sflag:s8], $0x2000  }
0x138: {  	[sflag:s8] =	ssyncset.done $0x0  }
0x139: {  	[sflag:s8] =	ssyncadd.s32 $0xFFFFE000  }
0x13a: {  	[tilespmem:s10], [sflag:$0x1] =	stream.linear.gather [spmem:s3], $0x2000, $0x38;
	[tilespmem:$0x1B400] =	vst v63  }
0x13b: {  	_ =	swait.ge [sflag:s8], $0x2000  }
0x13c: {  	[sflag:s8] =	ssyncset.done $0x0  }
0x13d: {  	[sflag:s8] =	ssyncadd.s32 $0xFFFFE000  }
0x13e: {  	[hbm4b:s22+s1] =	stream.linear.scatter [tilespmem:s10], [sflag:$0x1], $0x2000, $0x38;
	[tilespmem:$0x1B400] =	vst v63  }
0x13f: {  	_ =	swait.ge [sflag:s8], $0x2000  }
0x140: {  	[sflag:s8] =	ssyncset.done $0x0  }
0x141: {  	[sflag:s8] =	ssyncadd.s32 $0xFFFFE000  }
0x142: {  	[tilespmem:s10], [sflag:$0x1] =	stream.linear.gather [spmem:s5], $0x2000, $0x38;
	[tilespmem:$0x1B400] =	vst v63  }
0x143: {  	_ =	swait.ge [sflag:s8], $0x2000  }
0x144: {  	[sflag:s8] =	ssyncset.done $0x0  }
0x145: {  	[sflag:s8] =	ssyncadd.s32 $0xFFFFE000  }
0x146: {  	[hbm4b:s23+s1] =	stream.linear.scatter [tilespmem:s10], [sflag:$0x1], $0x2000, $0x38;
	[tilespmem:$0x1B400] =	vst v63  }
0x147: {  	_ =	swait.ge [sflag:s8], $0x2000  }
0x148: {  	[sflag:s8] =	ssyncset.done $0x0  }
0x149: {  	[sflag:s8] =	ssyncadd.s32 $0xFFFFE000  }
0x14a: {  	[tilespmem:s10], [sflag:$0x1] =	stream.linear.gather [spmem:s7], $0x2000, $0x38;
	[tilespmem:$0x1B400] =	vst v63  }
0x14b: {  	s12 =	sadd.s32 $0x1, s12;
	_ =	swait.ge [sflag:s8], $0x2000  }
0x14c: {  	p0 =	sne.s32 s12, s29;
	[sflag:s8] =	ssyncset.done $0x0  }
.Ltmp4:
0x14d: {  	[sflag:s8] =	ssyncadd.s32 $0xFFFFE000;
	(pc) =	sbr.rel @p0 .LBB2_1-.Ltmp4, $4  }
0x14e: {  	[hbm4b:s24+s1] =	stream.linear.scatter [tilespmem:s10], [sflag:$0x1], $0x2000, $0x38;
	[tilespmem:$0x1B400] =	vst v63  }
0x14f: {  	_ =	swait.ge [sflag:s8], $0x2000  }
0x150: {  	[sflag:s8] =	ssyncset.done $0x0  }
0x151: {  	[sflag:s8] =	ssyncadd.s32 $0xFFFFE000  }
0x152: {  	_ =	sfence.sel $0x180000  }
0x153: {  	[bflag:$0x0] =	sbarrier.arrive $0xFFFF  }
0x154: {  	_ =	strace $0x9000004A  }
0x155: {  	s0 =	stileid.u32;
	[bflag:$0x2] =	sbarrier.arrive $0xFFFF  }
0x156: {  	p0 =	sne.s32 s0, $0x0;
	s0 =	rddreg [dreg:$0x3]  }
0x157: {  	s0 =	sadd.s32 @!p0 $0x100000, s0  }
0x158: {  	[sflag:s0] =	ssyncadd.tile.s32 @!p0 $0x1;
	_ =	shalt  }
.Lfunc_end2:
_tile_overlayer_lowered:
.L_overlay_start_2:
0x159: {  	(tag) =	ssettag $0x2  }
0x15a: {  	s0 =	rddreg [dreg:$0x0];
	s2 =	stileid.u32  }
0x15b: {  	s1 =	rddreg [dreg:$0x1];
	p0 =	sne.s32 s2, $0x0  }
0x15c: {  	s3 =	rddreg [dreg:$0x2];
	[bflag:$0x3] =	sbarrier.arrive $0xFFFF;
	s2 =	simm.s32 @!p0 $0x1C01  }
0x15d: {  	[timem:s3], [sflag:s2] =	dma.local @!p0 [hbm:s0], s1  }
0x15e: {  	s0 =	simm.s32 @!p0 $0x1  }
0x15f: {  	_ =	swait.ge @!p0 [sflag:s0], s1  }
0x160: {  	s1 =	ssub.s32 @!p0 $0x0, s1;
	[sflag:s0] =	ssyncset.done @!p0 $0x0  }
0x161: {  	[sflag:s0] =	ssyncadd.s32 @!p0 s1  }
0x162: {  	[bflag:$0x3] =	sbarrier.arrive $0xFFFF  }
0x163: {  	_ =	shalt  }

// kernel: kernel.16.cloned.1.call-start
scs
__scs_entry_jumppad:
0x0: {  	(pc) =	sbr.rel $0x88, $3  }
0x1: {  	(tag) =	ssettag $0x0;
	lr =	simm.s32 $0x1  }
0x2: {  	[smem:$0x3F99] =	sst lr;
	_ =	strace $0xD0000000  }
0x3: {  	_ = 	snop  }
0x4: {  	_ = 	snop  }
0x5: {  	_ = 	snop  }
0x6: {  	_ = 	snop  }
0x7: {  	_ = 	snop  }
__scs_overlays_trampoline_lowered:
0x8: {  	[smem:$0x3FA8] =	sst s0  }
0x9: {  	[smem:$0x3FA9] =	sst s1  }
0xa: {  	[smem:$0x3FAA] =	sst s2  }
0xb: {  	[smem:$0x3FAB] =	sst s3  }
0xc: {  	[smem:$0x3FAC] =	sst s4  }
0xd: {  	[smem:$0x3FAD] =	sst s5  }
0xe: {  	[smem:$0x3FAE] =	sst s6  }
0xf: {  	[smem:$0x3FAF] =	sst s7  }
0x10: {  	[smem:$0x3FB0] =	sst s8  }
0x11: {  	[smem:$0x3FB1] =	sst s9;
	s0 =	simm.s32 @!p0 $0x0  }
0x12: {  	s1 =	sld [smem:$0x3F97];
	s0 =	simm.s32 @p0 $0x1  }
0x13: {  	[smem:$0x3FB2] =	sst s0;
	s0 =	simm.s32 @!p1 $0x0  }
0x14: {  	s2 =	sld [smem:$0x3F96];
	s0 =	simm.s32 @p1 $0x1  }
0x15: {  	[smem:$0x3FB3] =	sst s0;
	s0 =	simm.s32 @!p2 $0x0  }
0x16: {  	s3 =	sld [smem:$0x3FDB];
	s0 =	simm.s32 @p2 $0x1  }
0x17: {  	s4 =	simm.s32 $0x1BF5;
	[smem:$0x3FB5] =	sst s0  }
0x18: {  	s0 =	sld [smem:$0x3F98];
	_ =	swait.ge [sflag:s4], $0x0  }
0x19: {  	s7 =	sld [smem:$0x3F99]  }
0x1a: {  	s8 =	sadd.s32 $0xFFFFE003, lr  }
0x1b: {  	s9 =	sadd.s32 $0xFFFFFEF7, lr;
	s5 =	simm.s32 $0xFFFFFFFF;
	p2 =	slt.u32 s8, $0xFFFFF086  }
0x1c: {  	p1 =	slt.u32 s9, $0xF7A;
	s5 =	simm.s32 @!p2 $0x0  }
0x1d: {  	s5 =	simm.s32 @p1 $0x1;
	p0 =	seq.s32 s7, s2  }
0x1e: {  	s7 =	smul.u32 @!p0 $0xF7A, s2;
	p2 =	seq.s32 @!p0 s5, $0x0  }
0x1f: {  	s9 =	smul.u32 $0xF7A, s1;
	s8 =	simm.s32 @!p0 $0x1BF5;
	p2 =	por !p2, p0  }
0x20: {  	[sflag:s8] =	ssyncset.s32 @!p0 $0xFFFFF086;
	s6 =	sadd.s32 @!p0 s3, s7;
	s7 =	simm.s32 @!p0 $0x108  }
0x21: {  	s3 =	sadd.s32 s3, s9;
	s6 =	sadd.s32 @!p0 $0x88, s6;
	s7 =	simm.s32 @p2 $0x1082  }
0x22: {  	[simem:s7], [sflag:s8] =	dma.local @!p0 [hbm:s6], $0xF7A  }
0x23: {  	s9 =	sor.u32 $0xD0000000, s2;
	s6 =	simm.s32 $0x108;
	_ =	swait.ge @!p0 [sflag:s8], $0x0  }
0x24: {  	s3 =	sadd.s32 $0x88, s3;
	s6 =	simm.s32 @!p1 $0x1082;
	[sflag:s4] =	ssyncset.s32 $0xFFFFF086  }
0x25: {  	[simem:s6], [sflag:s4] =	dma.local [hbm:s3], $0xF7A  }
0x26: {  	[smem:$0x3F99] =	sst s1;
	(tag) =	ssettag s2;
	_ =	strace s9  }
0x27: {  	s1 =	sld [smem:$0x3FA9]  }
0x28: {  	s2 =	sld [smem:$0x3FAA]  }
0x29: {  	s4 =	sld [smem:$0x3FAC]  }
0x2a: {  	p0 =	seq.s32 s5, $0x0;
	s5 =	sld [smem:$0x3FAD]  }
0x2b: {  	s6 =	sld [smem:$0x3FAE]  }
0x2c: {  	s7 =	sld [smem:$0x3FAF]  }
0x2d: {  	s3 =	simm.s32 $0x108;
	s8 =	sld [smem:$0x3FB0]  }
0x2e: {  	s3 =	simm.s32 @!p0 $0x1082;
	s9 =	sld [smem:$0x3FB1]  }
0x2f: {  	lr =	sadd.s32 s0, s3;
	s0 =	sld [smem:$0x3FA8]  }
0x30: {  	s3 =	sld [smem:$0x3FAB]  }
0x31: {  	[smem:$0x3FB4] =	sst s10  }
0x32: {  	s10 =	sld [smem:$0x3FB2];
	_ =	sdelay $0x3  }
0x33: {  	p0 =	seq.s32 s10, $0x1;
	s10 =	sld [smem:$0x3FB4];
	_ =	sdelay $0x3  }
0x34: {  	[smem:$0x3FB4] =	sst s10  }
0x35: {  	s10 =	sld [smem:$0x3FB3];
	_ =	sdelay $0x3  }
0x36: {  	p1 =	seq.s32 s10, $0x1;
	s10 =	sld [smem:$0x3FB4];
	_ =	sdelay $0x3  }
0x37: {  	[smem:$0x3FB4] =	sst s10  }
0x38: {  	s10 =	sld [smem:$0x3FB5]  }
0x39: {  	_ = 	snop;
	(pc) =	sbr.ind lr, $3  }
0x3a: {  	_ = 	snop  }
0x3b: {  	_ = 	snop  }
0x3c: {  	p2 =	seq.s32 s10, $0x1;
	s10 =	sld [smem:$0x3FB4]  }
0x3d: {  	_ =	shalt  }
0x3e: {  	_ =	shalt  }
0x3f: {  	_ =	shalt  }
0x40: {  	_ =	shalt  }
0x41: {  	_ =	shalt  }
0x42: {  	_ =	shalt  }
0x43: {  	_ =	shalt  }
0x44: {  	_ =	shalt  }
0x45: {  	_ =	shalt  }
0x46: {  	_ =	shalt  }
0x47: {  	_ =	shalt  }
0x48: {  	_ =	shalt  }
0x49: {  	_ =	shalt  }
0x4a: {  	_ =	shalt  }
0x4b: {  	_ =	shalt  }
0x4c: {  	_ =	shalt  }
0x4d: {  	_ =	shalt  }
0x4e: {  	_ =	shalt  }
0x4f: {  	_ =	shalt  }
0x50: {  	_ =	shalt  }
0x51: {  	_ =	shalt  }
0x52: {  	_ =	shalt  }
0x53: {  	_ =	shalt  }
0x54: {  	_ =	shalt  }
0x55: {  	_ =	shalt  }
0x56: {  	_ =	shalt  }
0x57: {  	_ =	shalt  }
0x58: {  	_ =	shalt  }
0x59: {  	_ =	shalt  }
0x5a: {  	_ =	shalt  }
0x5b: {  	_ =	shalt  }
0x5c: {  	_ =	shalt  }
0x5d: {  	_ =	shalt  }
0x5e: {  	_ =	shalt  }
0x5f: {  	_ =	shalt  }
0x60: {  	_ =	shalt  }
0x61: {  	_ =	shalt  }
0x62: {  	_ =	shalt  }
0x63: {  	_ =	shalt  }
0x64: {  	_ =	shalt  }
0x65: {  	_ =	shalt  }
0x66: {  	_ =	shalt  }
0x67: {  	_ =	shalt  }
0x68: {  	_ =	shalt  }
0x69: {  	_ =	shalt  }
0x6a: {  	_ =	shalt  }
0x6b: {  	_ =	shalt  }
0x6c: {  	_ =	shalt  }
0x6d: {  	_ =	shalt  }
0x6e: {  	_ =	shalt  }
0x6f: {  	_ =	shalt  }
0x70: {  	_ =	shalt  }
0x71: {  	_ =	shalt  }
0x72: {  	_ =	shalt  }
0x73: {  	_ =	shalt  }
0x74: {  	_ =	shalt  }
0x75: {  	_ =	shalt  }
0x76: {  	_ =	shalt  }
0x77: {  	_ =	shalt  }
0x78: {  	_ =	shalt  }
0x79: {  	_ =	shalt  }
0x7a: {  	_ =	shalt  }
0x7b: {  	_ =	shalt  }
0x7c: {  	_ =	shalt  }
0x7d: {  	_ =	shalt  }
0x7e: {  	_ =	shalt  }
0x7f: {  	_ =	shalt  }
0x80: {  	_ =	shalt  }
0x81: {  	_ =	shalt  }
0x82: {  	_ =	shalt  }
0x83: {  	_ =	shalt  }
0x84: {  	_ =	shalt  }
0x85: {  	_ =	shalt  }
0x86: {  	_ =	shalt  }
0x87: {  	_ =	shalt  }
.Lfunc_end0:
.L_simem_size_0:
called_computation.2_lowered:
.L_overlay_start_0:
0x88: {  	s2 =	sld [smem:$0x3FD9]  }
0x89: {  	s3 =	sld [smem:$0x3FFE];
	_ =	sdelay $0x1  }
0x8a: {  	s1 =	srdreg.scid  }
0x8b: {  	s0 =	sand.u32 $0x1, s1  }
0x8c: {  	s16 =	sshll.u32 s0, $0xA;
	s2 =	sadd.s32 s3, s2  }
0x8d: {  	s2 =	sadd.s32 s2, s16  }
0x8e: {  	[smem:$0x3FC0] =	sst s2  }
0x8f: {  	_ = 	snop  }
0x90: {  	(tm) =	ssettm $0x1  }
0x91: {  	s17 =	sld [smem:$0x3FFB];
	_ =	sdelay $0x3  }
0x92: {  	_ =	strace s17  }
0x93: {  	s2 =	sld [smem:$0x3FFC];
	_ =	sdelay $0x3  }
0x94: {  	_ =	strace s2  }
0x95: {  	s2 =	sld [smem:$0x3FFD];
	_ =	sdelay $0x3  }
0x96: {  	_ =	strace s2  }
0x97: {  	_ =	strace $0x8FFFFFFF  }
0x98: {  	s18 =	sld [smem:$0x3FDB];
	_ =	sdelay $0x1  }
0x99: {  	s19 =	simm.s32 $_scs_section_size  }
0x9a: {  	s4 =	simm.s32 $_size__tile_overlayer_lowered;
	s5 =	simm.s32 $_tile_overlayer_lowered  }
0x9b: {  	s22 =	simm.s32 $0x1BFF;
	s21 =	sshll.u32 s5, $0x1;
	s2 =	sadd.s32 s19, s18  }
0x9c: {  	s6 =	simm.s32 $0x0;
	s20 =	sshll.u32 s4, $0x1;
	s4 =	sadd.s32 s21, s2  }
0x9d: {  	[timem:s6], [sflag:s22] =	dma.local [hbm:s4], s20  }
0x9e: {  	_ =	swait.ge [sflag:s22], s20  }
0x9f: {  	s3 =	ssub.s32 $0x0, s20;
	[sflag:s22] =	ssyncset.done $0x0  }
0xa0: {  	[sflag:s22] =	ssyncadd.s32 s3;
	_ =	sdelay $0x1  }
0xa1: {  	s23 =	simm.s32 $0x1B8B  }
0xa2: {  	_ =	swait.ge [sflag:s23], $0x1  }
0xa3: {  	[sflag:s23] =	ssyncset.done $0x0  }
0xa4: {  	s25 =	simm.s32 $0x1B8E;
	s24 =	sld [smem:$0x3FFE];
	[sflag:s23] =	ssyncadd.s32 $0xFFFFFFFF  }
0xa5: {  	s26 =	simm.s32 $execute0_lowered;
	[smem:$0x3FD2] =	sst s25  }
0xa6: {  	s4 =	sshll.u32 s26, $0x1;
	_ =	strace $0x8000004C;
	[dreg:$0x1] =	wrdreg $0xFFFFFFFF  }
0xa7: {  	s28 =	simm.s32 $_size_execute0_lowered;
	s2 =	sadd.s32 s2, s4;
	[dreg:$0x0] =	wrdreg $0x0  }
0xa8: {  	s4 =	sshll.u32 s28, $0x1;
	[dreg:$0x2] =	wrdreg s2  }
0xa9: {  	[dreg:$0x3] =	wrdreg s4  }
0xaa: {  	[dreg:$0x4] =	wrdreg $0xC0  }
0xab: {  	_ =	task [dreg:s6], $0x5FFFF  }
0xac: {  	[dreg:$0x1] =	wrdreg $0xFFFFFFFF  }
0xad: {  	[dreg:$0x0] =	wrdreg $0x60  }
0xae: {  	[dreg:$0x2] =	wrdreg s24  }
0xaf: {  	[dreg:$0x3] =	wrdreg $0x74000  }
0xb0: {  	[dreg:$0x4] =	wrdreg $0x114000  }
0xb1: {  	[dreg:$0x5] =	wrdreg $0x9  }
0xb2: {  	_ =	task.clear_ibuf [dreg:s6], $0x6FFFF;
	_ =	strace $0x9000004C  }
0xb3: {  	s29 =	simm.s32 $0x9;
	_ =	strace $0x8000004E  }
0xb4: {  	_ =	swait.ge [sflag:s29], $0x1  }
0xb5: {  	[sflag:s29] =	ssyncadd.s32 $0xFFFFFFFF  }
0xb6: {  	_ =	strace $0x9000004E  }
0xb7: {  	_ =	sfence  }
0xb8: {  	s30 =	sld [smem:$0x0];
	_ =	sdelay $0x2  }
0xb9: {  	s31 =	sshll.u32 s1, $0xD;
	s1 =	sshrl.u32 s1, $0x2  }
0xba: {  	s3 =	sand.u32 $0x4000, s31;
	s1 =	sadd.s32 s1, s30  }
0xbb: {  	s0 =	sor.u32 s3, s0;
	s1 =	sshll.u32 s1, $0x11  }
0xbc: {  	s0 =	sor.u32 s1, s0  }
0xbd: {  	s0 =	sadd.s32 $0x8F2B, s0  }
0xbe: {  	[sflag:s0] =	ssyncadd.remote.s32 $0x1  }
0xbf: {  	_ =	sfence.sel $0xFFFF  }
0xc0: {  	[dreg:$0x0] =	wrdreg $0xFFFFFFFF;
	(pc) =	sbr.abs _section_cstart, $3  }
0xc1: {  	[dreg:$0x1] =	wrdreg $0xFFFFFFFF  }
0xc2: {  	_ =	task.clear_ibuf [dreg:s6], $0x2FFFF;
	_ =	strace $0x9FFFFFFF  }
0xc3: {  	(tm) =	ssettm $0x7FFFFFFF  }
tec
execute0_lowered:
.L_overlay_start_1:
0x0: {  	(tag) =	ssettag $0x1  }
0x1: {  	s0 =	rddreg [dreg:$0x0]  }
0x2: {  	s2 =	rddreg [dreg:$0x1]  }
0x3: {  	s1 =	srdreg.scid;
	s10 =	stileid.u32  }
0x4: {  	s3 =	rddreg [dreg:$0x2];
	s4 =	simm.s32 $0x0;
	s30 =	simm.s32 $0x7000  }
0x5: {  	s31 =	simm.s32 $0x1;
	s1 =	sand.u32 $0x1, s1;
	s7 =	smul.u32 $0x28000, s10  }
0x6: {  	s5 =	sshll.u32 s10, $0x1;
	[smem:$0x7FF] =	sst s4;
	s15 =	smul.u32 $0xA000, s10  }
0x7: {  	s5 =	sor.u32 s1, s5;
	s21 =	ssub.s32 $0x2, s1;
	s1 =	smul.u32 $0xA0000, s1  }
0x8: {  	s6 =	sadd.s32 $0x16C00, s0;
	_ =	strace $0x8000004D;
	s5 =	smul.u32 $0x2800, s5  }
0x9: {  	s9 =	sshrl.u32 s21, $0x1;
	s7 =	sshrl.u32 s7, $0x2;
	s24 =	sshrl.u32 s15, $0x3  }
0xa: {  	s25 =	sadd.s32 s15, s2;
	s11 =	sadd.s32 s15, s3;
	s10 =	sadd.s32 $0x4000, s15  }
0xb: {  	s29 =	sadd.s32 $0x8000, s15;
	s9 =	ssub.s32 s21, s9;
	[dreg:$0x6] =	wrdreg s25  }
0xc: {  	s13 =	sshrl.u32 s10, $0x3;
	s16 =	sshrl.u32 s29, $0x3;
	s28 =	sadd.s32 s29, s3  }
0xd: {  	s5 =	sshrl.u32 s5, $0x3;
	s26 =	smax.u32 s9, $0x1;
	s9 =	sadd.s32 $0x2000, s15  }
0xe: {  	s13 =	sadd.s32 s6, s13;
	s8 =	sadd.s32 s5, s0;
	s0 =	sadd.s32 $0x2AC00, s0  }
0xf: {  	s5 =	sadd.s32 s7, s2;
	[dreg:$0x7] =	wrdreg s26;
	s7 =	sadd.s32 s6, s24  }
0x10: {  	s12 =	sshrl.u32 s9, $0x3;
	s26 =	sadd.s32 $0x6000, s15;
	s15 =	sadd.s32 s1, s15  }
0x11: {  	s18 =	sadd.s32 s1, s9;
	s24 =	sadd.s32 s1, s10;
	s21 =	sadd.s32 s9, s3  }
0x12: {  	s22 =	sadd.s32 $0x2C00, s8;
	s23 =	sadd.s32 $0xCC00, s8;
	[dreg:$0x8] =	wrdreg s7  }
0x13: {  	s12 =	sadd.s32 s6, s12;
	s14 =	sshrl.u32 s26, $0x3;
	s17 =	sshrl.u32 s15, $0x3  }
0x14: {  	s15 =	sadd.s32 s6, s16;
	s25 =	sadd.s32 s1, s26;
	[dreg:$0x4] =	wrdreg s22  }
0x15: {  	s1 =	sadd.s32 s1, s29;
	s29 =	sadd.s32 s29, s2;
	[dreg:$0x5] =	wrdreg s23  }
0x16: {  	s14 =	sadd.s32 s6, s14;
	s16 =	sadd.s32 s0, s17;
	s23 =	sshrl.u32 s18, $0x3  }
0x17: {  	s6 =	sshrl.u32 s24, $0x3;
	s19 =	sshrl.u32 s25, $0x3;
	s1 =	sshrl.u32 s1, $0x3  }
0x18: {  	s22 =	sadd.s32 s9, s2;
	s24 =	sadd.s32 s10, s2;
	s25 =	sadd.s32 s26, s3  }
0x19: {  	s26 =	sadd.s32 s26, s2;
	s17 =	sadd.s32 s0, s23;
	s18 =	sadd.s32 s0, s6  }
0x1a: {  	s19 =	sadd.s32 s0, s19;
	s20 =	sadd.s32 s0, s1;
	s23 =	sadd.s32 s10, s3  }
0x1b: {  	v0 =	vimm.f32 $0.0e+00;
	s1 =	simm.s32 $0x5000;
	s0 =	simm.s32 $0x80;
	s6 =	simm.s32 $0x0  }
.LBB2_1:
0x1c: {  	[tilespmem:$0x7000] =	vst v0  }
0x1d: {  	[tilespmem:$0x7010] =	vst v0  }
0x1e: {  	[tilespmem:$0x7020] =	vst v0  }
0x1f: {  	[tilespmem:$0x7030] =	vst v0  }
0x20: {  	[tilespmem:$0x7040] =	vst v0  }
0x21: {  	[tilespmem:$0x7050] =	vst v0  }
0x22: {  	[tilespmem:$0x7060] =	vst v0  }
0x23: {  	[tilespmem:$0x7070] =	vst v0  }
0x24: {  	[tilespmem:$0x7080] =	vst v0  }
0x25: {  	[tilespmem:$0x7090] =	vst v0  }
0x26: {  	[tilespmem:$0x70A0] =	vst v0  }
0x27: {  	[tilespmem:$0x70B0] =	vst v0  }
0x28: {  	[tilespmem:$0x70C0] =	vst v0  }
0x29: {  	[tilespmem:$0x70D0] =	vst v0  }
0x2a: {  	[tilespmem:$0x70E0] =	vst v0  }
0x2b: {  	[tilespmem:$0x70F0] =	vst v0  }
0x2c: {  	[tilespmem:$0x7100] =	vst v0  }
0x2d: {  	[tilespmem:$0x7110] =	vst v0  }
0x2e: {  	[tilespmem:$0x7120] =	vst v0  }
0x2f: {  	[tilespmem:$0x7130] =	vst v0  }
0x30: {  	[tilespmem:$0x7140] =	vst v0  }
0x31: {  	[tilespmem:$0x7150] =	vst v0  }
0x32: {  	[tilespmem:$0x7160] =	vst v0  }
0x33: {  	[tilespmem:$0x7170] =	vst v0  }
0x34: {  	[tilespmem:$0x7180] =	vst v0  }
0x35: {  	[tilespmem:$0x7190] =	vst v0  }
0x36: {  	[tilespmem:$0x71A0] =	vst v0  }
0x37: {  	[tilespmem:$0x71B0] =	vst v0  }
0x38: {  	[tilespmem:$0x71C0] =	vst v0  }
0x39: {  	[tilespmem:$0x71D0] =	vst v0  }
0x3a: {  	[tilespmem:$0x71E0] =	vst v0  }
0x3b: {  	[tilespmem:$0x71F0] =	vst v0  }
0x3c: {  	[tilespmem:$0x7200] =	vst v0  }
0x3d: {  	[tilespmem:$0x7210] =	vst v0  }
0x3e: {  	[tilespmem:$0x7220] =	vst v0  }
0x3f: {  	[tilespmem:$0x7230] =	vst v0  }
0x40: {  	[tilespmem:$0x7240] =	vst v0  }
0x41: {  	[tilespmem:$0x7250] =	vst v0  }
0x42: {  	[tilespmem:$0x7260] =	vst v0  }
0x43: {  	[tilespmem:$0x7270] =	vst v0  }
0x44: {  	[tilespmem:$0x7280] =	vst v0  }
0x45: {  	[tilespmem:$0x7290] =	vst v0  }
0x46: {  	[tilespmem:$0x72A0] =	vst v0  }
0x47: {  	[tilespmem:$0x72B0] =	vst v0  }
0x48: {  	[tilespmem:$0x72C0] =	vst v0  }
0x49: {  	[tilespmem:$0x72D0] =	vst v0  }
0x4a: {  	[tilespmem:$0x72E0] =	vst v0  }
0x4b: {  	[tilespmem:$0x72F0] =	vst v0  }
0x4c: {  	[tilespmem:$0x7300] =	vst v0  }
0x4d: {  	[tilespmem:$0x7310] =	vst v0  }
0x4e: {  	[tilespmem:$0x7320] =	vst v0  }
0x4f: {  	[tilespmem:$0x7330] =	vst v0  }
0x50: {  	[tilespmem:$0x7340] =	vst v0  }
0x51: {  	[tilespmem:$0x7350] =	vst v0  }
0x52: {  	[tilespmem:$0x7360] =	vst v0  }
0x53: {  	[tilespmem:$0x7370] =	vst v0  }
0x54: {  	[tilespmem:$0x7380] =	vst v0  }
0x55: {  	[tilespmem:$0x7390] =	vst v0  }
0x56: {  	[tilespmem:$0x73A0] =	vst v0  }
0x57: {  	[tilespmem:$0x73B0] =	vst v0  }
0x58: {  	[tilespmem:$0x73C0] =	vst v0  }
0x59: {  	[tilespmem:$0x73D0] =	vst v0  }
0x5a: {  	[tilespmem:$0x73E0] =	vst v0  }
0x5b: {  	[tilespmem:$0x73F0] =	vst v0;
	s7 =	sadd.s32 $0x0, s5  }
0x5c: {  	[spmem:s7] =	stream.linear.scatter [tilespmem:s30], [sflag:$0x1], $0x400, $0x38;
	[tilespmem:$0x1B400] =	vst v63  }
0x5d: {  	s7 =	simm.s32 $0x1000;
	_ =	swait.ge [sflag:s31], $0x400  }
.LBB2_2:
0x5e: {  	s8 =	sshra.s32 s7, $0x2;
	[sflag:s31] =	ssyncset.done $0x0;
	p0 =	seq.s32 s7, $0x27000  }
.Ltmp0:
0x5f: {  	s8 =	sadd.s32 s8, s5;
	[sflag:s31] =	ssyncadd.s32 $0xFFFFFC00;
	(pc) =	sbr.rel @!p0 .LBB2_2-.Ltmp0, $3  }
0x60: {  	[spmem:s8] =	stream.linear.scatter [tilespmem:s30], [sflag:$0x1], $0x400, $0x38;
	[tilespmem:$0x1B400] =	vst v63  }
0x61: {  	s7 =	sadd.s32 $0x1000, s7;
	_ =	sdelay $0x1  }
0x62: {  	_ =	swait.ge [sflag:s31], $0x400  }
0x63: {  	[sflag:s31] =	ssyncset.done $0x0  }
0x64: {  	s7 =	simm.s32 $0x0;
	s8 =	rddreg [dreg:$0x8];
	[sflag:s31] =	ssyncadd.s32 $0xFFFFFC00  }
0x65: {  	[tilespmem:s1], [sflag:$0x1] =	stream.linear.gather [hbm4b:s8+s7], $0x2000, $0x38;
	[tilespmem:$0x1B400] =	vst v63  }
0x66: {  	_ =	swait.ge [sflag:s31], $0x2000  }
0x67: {  	[sflag:s31] =	ssyncset.done $0x0  }
0x68: {  	[sflag:s31] =	ssyncadd.s32 $0xFFFFE000  }
0x69: {  	[spmem:s11] =	stream.linear.scatter [tilespmem:s1], [sflag:$0x1], $0x2000, $0x38;
	[tilespmem:$0x1B400] =	vst v63  }
0x6a: {  	_ =	swait.ge [sflag:s31], $0x2000  }
0x6b: {  	[sflag:s31] =	ssyncset.done $0x0  }
0x6c: {  	[sflag:s31] =	ssyncadd.s32 $0xFFFFE000  }
0x6d: {  	[tilespmem:s1], [sflag:$0x1] =	stream.linear.gather [hbm4b:s12+s7], $0x2000, $0x38;
	[tilespmem:$0x1B400] =	vst v63  }
0x6e: {  	_ =	swait.ge [sflag:s31], $0x2000  }
0x6f: {  	[sflag:s31] =	ssyncset.done $0x0  }
0x70: {  	[sflag:s31] =	ssyncadd.s32 $0xFFFFE000  }
0x71: {  	[spmem:s21] =	stream.linear.scatter [tilespmem:s1], [sflag:$0x1], $0x2000, $0x38;
	[tilespmem:$0x1B400] =	vst v63  }
0x72: {  	_ =	swait.ge [sflag:s31], $0x2000  }
0x73: {  	[sflag:s31] =	ssyncset.done $0x0  }
0x74: {  	[sflag:s31] =	ssyncadd.s32 $0xFFFFE000  }
0x75: {  	[tilespmem:s1], [sflag:$0x1] =	stream.linear.gather [hbm4b:s13+s7], $0x2000, $0x38;
	[tilespmem:$0x1B400] =	vst v63  }
0x76: {  	_ =	swait.ge [sflag:s31], $0x2000  }
0x77: {  	[sflag:s31] =	ssyncset.done $0x0  }
0x78: {  	[sflag:s31] =	ssyncadd.s32 $0xFFFFE000  }
0x79: {  	[spmem:s23] =	stream.linear.scatter [tilespmem:s1], [sflag:$0x1], $0x2000, $0x38;
	[tilespmem:$0x1B400] =	vst v63  }
0x7a: {  	_ =	swait.ge [sflag:s31], $0x2000  }
0x7b: {  	[sflag:s31] =	ssyncset.done $0x0  }
0x7c: {  	[sflag:s31] =	ssyncadd.s32 $0xFFFFE000  }
0x7d: {  	[tilespmem:s1], [sflag:$0x1] =	stream.linear.gather [hbm4b:s14+s7], $0x2000, $0x38;
	[tilespmem:$0x1B400] =	vst v63  }
0x7e: {  	_ =	swait.ge [sflag:s31], $0x2000  }
0x7f: {  	[sflag:s31] =	ssyncset.done $0x0  }
0x80: {  	[sflag:s31] =	ssyncadd.s32 $0xFFFFE000  }
0x81: {  	[spmem:s25] =	stream.linear.scatter [tilespmem:s1], [sflag:$0x1], $0x2000, $0x38;
	[tilespmem:$0x1B400] =	vst v63  }
0x82: {  	_ =	swait.ge [sflag:s31], $0x2000  }
0x83: {  	[sflag:s31] =	ssyncset.done $0x0  }
0x84: {  	[sflag:s31] =	ssyncadd.s32 $0xFFFFE000  }
0x85: {  	[tilespmem:s1], [sflag:$0x1] =	stream.linear.gather [hbm4b:s15+s7], $0x2000, $0x38;
	[tilespmem:$0x1B400] =	vst v63  }
0x86: {  	_ =	swait.ge [sflag:s31], $0x2000  }
0x87: {  	[sflag:s31] =	ssyncset.done $0x0  }
0x88: {  	[sflag:s31] =	ssyncadd.s32 $0xFFFFE000  }
0x89: {  	[spmem:s28] =	stream.linear.scatter [tilespmem:s1], [sflag:$0x1], $0x2000, $0x38;
	[tilespmem:$0x1B400] =	vst v63  }
0x8a: {  	_ =	swait.ge [sflag:s31], $0x2000  }
0x8b: {  	[sflag:s31] =	ssyncset.done $0x0  }
0x8c: {  	[sflag:s31] =	ssyncadd.s32 $0xFFFFE000  }
0x8d: {  	[bflag:$0x0] =	sbarrier.arrive $0xFFFF  }
0x8e: {  	s9 =	rddreg [dreg:$0x4]  }
0x8f: {  	[tilespmem:s7], [sflag:$0x1] =	stream.linear.gather [hbm4b:s9+s7], $0x2800, $0x38;
	[tilespmem:$0x1B400] =	vst v63  }
0x90: {  	_ =	swait.ge [sflag:s31], $0x2800  }
0x91: {  	[sflag:s31] =	ssyncset.done $0x0  }
0x92: {  	s9 =	simm.s32 $0x2800;
	s10 =	rddreg [dreg:$0x5];
	[sflag:s31] =	ssyncadd.s32 $0xFFFFD800  }
0x93: {  	[tilespmem:s9], [sflag:$0x1] =	stream.linear.gather [hbm4b:s10+s7], $0x2800, $0x38;
	[tilespmem:$0x1B400] =	vst v63  }
0x94: {  	_ =	swait.ge [sflag:s31], $0x2800  }
0x95: {  	[sflag:s31] =	ssyncset.done $0x0  }
0x96: {  	s9 =	simm.s32 $0x0;
	[sflag:s31] =	ssyncadd.s32 $0xFFFFD800  }
0x97: {  	[tilespmem:s1], [sflag:$0x1] =	stream.indirect.gather [spmem:s3], $0x40, s9, s0, $0xb8;
	[tilespmem:$0x1B400] =	vst v63  }
0x98: {  	_ =	swait.ge [sflag:s31], $0x2000  }
0x99: {  	[sflag:s31] =	ssyncset.done $0x0  }
0x9a: {  	s10 =	simm.s32 $0x2800;
	[sflag:s31] =	ssyncadd.s32 $0xFFFFE000  }
0x9b: {  	[spmem:s2] =	stream.indirect.scatter.add.f32 [tilespmem:s1], [sflag:$0x1], $0x40, s10, s0, $0xb8;
	[tilespmem:$0x1B400] =	vst v63  }
0x9c: {  	_ =	swait.ge [sflag:s31], $0x2000  }
0x9d: {  	s8 =	simm.s32 $0x400;
	s7 =	simm.s32 $0x200;
	[sflag:s31] =	ssyncset.done $0x0  }
.LBB2_4:
0x9e: {  	s9 =	sshra.s32 s7, $0x2  }
0x9f: {  	[sflag:s31] =	ssyncadd.s32 $0xFFFFE000;
	s7 =	smov.u32 s8;
	s10 =	sadd.s32 $0x200, s8  }
0xa0: {  	[tilespmem:s1], [sflag:$0x1] =	stream.indirect.gather [spmem:s3], $0x40, s9, s0, $0xb8;
	[tilespmem:$0x1B400] =	vst v63  }
0xa1: {  	p0 =	sne.s32 s8, $0x9E00;
	_ =	swait.ge [sflag:s31], $0x2000  }
.Ltmp1:
0xa2: {  	[sflag:s31] =	ssyncset.done $0x0;
	(pc) =	sbr.rel @p0 .LBB2_4-.Ltmp1, $4  }
0xa3: {  	s8 =	sadd.s32 $0x2800, s9;
	[sflag:s31] =	ssyncadd.s32 $0xFFFFE000  }
0xa4: {  	[spmem:s2] =	stream.indirect.scatter.add.f32 [tilespmem:s1], [sflag:$0x1], $0x40, s8, s0, $0xb8;
	[tilespmem:$0x1B400] =	vst v63  }
0xa5: {  	_ =	swait.ge [sflag:s31], $0x2000  }
0xa6: {  	s8 =	smov.u32 s10;
	[sflag:s31] =	ssyncset.done $0x0  }
0xa7: {  	s7 =	sshra.s32 s7, $0x2;
	[sflag:s31] =	ssyncadd.s32 $0xFFFFE000  }
0xa8: {  	[tilespmem:s1], [sflag:$0x1] =	stream.indirect.gather [spmem:s3], $0x40, s7, s0, $0xb8;
	[tilespmem:$0x1B400] =	vst v63  }
0xa9: {  	_ =	swait.ge [sflag:s31], $0x2000  }
0xaa: {  	[sflag:s31] =	ssyncset.done $0x0  }
0xab: {  	s7 =	sadd.s32 $0x2800, s7;
	[sflag:s31] =	ssyncadd.s32 $0xFFFFE000  }
0xac: {  	[spmem:s2] =	stream.indirect.scatter.add.f32 [tilespmem:s1], [sflag:$0x1], $0x40, s7, s0, $0xb8;
	[tilespmem:$0x1B400] =	vst v63  }
0xad: {  	_ =	swait.ge [sflag:s31], $0x2000  }
0xae: {  	[sflag:s31] =	ssyncset.done $0x0  }
0xaf: {  	[sflag:s31] =	ssyncadd.s32 $0xFFFFE000  }
0xb0: {  	[bflag:$0x0] =	sbarrier.arrive $0xFFFF  }
0xb1: {  	s9 =	rddreg [dreg:$0x6]  }
0xb2: {  	[tilespmem:s1], [sflag:$0x1] =	stream.linear.gather [spmem:s9], $0x2000, $0x38;
	[tilespmem:$0x1B400] =	vst v63  }
0xb3: {  	_ =	swait.ge [sflag:s31], $0x2000  }
0xb4: {  	[sflag:s31] =	ssyncset.done $0x0  }
0xb5: {  	[sflag:s31] =	ssyncadd.s32 $0xFFFFE000  }
0xb6: {  	[hbm4b:s16+s4] =	stream.linear.scatter [tilespmem:s1], [sflag:$0x1], $0x2000, $0x38;
	[tilespmem:$0x1B400] =	vst v63  }
0xb7: {  	_ =	swait.ge [sflag:s31], $0x2000  }
0xb8: {  	[sflag:s31] =	ssyncset.done $0x0  }
0xb9: {  	[sflag:s31] =	ssyncadd.s32 $0xFFFFE000  }
0xba: {  	[tilespmem:s1], [sflag:$0x1] =	stream.linear.gather [spmem:s22], $0x2000, $0x38;
	[tilespmem:$0x1B400] =	vst v63  }
0xbb: {  	_ =	swait.ge [sflag:s31], $0x2000  }
0xbc: {  	[sflag:s31] =	ssyncset.done $0x0  }
0xbd: {  	[sflag:s31] =	ssyncadd.s32 $0xFFFFE000  }
0xbe: {  	[hbm4b:s17+s4] =	stream.linear.scatter [tilespmem:s1], [sflag:$0x1], $0x2000, $0x38;
	[tilespmem:$0x1B400] =	vst v63  }
0xbf: {  	_ =	swait.ge [sflag:s31], $0x2000  }
0xc0: {  	[sflag:s31] =	ssyncset.done $0x0  }
0xc1: {  	[sflag:s31] =	ssyncadd.s32 $0xFFFFE000  }
0xc2: {  	[tilespmem:s1], [sflag:$0x1] =	stream.linear.gather [spmem:s24], $0x2000, $0x38;
	[tilespmem:$0x1B400] =	vst v63  }
0xc3: {  	_ =	swait.ge [sflag:s31], $0x2000  }
0xc4: {  	[sflag:s31] =	ssyncset.done $0x0  }
0xc5: {  	[sflag:s31] =	ssyncadd.s32 $0xFFFFE000  }
0xc6: {  	[hbm4b:s18+s4] =	stream.linear.scatter [tilespmem:s1], [sflag:$0x1], $0x2000, $0x38;
	[tilespmem:$0x1B400] =	vst v63  }
0xc7: {  	_ =	swait.ge [sflag:s31], $0x2000  }
0xc8: {  	[sflag:s31] =	ssyncset.done $0x0  }
0xc9: {  	[sflag:s31] =	ssyncadd.s32 $0xFFFFE000  }
0xca: {  	[tilespmem:s1], [sflag:$0x1] =	stream.linear.gather [spmem:s26], $0x2000, $0x38;
	[tilespmem:$0x1B400] =	vst v63  }
0xcb: {  	_ =	swait.ge [sflag:s31], $0x2000  }
0xcc: {  	[sflag:s31] =	ssyncset.done $0x0  }
0xcd: {  	[sflag:s31] =	ssyncadd.s32 $0xFFFFE000  }
0xce: {  	[hbm4b:s19+s4] =	stream.linear.scatter [tilespmem:s1], [sflag:$0x1], $0x2000, $0x38;
	[tilespmem:$0x1B400] =	vst v63  }
0xcf: {  	_ =	swait.ge [sflag:s31], $0x2000  }
0xd0: {  	[sflag:s31] =	ssyncset.done $0x0  }
0xd1: {  	[sflag:s31] =	ssyncadd.s32 $0xFFFFE000  }
0xd2: {  	[tilespmem:s1], [sflag:$0x1] =	stream.linear.gather [spmem:s29], $0x2000, $0x38;
	[tilespmem:$0x1B400] =	vst v63  }
0xd3: {  	_ =	swait.ge [sflag:s31], $0x2000  }
0xd4: {  	[sflag:s31] =	ssyncset.done $0x0  }
0xd5: {  	[sflag:s31] =	ssyncadd.s32 $0xFFFFE000  }
0xd6: {  	[hbm4b:s20+s4] =	stream.linear.scatter [tilespmem:s1], [sflag:$0x1], $0x2000, $0x38;
	[tilespmem:$0x1B400] =	vst v63  }
0xd7: {  	_ =	swait.ge [sflag:s31], $0x2000  }
0xd8: {  	s6 =	sadd.s32 $0x1, s6;
	s10 =	rddreg [dreg:$0x7]  }
0xd9: {  	p0 =	sne.s32 s6, s10  }
.Ltmp2:
0xda: {  	_ = 	snop;
	(pc) =	sbr.rel @p0 .LBB2_1-.Ltmp2, $3  }
0xdb: {  	_ =	sdelay $0x1  }
0xdc: {  	[sflag:s31] =	ssyncset.done $0x0  }
0xdd: {  	[sflag:s31] =	ssyncadd.s32 $0xFFFFE000  }
0xde: {  	_ =	sfence.sel $0x180000  }
0xdf: {  	[bflag:$0x0] =	sbarrier.arrive $0xFFFF  }
0xe0: {  	_ =	strace $0x9000004D  }
0xe1: {  	s0 =	stileid.u32;
	[bflag:$0x2] =	sbarrier.arrive $0xFFFF  }
0xe2: {  	p0 =	sne.s32 s0, $0x0;
	s0 =	rddreg [dreg:$0x3]  }
0xe3: {  	s0 =	sadd.s32 @!p0 $0x100000, s0  }
0xe4: {  	[sflag:s0] =	ssyncadd.tile.s32 @!p0 $0x1;
	_ =	shalt  }
.Lfunc_end2:
_tile_overlayer_lowered:
.L_overlay_start_2:
0xe5: {  	(tag) =	ssettag $0x2  }
0xe6: {  	s0 =	rddreg [dreg:$0x0];
	s2 =	stileid.u32  }
0xe7: {  	s1 =	rddreg [dreg:$0x1];
	p0 =	sne.s32 s2, $0x0  }
0xe8: {  	s3 =	rddreg [dreg:$0x2];
	[bflag:$0x3] =	sbarrier.arrive $0xFFFF;
	s2 =	simm.s32 @!p0 $0x1C01  }
0xe9: {  	[timem:s3], [sflag:s2] =	dma.local @!p0 [hbm:s0], s1  }
0xea: {  	s0 =	simm.s32 @!p0 $0x1  }
0xeb: {  	_ =	swait.ge @!p0 [sflag:s0], s1  }
0xec: {  	s1 =	ssub.s32 @!p0 $0x0, s1;
	[sflag:s0] =	ssyncset.done @!p0 $0x0  }
0xed: {  	[sflag:s0] =	ssyncadd.s32 @!p0 s1  }
0xee: {  	[bflag:$0x3] =	sbarrier.arrive $0xFFFF  }
0xef: {  	_ =	shalt  }

</sc_bundles>
